<compile_context>
chip_gen: v7x
topology: tpu7x:2x2x1
jax: 0.10.2.dev20260603
libtpu: 0.0.44.dev20260713+nightly
codegen_flags: <defaults>
</compile_context>

<pallas_src>
import functools

import jax
import jax.numpy as jnp
from jax import lax
from jax.experimental import pallas as pl
from jax.experimental.pallas import tpu as pltpu
from jax.experimental.pallas import tpu_sc as plsc

N = 10000
NP = 10112
E = 320000
D = 128
NC = 2
NS = 16
NW = NC * NS
CH = 128
NCH = 80
G = 4
NG = NCH // G
NIT = NCH // 8
EPW = CH * NCH
EW = E // NW
RPT = NP // NS

_mesh = plsc.VectorSubcoreMesh(core_axis_name="c", subcore_axis_name="s")


@functools.partial(
    pl.kernel,
    mesh=_mesh,
    out_type=jax.ShapeDtypeStruct((NC, NP, D), jnp.float32),
    scratch_types=[
        pltpu.VMEM((NCH, CH), jnp.int32),
        pltpu.VMEM((CH, D), jnp.float32),
        pltpu.VMEM_SHARED((NP, D), jnp.float32),
        pltpu.SemaphoreType.DMA,
    ],
)
def _sc_deg(dst_hbm, z128_hbm, ones_hbm,
            d_out,
            dst_v, ones_v, deg_sh, sem):
    c = lax.axis_index("c")
    s = lax.axis_index("s")
    w = c * NS + s

    pltpu.sync_copy(dst_hbm.at[w], dst_v)
    pltpu.sync_copy(z128_hbm.at[pl.ds(s * RPT, RPT)], deg_sh.at[pl.ds(s * RPT, RPT)])
    pltpu.sync_copy(ones_hbm, ones_v)

    plsc.subcore_barrier()

    K = 8

    def _chunk(j, carry):
        pltpu.async_copy(ones_v, deg_sh.at[dst_v.at[j]], sem, add=True)

        @pl.when(j >= K)
        def _():
            pltpu.make_async_copy(ones_v, deg_sh.at[dst_v.at[0]], sem).wait()
        return carry
    lax.fori_loop(0, NCH, _chunk, 0)
    for _ in range(K):
        pltpu.make_async_copy(ones_v, deg_sh.at[dst_v.at[0]], sem).wait()

    plsc.subcore_barrier()

    pltpu.sync_copy(deg_sh.at[pl.ds(s * RPT, RPT)], d_out.at[c, pl.ds(s * RPT, RPT)])


@functools.partial(
    pl.kernel,
    mesh=_mesh,
    out_type=jax.ShapeDtypeStruct((NC, NP, D), jnp.float32),
    scratch_types=[
        pltpu.VMEM((NCH, CH), jnp.int32),
        pltpu.VMEM((G, CH), jnp.int32),
        pltpu.VMEM((G, CH), jnp.int32),
        pltpu.VMEM((CH, D), jnp.float32),
        pltpu.VMEM((CH, D), jnp.float32),
        pltpu.VMEM_SHARED((NP, D), jnp.float32),
        pltpu.SemaphoreType.DMA,
        pltpu.SemaphoreType.DMA,
        pltpu.SemaphoreType.DMA,
        pltpu.SemaphoreType.DMA,
        pltpu.SemaphoreType.DMA,
        pltpu.SemaphoreType.DMA,
    ],
)
def _sc_agg(x_hbm, src_hbm, dstg_hbm, z128_hbm,
            p_out,
            src_v, dstg_a, dstg_b, rows_a, rows_b, acc_sh,
            sem_ga, sem_gb, sem_da, sem_db, sem_sa, sem_sb):
    c = lax.axis_index("c")
    s = lax.axis_index("s")
    w = c * NS + s

    pltpu.sync_copy(src_hbm.at[w], src_v)
    pltpu.async_copy(dstg_hbm.at[w, 0], dstg_a, sem_da)
    pltpu.sync_copy(z128_hbm.at[pl.ds(s * RPT, RPT)], acc_sh.at[pl.ds(s * RPT, RPT)])

    plsc.subcore_barrier()

    rows = (rows_a, rows_b)
    sems = (sem_ga, sem_gb)
    ssems = (sem_sa, sem_sb)

    pltpu.async_copy(x_hbm.at[src_v.at[0, pl.ds(0, 64)]], rows_a.at[pl.ds(0, 64)], sem_ga)
    pltpu.async_copy(x_hbm.at[src_v.at[0, pl.ds(64, 64)]], rows_a.at[pl.ds(64, 64)], sem_ga)

    def _iter(i, carry):
        k0 = 8 * i
        pltpu.make_async_copy(dstg_hbm.at[w, 0], dstg_a, sem_da).wait()
        for t in range(8):
            k = k0 + t
            rb, sg, ss = rows[t % 2], sems[t % 2], ssems[t % 2]
            nrb, nsg, nss = rows[(t + 1) % 2], sems[(t + 1) % 2], ssems[(t + 1) % 2]
            pltpu.make_async_copy(x_hbm.at[src_v.at[k]], rb, sg).wait()
            if t == 0:
                @pl.when(i > 0)
                def _():
                    pltpu.make_async_copy(rows_b, acc_sh.at[dstg_a.at[0]], nss).wait()
                pltpu.async_copy(dstg_hbm.at[w, 2 * i + 1], dstg_b, sem_db)
            else:
                pltpu.make_async_copy(nrb, acc_sh.at[dstg_a.at[0]], nss).wait()
            if t < 7:
                pltpu.async_copy(x_hbm.at[src_v.at[k + 1, pl.ds(0, 64)]],
                                 nrb.at[pl.ds(0, 64)], nsg)
                pltpu.async_copy(x_hbm.at[src_v.at[k + 1, pl.ds(64, 64)]],
                                 nrb.at[pl.ds(64, 64)], nsg)
            else:
                @pl.when(i < NIT - 1)
                def _():
                    pltpu.async_copy(x_hbm.at[src_v.at[k + 1, pl.ds(0, 64)]],
                                     nrb.at[pl.ds(0, 64)], nsg)
                    pltpu.async_copy(x_hbm.at[src_v.at[k + 1, pl.ds(64, 64)]],
                                     nrb.at[pl.ds(64, 64)], nsg)
            if t == 4:
                pltpu.make_async_copy(dstg_hbm.at[w, 0], dstg_b, sem_db).wait()
            dref = dstg_a.at[t] if t < 4 else dstg_b.at[t - 4]
            pltpu.async_copy(rb, acc_sh.at[dref], sem=ss, add=True)

        @pl.when(i < NIT - 1)
        def _():
            pltpu.async_copy(dstg_hbm.at[w, 2 * i + 2], dstg_a, sem_da)
        return carry
    lax.fori_loop(0, NIT, _iter, 0)

    pltpu.make_async_copy(rows_b, acc_sh.at[dstg_a.at[0]], sem_sb).wait()

    plsc.subcore_barrier()

    pltpu.sync_copy(acc_sh.at[pl.ds(s * RPT, RPT)], p_out.at[c, pl.ds(s * RPT, RPT)])


def _tc_dense(x, p, dp, W_self, W_neigh, b, relu):
    BR = NP // 4

    def body(x_ref, p0_ref, p1_ref, d0_ref, d1_ref, ws_ref, wn_ref, b_ref, o_ref):
        deg = d0_ref[0][:, 0:1] + d1_ref[0][:, 0:1]
        recip = 1.0 / jnp.maximum(deg, 1.0)
        hn = (p0_ref[0] + p1_ref[0]) * recip
        acc = jnp.dot(x_ref[...], ws_ref[...], preferred_element_type=jnp.float32)
        acc = acc + jnp.dot(hn, wn_ref[...], preferred_element_type=jnp.float32)
        acc = acc + b_ref[...]
        if relu:
            acc = jnp.maximum(acc, 0.0)
        o_ref[...] = acc

    return pl.pallas_call(
        body,
        grid=(NP // BR,),
        in_specs=[
            pl.BlockSpec((BR, D), lambda i: (i, 0)),
            pl.BlockSpec((1, BR, D), lambda i: (0, i, 0)),
            pl.BlockSpec((1, BR, D), lambda i: (1, i, 0)),
            pl.BlockSpec((1, BR, D), lambda i: (0, i, 0)),
            pl.BlockSpec((1, BR, D), lambda i: (1, i, 0)),
            pl.BlockSpec((D, D), lambda i: (0, 0)),
            pl.BlockSpec((D, D), lambda i: (0, 0)),
            pl.BlockSpec((1, D), lambda i: (0, 0)),
        ],
        out_specs=pl.BlockSpec((BR, D), lambda i: (i, 0)),
        out_shape=jax.ShapeDtypeStruct((N, D), jnp.float32),
    )(x, p, p, dp, dp, W_self, W_neigh, b.reshape(1, D))


def kernel(features, edge_index, W_self1, W_neigh1, b1, W_self2, W_neigh2, b2):
    src = edge_index[0].reshape(NW, EW)
    dst = edge_index[1].reshape(NW, EW)
    npad = EPW - EW
    pad_src = jnp.broadcast_to((jnp.arange(npad, dtype=jnp.int32) * 89) % N, (NW, npad))
    pad_dst = jnp.broadcast_to(N + (jnp.arange(npad, dtype=jnp.int32) % (NP - N)), (NW, npad))
    src_b = jnp.concatenate([src, pad_src], axis=1).reshape(NW, NCH, CH)
    dst_b = jnp.concatenate([dst, pad_dst], axis=1).reshape(NW, NCH, CH)
    dst_g = dst_b.reshape(NW, NG, G, CH)

    z128 = jnp.zeros((NP, D), jnp.float32)
    ones128 = jnp.ones((CH, D), jnp.float32)

    dp = _sc_deg(dst_b, z128, ones128)
    p = _sc_agg(features, src_b, dst_g, z128)
    h = _tc_dense(features, p, dp, W_self1, W_neigh1, b1, relu=True)
    p2 = _sc_agg(h, src_b, dst_g, z128)
    return _tc_dense(h, p2, dp, W_self2, W_neigh2, b2, relu=False)

# --- scband reference (transcript-rebuilt; emitter-appended) ---
"""Pipeline reference for scband-graph-sage-6416681141170 (READ-ONLY COPY).

The authoritative reference and input builder live on the scoring server;
editing this copy changes nothing except your own understanding.
"""

import jax, jax.numpy as jnp
import numpy as np

N_NODES = 10000
N_EDGES = 320000
D_IN = 128
D_HID = 128
D_OUT = 128


def setup_inputs(seed: int = 0) -> dict:
    key = jax.random.key(seed)
    ks = jax.random.split(key, 9)
    features = jax.random.normal(ks[0], (N_NODES, D_IN), dtype=jnp.float32)
    edge_index = jax.random.randint(ks[1], (2, N_EDGES), 0, N_NODES, dtype=jnp.int64 if jax.config.jax_enable_x64 else jnp.int32).astype(jnp.int32)
    s1 = 1.0 / np.sqrt(D_IN)
    s2 = 1.0 / np.sqrt(D_HID)
    W_self1 = jax.random.uniform(ks[2], (D_IN, D_HID), minval=-s1, maxval=s1, dtype=jnp.float32)
    W_neigh1 = jax.random.uniform(ks[3], (D_IN, D_HID), minval=-s1, maxval=s1, dtype=jnp.float32)
    b1 = jnp.zeros((D_HID,), dtype=jnp.float32)
    W_self2 = jax.random.uniform(ks[4], (D_HID, D_OUT), minval=-s2, maxval=s2, dtype=jnp.float32)
    W_neigh2 = jax.random.uniform(ks[5], (D_HID, D_OUT), minval=-s2, maxval=s2, dtype=jnp.float32)
    b2 = jnp.zeros((D_OUT,), dtype=jnp.float32)
    return {"features": features, "edge_index": edge_index,
            "W_self1": W_self1, "W_neigh1": W_neigh1, "b1": b1,
            "W_self2": W_self2, "W_neigh2": W_neigh2, "b2": b2}


def _sage_conv(x, src, dst, W_self, W_neigh, b):
    # DGL SAGEConv with 'mean' aggregator:
    # h_neigh = mean_{u in N(v)} x_u ; out = x_v @ W_self + h_neigh @ W_neigh + b
    msg = jnp.take(x, src, axis=0)
    agg = jax.ops.segment_sum(msg, dst, num_segments=N_NODES)
    deg = jax.ops.segment_sum(jnp.ones((src.shape[0],), dtype=x.dtype), dst, num_segments=N_NODES)
    h_neigh = agg / jnp.clip(deg, 1.0, None)[:, None]
    return x @ W_self + h_neigh @ W_neigh + b


def reference(features, edge_index, W_self1, W_neigh1, b1, W_self2, W_neigh2, b2):
    src = edge_index[0]
    dst = edge_index[1]
    h = jax.nn.relu(_sage_conv(features, src, dst, W_self1, W_neigh1, b1))
    logits = _sage_conv(h, src, dst, W_self2, W_neigh2, b2)
    return logits

if __name__ == "__main__":
    import jax
    _d = setup_inputs()
    print(jax.jit(kernel)(*tuple(_d.values())))

</pallas_src>

<mosaic_0001>
#map = affine_map<(d0, d1) -> (0, 0)>
#map1 = affine_map<(d0, d1) -> (0, 0, 0)>
#map2 = affine_map<(d0, d1) -> (0, 0, 0, 0)>
module attributes {stable_mosaic.version = 14 : i64} {
  func.func @_sc_agg(%arg0: i32, %arg1: i32, %arg2: memref<10000x128xf32, #tpu.memory_space<hbm>>, %arg3: memref<32x80x128xi32, #tpu.memory_space<hbm>>, %arg4: memref<32x20x4x128xi32, #tpu.memory_space<hbm>>, %arg5: memref<10112x128xf32, #tpu.memory_space<hbm>>, %arg6: memref<2x10112x128xf32, #tpu.memory_space<hbm>>, %arg7: memref<80x128xi32, #tpu.memory_space<vmem>>, %arg8: memref<4x128xi32, #tpu.memory_space<vmem>>, %arg9: memref<4x128xi32, #tpu.memory_space<vmem>>, %arg10: memref<128x128xf32, #tpu.memory_space<vmem>>, %arg11: memref<128x128xf32, #tpu.memory_space<vmem>>, %arg12: memref<10112x128xf32, #tpu.memory_space<vmem_shared>>, %arg13: memref<!tpu.dma_semaphore, #tpu.memory_space<semaphore_mem>>, %arg14: memref<!tpu.dma_semaphore, #tpu.memory_space<semaphore_mem>>, %arg15: memref<!tpu.dma_semaphore, #tpu.memory_space<semaphore_mem>>, %arg16: memref<!tpu.dma_semaphore, #tpu.memory_space<semaphore_mem>>, %arg17: memref<!tpu.dma_semaphore, #tpu.memory_space<semaphore_mem>>, %arg18: memref<!tpu.dma_semaphore, #tpu.memory_space<semaphore_mem>>) attributes {dimension_semantics = [#tpu.dimension_semantics<core_parallel>, #tpu.dimension_semantics<subcore_parallel>], iteration_bounds = array<i64: 2, 16>, scalar_prefetch = 0 : i64, scratch_operands = 12 : i64, tpu.core_type = #tpu.core_type<sc_vector_subcore>, window_params = [{transform_indices = #map}, {transform_indices = #map1}, {transform_indices = #map2}, {transform_indices = #map}, {transform_indices = #map1}]} {
    %mul3A = arith.constant 16 : i32
    %mul3A_0 = arith.muli %arg0, %mul3A : i32
    %add3A = arith.addi %mul3A_0, %arg1 : i32
    "tpu.region"() ({
      %run_scoped3A = tpu.sem_alloc : memref<!tpu.dma_semaphore, #tpu.memory_space<semaphore_mem>>
      %dma_start3A_49 = arith.constant 0 : i32
      %dma_start3A_50 = arith.constant 0 : i32
      %dma_start3A_51 = tpu.memref_slice %arg3[%add3A, %dma_start3A_49, %dma_start3A_50] : memref<32x80x128xi32, #tpu.memory_space<hbm>> -> memref<1x80x128xi32, #tpu.memory_space<hbm>>
      %dma_start3A_52 = tpu.memref_squeeze %dma_start3A_51 : memref<1x80x128xi32, #tpu.memory_space<hbm>> -> memref<80x128xi32, #tpu.memory_space<hbm>>
      %dma_start3A_53 = arith.constant 0 : i32
      %dma_start3A_54 = arith.constant 0 : i32
      %dma_start3A_55 = tpu.memref_slice %arg3[%add3A, %dma_start3A_53, %dma_start3A_54] : memref<32x80x128xi32, #tpu.memory_space<hbm>> -> memref<1x80x128xi32, #tpu.memory_space<hbm>>
      %dma_start3A_56 = tpu.memref_squeeze %dma_start3A_55 : memref<1x80x128xi32, #tpu.memory_space<hbm>> -> memref<80x128xi32, #tpu.memory_space<hbm>>
      tpu.enqueue_dma source(%dma_start3A_56 : memref<80x128xi32, #tpu.memory_space<hbm>>) target(%arg7 : memref<80x128xi32, #tpu.memory_space<vmem>>) target_semaphore(%run_scoped3A : memref<!tpu.dma_semaphore, #tpu.memory_space<semaphore_mem>>)
      %dma_wait3A_57 = arith.constant 0 : i32
      %dma_wait3A_58 = arith.constant 0 : i32
      %dma_wait3A_59 = tpu.memref_slice %arg3[%add3A, %dma_wait3A_57, %dma_wait3A_58] : memref<32x80x128xi32, #tpu.memory_space<hbm>> -> memref<1x80x128xi32, #tpu.memory_space<hbm>>
      %dma_wait3A_60 = tpu.memref_squeeze %dma_wait3A_59 : memref<1x80x128xi32, #tpu.memory_space<hbm>> -> memref<80x128xi32, #tpu.memory_space<hbm>>
      %dma_wait3A_61 = arith.constant 0 : i32
      %dma_wait3A_62 = arith.constant 0 : i32
      %dma_wait3A_63 = tpu.memref_slice %arg3[%add3A, %dma_wait3A_61, %dma_wait3A_62] : memref<32x80x128xi32, #tpu.memory_space<hbm>> -> memref<1x80x128xi32, #tpu.memory_space<hbm>>
      %dma_wait3A_64 = tpu.memref_squeeze %dma_wait3A_63 : memref<1x80x128xi32, #tpu.memory_space<hbm>> -> memref<80x128xi32, #tpu.memory_space<hbm>>
      tpu.wait_dma2 semaphore(%run_scoped3A : memref<!tpu.dma_semaphore, #tpu.memory_space<semaphore_mem>>) src(%dma_wait3A_64 : memref<80x128xi32, #tpu.memory_space<hbm>>) dst(%arg7 : memref<80x128xi32, #tpu.memory_space<vmem>>)
      tpu.yield
    }) : () -> ()
    %dma_start3A = arith.constant 0 : i32
    %dma_start3A_1 = arith.constant 0 : i32
    %dma_start3A_2 = arith.constant 0 : i32
    %dma_start3A_3 = tpu.memref_slice %arg4[%add3A, %dma_start3A, %dma_start3A_1, %dma_start3A_2] : memref<32x20x4x128xi32, #tpu.memory_space<hbm>> -> memref<1x1x4x128xi32, #tpu.memory_space<hbm>>
    %dma_start3A_4 = tpu.memref_squeeze %dma_start3A_3 : memref<1x1x4x128xi32, #tpu.memory_space<hbm>> -> memref<4x128xi32, #tpu.memory_space<hbm>>
    %dma_start3A_5 = arith.constant 0 : i32
    %dma_start3A_6 = arith.constant 0 : i32
    %dma_start3A_7 = tpu.memref_slice %arg4[%add3A, %dma_start3A, %dma_start3A_5, %dma_start3A_6] : memref<32x20x4x128xi32, #tpu.memory_space<hbm>> -> memref<1x1x4x128xi32, #tpu.memory_space<hbm>>
    %dma_start3A_8 = tpu.memref_squeeze %dma_start3A_7 : memref<1x1x4x128xi32, #tpu.memory_space<hbm>> -> memref<4x128xi32, #tpu.memory_space<hbm>>
    tpu.enqueue_dma source(%dma_start3A_8 : memref<4x128xi32, #tpu.memory_space<hbm>>) target(%arg8 : memref<4x128xi32, #tpu.memory_space<vmem>>) target_semaphore(%arg15 : memref<!tpu.dma_semaphore, #tpu.memory_space<semaphore_mem>>)
    %mul3A_9 = arith.constant 632 : i32
    %mul3A_10 = arith.muli %arg1, %mul3A_9 : i32
    %mul3A_11 = arith.constant 632 : i32
    %mul3A_12 = arith.muli %arg1, %mul3A_11 : i32
    "tpu.region"() ({
      %run_scoped3A = tpu.sem_alloc : memref<!tpu.dma_semaphore, #tpu.memory_space<semaphore_mem>>
      %dma_start3A_49 = arith.constant 0 : i32
      %dma_start3A_50 = tpu.memref_slice %arg12[%mul3A_12, %dma_start3A_49] : memref<10112x128xf32, #tpu.memory_space<vmem_shared>> -> memref<632x128xf32, #tpu.memory_space<vmem_shared>>
      %dma_start3A_51 = arith.constant 0 : i32
      %dma_start3A_52 = tpu.memref_slice %arg5[%mul3A_10, %dma_start3A_51] : memref<10112x128xf32, #tpu.memory_space<hbm>> -> memref<632x128xf32, #tpu.memory_space<hbm>>
      tpu.enqueue_dma source(%dma_start3A_52 : memref<632x128xf32, #tpu.memory_space<hbm>>) target(%dma_start3A_50 : memref<632x128xf32, #tpu.memory_space<vmem_shared>>) target_semaphore(%run_scoped3A : memref<!tpu.dma_semaphore, #tpu.memory_space<semaphore_mem>>)
      %dma_wait3A_53 = arith.constant 0 : i32
      %dma_wait3A_54 = tpu.memref_slice %arg12[%mul3A_12, %dma_wait3A_53] : memref<10112x128xf32, #tpu.memory_space<vmem_shared>> -> memref<632x128xf32, #tpu.memory_space<vmem_shared>>
      %dma_wait3A_55 = arith.constant 0 : i32
      %dma_wait3A_56 = tpu.memref_slice %arg5[%mul3A_10, %dma_wait3A_55] : memref<10112x128xf32, #tpu.memory_space<hbm>> -> memref<632x128xf32, #tpu.memory_space<hbm>>
      tpu.wait_dma2 semaphore(%run_scoped3A : memref<!tpu.dma_semaphore, #tpu.memory_space<semaphore_mem>>) src(%dma_wait3A_56 : memref<632x128xf32, #tpu.memory_space<hbm>>) dst(%dma_wait3A_54 : memref<632x128xf32, #tpu.memory_space<vmem_shared>>)
      tpu.yield
    }) : () -> ()
    %barrier3A = arith.constant 0 : index
    tpu.barrier barrier_id(%barrier3A)
    %dma_start3A_13 = arith.constant 0 : i32
    %dma_start3A_14 = arith.constant 0 : i32
    %dma_start3A_15 = arith.constant 0 : i32
    %dma_start3A_16 = tpu.memref_slice %arg10[%dma_start3A_14, %dma_start3A_15] : memref<128x128xf32, #tpu.memory_space<vmem>> -> memref<64x128xf32, #tpu.memory_space<vmem>>
    %dma_start3A_17 = arith.constant 0 : i32
    %dma_start3A_18 = tpu.memref_slice %arg7[%dma_start3A_13, %dma_start3A_17] : memref<80x128xi32, #tpu.memory_space<vmem>> -> memref<1x64xi32, #tpu.memory_space<vmem>>
    %dma_start3A_19 = tpu.memref_squeeze %dma_start3A_18 : memref<1x64xi32, #tpu.memory_space<vmem>> -> memref<64xi32, #tpu.memory_space<vmem>>
    %dma_start3A_20 = arith.constant 0 : i32
    %dma_start3A_21 = arith.constant 0 : i32
    %dma_start3A_22 = tpu.memref_slice %arg2[%dma_start3A_20, %dma_start3A_21] : memref<10000x128xf32, #tpu.memory_space<hbm>> -> memref<10000x128xf32, #tpu.memory_space<hbm>>
    tpu.enqueue_indirect_dma source(%dma_start3A_22 : memref<10000x128xf32, #tpu.memory_space<hbm>>) target(%dma_start3A_16 : memref<64x128xf32, #tpu.memory_space<vmem>>) offsets(%dma_start3A_19 : memref<64xi32, #tpu.memory_space<vmem>>) semaphore(%arg13 : memref<!tpu.dma_semaphore, #tpu.memory_space<semaphore_mem>>)
    %dma_start3A_23 = arith.constant 0 : i32
    %dma_start3A_24 = arith.constant 64 : i32
    %dma_start3A_25 = arith.constant 0 : i32
    %dma_start3A_26 = tpu.memref_slice %arg10[%dma_start3A_24, %dma_start3A_25] : memref<128x128xf32, #tpu.memory_space<vmem>> -> memref<64x128xf32, #tpu.memory_space<vmem>>
    %dma_start3A_27 = arith.constant 64 : i32
    %dma_start3A_28 = tpu.memref_slice %arg7[%dma_start3A_23, %dma_start3A_27] : memref<80x128xi32, #tpu.memory_space<vmem>> -> memref<1x64xi32, #tpu.memory_space<vmem>>
    %dma_start3A_29 = tpu.memref_squeeze %dma_start3A_28 : memref<1x64xi32, #tpu.memory_space<vmem>> -> memref<64xi32, #tpu.memory_space<vmem>>
    %dma_start3A_30 = arith.constant 0 : i32
    %dma_start3A_31 = arith.constant 0 : i32
    %dma_start3A_32 = tpu.memref_slice %arg2[%dma_start3A_30, %dma_start3A_31] : memref<10000x128xf32, #tpu.memory_space<hbm>> -> memref<10000x128xf32, #tpu.memory_space<hbm>>
    tpu.enqueue_indirect_dma source(%dma_start3A_32 : memref<10000x128xf32, #tpu.memory_space<hbm>>) target(%dma_start3A_26 : memref<64x128xf32, #tpu.memory_space<vmem>>) offsets(%dma_start3A_29 : memref<64xi32, #tpu.memory_space<vmem>>) semaphore(%arg13 : memref<!tpu.dma_semaphore, #tpu.memory_space<semaphore_mem>>)
    %scan3A = arith.constant 0 : i32
    %scan3A_33 = arith.constant 0 : i32
    %scan3A_34 = arith.constant 10 : i32
    %scan3A_35 = arith.addi %scan3A_33, %scan3A_34 : i32
    %scan3A_36 = arith.constant 1 : i32
    scf.for %scan3A_49 = %scan3A_33 to %scan3A_35 step %scan3A_36  : i32 {
      %mul3A_50 = arith.constant 8 : i32
      %mul3A_51 = arith.muli %mul3A_50, %scan3A_49 : i32
      %dma_wait3A_52 = arith.constant 0 : i32
      %dma_wait3A_53 = arith.constant 0 : i32
      %dma_wait3A_54 = arith.constant 0 : i32
      %dma_wait3A_55 = tpu.memref_slice %arg4[%add3A, %dma_wait3A_52, %dma_wait3A_53, %dma_wait3A_54] : memref<32x20x4x128xi32, #tpu.memory_space<hbm>> -> memref<1x1x4x128xi32, #tpu.memory_space<hbm>>
      %dma_wait3A_56 = tpu.memref_squeeze %dma_wait3A_55 : memref<1x1x4x128xi32, #tpu.memory_space<hbm>> -> memref<4x128xi32, #tpu.memory_space<hbm>>
      %dma_wait3A_57 = arith.constant 0 : i32
      %dma_wait3A_58 = arith.constant 0 : i32
      %dma_wait3A_59 = tpu.memref_slice %arg4[%add3A, %dma_wait3A_52, %dma_wait3A_57, %dma_wait3A_58] : memref<32x20x4x128xi32, #tpu.memory_space<hbm>> -> memref<1x1x4x128xi32, #tpu.memory_space<hbm>>
      %dma_wait3A_60 = tpu.memref_squeeze %dma_wait3A_59 : memref<1x1x4x128xi32, #tpu.memory_space<hbm>> -> memref<4x128xi32, #tpu.memory_space<hbm>>
      tpu.wait_dma2 semaphore(%arg15 : memref<!tpu.dma_semaphore, #tpu.memory_space<semaphore_mem>>) src(%dma_wait3A_60 : memref<4x128xi32, #tpu.memory_space<hbm>>) dst(%arg8 : memref<4x128xi32, #tpu.memory_space<vmem>>)
      %add3A_61 = arith.constant 0 : i32
      %add3A_62 = arith.addi %mul3A_51, %add3A_61 : i32
      %dma_wait3A_63 = arith.constant 0 : i32
      %dma_wait3A_64 = tpu.memref_slice %arg7[%add3A_62, %dma_wait3A_63] : memref<80x128xi32, #tpu.memory_space<vmem>> -> memref<1x128xi32, #tpu.memory_space<vmem>>
      %dma_wait3A_65 = tpu.memref_squeeze %dma_wait3A_64 : memref<1x128xi32, #tpu.memory_space<vmem>> -> memref<128xi32, #tpu.memory_space<vmem>>
      %dma_wait3A_66 = arith.constant 0 : i32
      %dma_wait3A_67 = arith.constant 0 : i32
      %dma_wait3A_68 = tpu.memref_slice %arg2[%dma_wait3A_66, %dma_wait3A_67] : memref<10000x128xf32, #tpu.memory_space<hbm>> -> memref<10000x128xf32, #tpu.memory_space<hbm>>
      tpu.wait_indirect_dma semaphore(%arg13 : memref<!tpu.dma_semaphore, #tpu.memory_space<semaphore_mem>>) src(%dma_wait3A_68 : memref<10000x128xf32, #tpu.memory_space<hbm>>) dst(%arg10 : memref<128x128xf32, #tpu.memory_space<vmem>>)
      %gt3A = arith.constant 0 : i32
      %gt3A_69 = arith.cmpi sgt, %scan3A_49, %gt3A : i32
      %convert_element_type3A = arith.extui %gt3A_69 : i1 to i32
      %cond3A = arith.constant 0 : i32
      %cond3A_70 = arith.cmpi ne, %convert_element_type3A, %cond3A : i32
      scf.if %cond3A_70 {
        %dma_wait3A_416 = arith.constant 0 : i32
        %dma_wait3A_417 = arith.constant 0 : i32
        %dma_wait3A_418 = tpu.memref_slice %arg8[%dma_wait3A_416, %dma_wait3A_417] : memref<4x128xi32, #tpu.memory_space<vmem>> -> memref<1x128xi32, #tpu.memory_space<vmem>>
        %dma_wait3A_419 = tpu.memref_squeeze %dma_wait3A_418 : memref<1x128xi32, #tpu.memory_space<vmem>> -> memref<128xi32, #tpu.memory_space<vmem>>
        %dma_wait3A_420 = arith.constant 0 : i32
        %dma_wait3A_421 = arith.constant 0 : i32
        %dma_wait3A_422 = tpu.memref_slice %arg12[%dma_wait3A_420, %dma_wait3A_421] : memref<10112x128xf32, #tpu.memory_space<vmem_shared>> -> memref<10112x128xf32, #tpu.memory_space<vmem_shared>>
        tpu.wait_indirect_dma semaphore(%arg18 : memref<!tpu.dma_semaphore, #tpu.memory_space<semaphore_mem>>) src(%arg11 : memref<128x128xf32, #tpu.memory_space<vmem>>) dst(%dma_wait3A_422 : memref<10112x128xf32, #tpu.memory_space<vmem_shared>>)
      } else {
      }
      %mul3A_71 = arith.constant 2 : i32
      %mul3A_72 = arith.muli %mul3A_71, %scan3A_49 : i32
      %add3A_73 = arith.constant 1 : i32
      %add3A_74 = arith.addi %mul3A_72, %add3A_73 : i32
      %dma_start3A_75 = arith.constant 0 : i32
      %dma_start3A_76 = arith.constant 0 : i32
      %dma_start3A_77 = tpu.memref_slice %arg4[%add3A, %add3A_74, %dma_start3A_75, %dma_start3A_76] : memref<32x20x4x128xi32, #tpu.memory_space<hbm>> -> memref<1x1x4x128xi32, #tpu.memory_space<hbm>>
      %dma_start3A_78 = tpu.memref_squeeze %dma_start3A_77 : memref<1x1x4x128xi32, #tpu.memory_space<hbm>> -> memref<4x128xi32, #tpu.memory_space<hbm>>
      %dma_start3A_79 = arith.constant 0 : i32
      %dma_start3A_80 = arith.constant 0 : i32
      %dma_start3A_81 = tpu.memref_slice %arg4[%add3A, %add3A_74, %dma_start3A_79, %dma_start3A_80] : memref<32x20x4x128xi32, #tpu.memory_space<hbm>> -> memref<1x1x4x128xi32, #tpu.memory_space<hbm>>
      %dma_start3A_82 = tpu.memref_squeeze %dma_start3A_81 : memref<1x1x4x128xi32, #tpu.memory_space<hbm>> -> memref<4x128xi32, #tpu.memory_space<hbm>>
      tpu.enqueue_dma source(%dma_start3A_82 : memref<4x128xi32, #tpu.memory_space<hbm>>) target(%arg9 : memref<4x128xi32, #tpu.memory_space<vmem>>) target_semaphore(%arg16 : memref<!tpu.dma_semaphore, #tpu.memory_space<semaphore_mem>>)
      %add3A_83 = arith.constant 1 : i32
      %add3A_84 = arith.addi %add3A_62, %add3A_83 : i32
      %dma_start3A_85 = arith.constant 0 : i32
      %dma_start3A_86 = arith.constant 0 : i32
      %dma_start3A_87 = tpu.memref_slice %arg11[%dma_start3A_85, %dma_start3A_86] : memref<128x128xf32, #tpu.memory_space<vmem>> -> memref<64x128xf32, #tpu.memory_space<vmem>>
      %dma_start3A_88 = arith.constant 0 : i32
      %dma_start3A_89 = tpu.memref_slice %arg7[%add3A_84, %dma_start3A_88] : memref<80x128xi32, #tpu.memory_space<vmem>> -> memref<1x64xi32, #tpu.memory_space<vmem>>
      %dma_start3A_90 = tpu.memref_squeeze %dma_start3A_89 : memref<1x64xi32, #tpu.memory_space<vmem>> -> memref<64xi32, #tpu.memory_space<vmem>>
      %dma_start3A_91 = arith.constant 0 : i32
      %dma_start3A_92 = arith.constant 0 : i32
      %dma_start3A_93 = tpu.memref_slice %arg2[%dma_start3A_91, %dma_start3A_92] : memref<10000x128xf32, #tpu.memory_space<hbm>> -> memref<10000x128xf32, #tpu.memory_space<hbm>>
      tpu.enqueue_indirect_dma source(%dma_start3A_93 : memref<10000x128xf32, #tpu.memory_space<hbm>>) target(%dma_start3A_87 : memref<64x128xf32, #tpu.memory_space<vmem>>) offsets(%dma_start3A_90 : memref<64xi32, #tpu.memory_space<vmem>>) semaphore(%arg14 : memref<!tpu.dma_semaphore, #tpu.memory_space<semaphore_mem>>)
      %add3A_94 = arith.constant 1 : i32
      %add3A_95 = arith.addi %add3A_62, %add3A_94 : i32
      %dma_start3A_96 = arith.constant 64 : i32
      %dma_start3A_97 = arith.constant 0 : i32
      %dma_start3A_98 = tpu.memref_slice %arg11[%dma_start3A_96, %dma_start3A_97] : memref<128x128xf32, #tpu.memory_space<vmem>> -> memref<64x128xf32, #tpu.memory_space<vmem>>
      %dma_start3A_99 = arith.constant 64 : i32
      %dma_start3A_100 = tpu.memref_slice %arg7[%add3A_95, %dma_start3A_99] : memref<80x128xi32, #tpu.memory_space<vmem>> -> memref<1x64xi32, #tpu.memory_space<vmem>>
      %dma_start3A_101 = tpu.memref_squeeze %dma_start3A_100 : memref<1x64xi32, #tpu.memory_space<vmem>> -> memref<64xi32, #tpu.memory_space<vmem>>
      %dma_start3A_102 = arith.constant 0 : i32
      %dma_start3A_103 = arith.constant 0 : i32
      %dma_start3A_104 = tpu.memref_slice %arg2[%dma_start3A_102, %dma_start3A_103] : memref<10000x128xf32, #tpu.memory_space<hbm>> -> memref<10000x128xf32, #tpu.memory_space<hbm>>
      tpu.enqueue_indirect_dma source(%dma_start3A_104 : memref<10000x128xf32, #tpu.memory_space<hbm>>) target(%dma_start3A_98 : memref<64x128xf32, #tpu.memory_space<vmem>>) offsets(%dma_start3A_101 : memref<64xi32, #tpu.memory_space<vmem>>) semaphore(%arg14 : memref<!tpu.dma_semaphore, #tpu.memory_space<semaphore_mem>>)
      %dma_start3A_105 = arith.constant 0 : i32
      %dma_start3A_106 = arith.constant 0 : i32
      %dma_start3A_107 = tpu.memref_slice %arg8[%dma_start3A_105, %dma_start3A_106] : memref<4x128xi32, #tpu.memory_space<vmem>> -> memref<1x128xi32, #tpu.memory_space<vmem>>
      %dma_start3A_108 = tpu.memref_squeeze %dma_start3A_107 : memref<1x128xi32, #tpu.memory_space<vmem>> -> memref<128xi32, #tpu.memory_space<vmem>>
      %dma_start3A_109 = arith.constant 0 : i32
      %dma_start3A_110 = arith.constant 0 : i32
      %dma_start3A_111 = tpu.memref_slice %arg12[%dma_start3A_109, %dma_start3A_110] : memref<10112x128xf32, #tpu.memory_space<vmem_shared>> -> memref<10112x128xf32, #tpu.memory_space<vmem_shared>>
      tpu.enqueue_indirect_dma source(%arg10 : memref<128x128xf32, #tpu.memory_space<vmem>>) target(%dma_start3A_111 : memref<10112x128xf32, #tpu.memory_space<vmem_shared>>) offsets(%dma_start3A_108 : memref<128xi32, #tpu.memory_space<vmem>>) semaphore(%arg17 : memref<!tpu.dma_semaphore, #tpu.memory_space<semaphore_mem>>) {add = true}
      %add3A_112 = arith.constant 1 : i32
      %add3A_113 = arith.addi %mul3A_51, %add3A_112 : i32
      %dma_wait3A_114 = arith.constant 0 : i32
      %dma_wait3A_115 = tpu.memref_slice %arg7[%add3A_113, %dma_wait3A_114] : memref<80x128xi32, #tpu.memory_space<vmem>> -> memref<1x128xi32, #tpu.memory_space<vmem>>
      %dma_wait3A_116 = tpu.memref_squeeze %dma_wait3A_115 : memref<1x128xi32, #tpu.memory_space<vmem>> -> memref<128xi32, #tpu.memory_space<vmem>>
      %dma_wait3A_117 = arith.constant 0 : i32
      %dma_wait3A_118 = arith.constant 0 : i32
      %dma_wait3A_119 = tpu.memref_slice %arg2[%dma_wait3A_117, %dma_wait3A_118] : memref<10000x128xf32, #tpu.memory_space<hbm>> -> memref<10000x128xf32, #tpu.memory_space<hbm>>
      tpu.wait_indirect_dma semaphore(%arg14 : memref<!tpu.dma_semaphore, #tpu.memory_space<semaphore_mem>>) src(%dma_wait3A_119 : memref<10000x128xf32, #tpu.memory_space<hbm>>) dst(%arg11 : memref<128x128xf32, #tpu.memory_space<vmem>>)
      %dma_wait3A_120 = arith.constant 0 : i32
      %dma_wait3A_121 = arith.constant 0 : i32
      %dma_wait3A_122 = tpu.memref_slice %arg8[%dma_wait3A_120, %dma_wait3A_121] : memref<4x128xi32, #tpu.memory_space<vmem>> -> memref<1x128xi32, #tpu.memory_space<vmem>>
      %dma_wait3A_123 = tpu.memref_squeeze %dma_wait3A_122 : memref<1x128xi32, #tpu.memory_space<vmem>> -> memref<128xi32, #tpu.memory_space<vmem>>
      %dma_wait3A_124 = arith.constant 0 : i32
      %dma_wait3A_125 = arith.constant 0 : i32
      %dma_wait3A_126 = tpu.memref_slice %arg12[%dma_wait3A_124, %dma_wait3A_125] : memref<10112x128xf32, #tpu.memory_space<vmem_shared>> -> memref<10112x128xf32, #tpu.memory_space<vmem_shared>>
      tpu.wait_indirect_dma semaphore(%arg17 : memref<!tpu.dma_semaphore, #tpu.memory_space<semaphore_mem>>) src(%arg10 : memref<128x128xf32, #tpu.memory_space<vmem>>) dst(%dma_wait3A_126 : memref<10112x128xf32, #tpu.memory_space<vmem_shared>>)
      %add3A_127 = arith.constant 1 : i32
      %add3A_128 = arith.addi %add3A_113, %add3A_127 : i32
      %dma_start3A_129 = arith.constant 0 : i32
      %dma_start3A_130 = arith.constant 0 : i32
      %dma_start3A_131 = tpu.memref_slice %arg10[%dma_start3A_129, %dma_start3A_130] : memref<128x128xf32, #tpu.memory_space<vmem>> -> memref<64x128xf32, #tpu.memory_space<vmem>>
      %dma_start3A_132 = arith.constant 0 : i32
      %dma_start3A_133 = tpu.memref_slice %arg7[%add3A_128, %dma_start3A_132] : memref<80x128xi32, #tpu.memory_space<vmem>> -> memref<1x64xi32, #tpu.memory_space<vmem>>
      %dma_start3A_134 = tpu.memref_squeeze %dma_start3A_133 : memref<1x64xi32, #tpu.memory_space<vmem>> -> memref<64xi32, #tpu.memory_space<vmem>>
      %dma_start3A_135 = arith.constant 0 : i32
      %dma_start3A_136 = arith.constant 0 : i32
      %dma_start3A_137 = tpu.memref_slice %arg2[%dma_start3A_135, %dma_start3A_136] : memref<10000x128xf32, #tpu.memory_space<hbm>> -> memref<10000x128xf32, #tpu.memory_space<hbm>>
      tpu.enqueue_indirect_dma source(%dma_start3A_137 : memref<10000x128xf32, #tpu.memory_space<hbm>>) target(%dma_start3A_131 : memref<64x128xf32, #tpu.memory_space<vmem>>) offsets(%dma_start3A_134 : memref<64xi32, #tpu.memory_space<vmem>>) semaphore(%arg13 : memref<!tpu.dma_semaphore, #tpu.memory_space<semaphore_mem>>)
      %add3A_138 = arith.constant 1 : i32
      %add3A_139 = arith.addi %add3A_113, %add3A_138 : i32
      %dma_start3A_140 = arith.constant 64 : i32
      %dma_start3A_141 = arith.constant 0 : i32
      %dma_start3A_142 = tpu.memref_slice %arg10[%dma_start3A_140, %dma_start3A_141] : memref<128x128xf32, #tpu.memory_space<vmem>> -> memref<64x128xf32, #tpu.memory_space<vmem>>
      %dma_start3A_143 = arith.constant 64 : i32
      %dma_start3A_144 = tpu.memref_slice %arg7[%add3A_139, %dma_start3A_143] : memref<80x128xi32, #tpu.memory_space<vmem>> -> memref<1x64xi32, #tpu.memory_space<vmem>>
      %dma_start3A_145 = tpu.memref_squeeze %dma_start3A_144 : memref<1x64xi32, #tpu.memory_space<vmem>> -> memref<64xi32, #tpu.memory_space<vmem>>
      %dma_start3A_146 = arith.constant 0 : i32
      %dma_start3A_147 = arith.constant 0 : i32
      %dma_start3A_148 = tpu.memref_slice %arg2[%dma_start3A_146, %dma_start3A_147] : memref<10000x128xf32, #tpu.memory_space<hbm>> -> memref<10000x128xf32, #tpu.memory_space<hbm>>
      tpu.enqueue_indirect_dma source(%dma_start3A_148 : memref<10000x128xf32, #tpu.memory_space<hbm>>) target(%dma_start3A_142 : memref<64x128xf32, #tpu.memory_space<vmem>>) offsets(%dma_start3A_145 : memref<64xi32, #tpu.memory_space<vmem>>) semaphore(%arg13 : memref<!tpu.dma_semaphore, #tpu.memory_space<semaphore_mem>>)
      %dma_start3A_149 = arith.constant 1 : i32
      %dma_start3A_150 = arith.constant 0 : i32
      %dma_start3A_151 = tpu.memref_slice %arg8[%dma_start3A_149, %dma_start3A_150] : memref<4x128xi32, #tpu.memory_space<vmem>> -> memref<1x128xi32, #tpu.memory_space<vmem>>
      %dma_start3A_152 = tpu.memref_squeeze %dma_start3A_151 : memref<1x128xi32, #tpu.memory_space<vmem>> -> memref<128xi32, #tpu.memory_space<vmem>>
      %dma_start3A_153 = arith.constant 0 : i32
      %dma_start3A_154 = arith.constant 0 : i32
      %dma_start3A_155 = tpu.memref_slice %arg12[%dma_start3A_153, %dma_start3A_154] : memref<10112x128xf32, #tpu.memory_space<vmem_shared>> -> memref<10112x128xf32, #tpu.memory_space<vmem_shared>>
      tpu.enqueue_indirect_dma source(%arg11 : memref<128x128xf32, #tpu.memory_space<vmem>>) target(%dma_start3A_155 : memref<10112x128xf32, #tpu.memory_space<vmem_shared>>) offsets(%dma_start3A_152 : memref<128xi32, #tpu.memory_space<vmem>>) semaphore(%arg18 : memref<!tpu.dma_semaphore, #tpu.memory_space<semaphore_mem>>) {add = true}
      %add3A_156 = arith.constant 2 : i32
      %add3A_157 = arith.addi %mul3A_51, %add3A_156 : i32
      %dma_wait3A_158 = arith.constant 0 : i32
      %dma_wait3A_159 = tpu.memref_slice %arg7[%add3A_157, %dma_wait3A_158] : memref<80x128xi32, #tpu.memory_space<vmem>> -> memref<1x128xi32, #tpu.memory_space<vmem>>
      %dma_wait3A_160 = tpu.memref_squeeze %dma_wait3A_159 : memref<1x128xi32, #tpu.memory_space<vmem>> -> memref<128xi32, #tpu.memory_space<vmem>>
      %dma_wait3A_161 = arith.constant 0 : i32
      %dma_wait3A_162 = arith.constant 0 : i32
      %dma_wait3A_163 = tpu.memref_slice %arg2[%dma_wait3A_161, %dma_wait3A_162] : memref<10000x128xf32, #tpu.memory_space<hbm>> -> memref<10000x128xf32, #tpu.memory_space<hbm>>
      tpu.wait_indirect_dma semaphore(%arg13 : memref<!tpu.dma_semaphore, #tpu.memory_space<semaphore_mem>>) src(%dma_wait3A_163 : memref<10000x128xf32, #tpu.memory_space<hbm>>) dst(%arg10 : memref<128x128xf32, #tpu.memory_space<vmem>>)
      %dma_wait3A_164 = arith.constant 0 : i32
      %dma_wait3A_165 = arith.constant 0 : i32
      %dma_wait3A_166 = tpu.memref_slice %arg8[%dma_wait3A_164, %dma_wait3A_165] : memref<4x128xi32, #tpu.memory_space<vmem>> -> memref<1x128xi32, #tpu.memory_space<vmem>>
      %dma_wait3A_167 = tpu.memref_squeeze %dma_wait3A_166 : memref<1x128xi32, #tpu.memory_space<vmem>> -> memref<128xi32, #tpu.memory_space<vmem>>
      %dma_wait3A_168 = arith.constant 0 : i32
      %dma_wait3A_169 = arith.constant 0 : i32
      %dma_wait3A_170 = tpu.memref_slice %arg12[%dma_wait3A_168, %dma_wait3A_169] : memref<10112x128xf32, #tpu.memory_space<vmem_shared>> -> memref<10112x128xf32, #tpu.memory_space<vmem_shared>>
      tpu.wait_indirect_dma semaphore(%arg18 : memref<!tpu.dma_semaphore, #tpu.memory_space<semaphore_mem>>) src(%arg11 : memref<128x128xf32, #tpu.memory_space<vmem>>) dst(%dma_wait3A_170 : memref<10112x128xf32, #tpu.memory_space<vmem_shared>>)
      %add3A_171 = arith.constant 1 : i32
      %add3A_172 = arith.addi %add3A_157, %add3A_171 : i32
      %dma_start3A_173 = arith.constant 0 : i32
      %dma_start3A_174 = arith.constant 0 : i32
      %dma_start3A_175 = tpu.memref_slice %arg11[%dma_start3A_173, %dma_start3A_174] : memref<128x128xf32, #tpu.memory_space<vmem>> -> memref<64x128xf32, #tpu.memory_space<vmem>>
      %dma_start3A_176 = arith.constant 0 : i32
      %dma_start3A_177 = tpu.memref_slice %arg7[%add3A_172, %dma_start3A_176] : memref<80x128xi32, #tpu.memory_space<vmem>> -> memref<1x64xi32, #tpu.memory_space<vmem>>
      %dma_start3A_178 = tpu.memref_squeeze %dma_start3A_177 : memref<1x64xi32, #tpu.memory_space<vmem>> -> memref<64xi32, #tpu.memory_space<vmem>>
      %dma_start3A_179 = arith.constant 0 : i32
      %dma_start3A_180 = arith.constant 0 : i32
      %dma_start3A_181 = tpu.memref_slice %arg2[%dma_start3A_179, %dma_start3A_180] : memref<10000x128xf32, #tpu.memory_space<hbm>> -> memref<10000x128xf32, #tpu.memory_space<hbm>>
      tpu.enqueue_indirect_dma source(%dma_start3A_181 : memref<10000x128xf32, #tpu.memory_space<hbm>>) target(%dma_start3A_175 : memref<64x128xf32, #tpu.memory_space<vmem>>) offsets(%dma_start3A_178 : memref<64xi32, #tpu.memory_space<vmem>>) semaphore(%arg14 : memref<!tpu.dma_semaphore, #tpu.memory_space<semaphore_mem>>)
      %add3A_182 = arith.constant 1 : i32
      %add3A_183 = arith.addi %add3A_157, %add3A_182 : i32
      %dma_start3A_184 = arith.constant 64 : i32
      %dma_start3A_185 = arith.constant 0 : i32
      %dma_start3A_186 = tpu.memref_slice %arg11[%dma_start3A_184, %dma_start3A_185] : memref<128x128xf32, #tpu.memory_space<vmem>> -> memref<64x128xf32, #tpu.memory_space<vmem>>
      %dma_start3A_187 = arith.constant 64 : i32
      %dma_start3A_188 = tpu.memref_slice %arg7[%add3A_183, %dma_start3A_187] : memref<80x128xi32, #tpu.memory_space<vmem>> -> memref<1x64xi32, #tpu.memory_space<vmem>>
      %dma_start3A_189 = tpu.memref_squeeze %dma_start3A_188 : memref<1x64xi32, #tpu.memory_space<vmem>> -> memref<64xi32, #tpu.memory_space<vmem>>
      %dma_start3A_190 = arith.constant 0 : i32
      %dma_start3A_191 = arith.constant 0 : i32
      %dma_start3A_192 = tpu.memref_slice %arg2[%dma_start3A_190, %dma_start3A_191] : memref<10000x128xf32, #tpu.memory_space<hbm>> -> memref<10000x128xf32, #tpu.memory_space<hbm>>
      tpu.enqueue_indirect_dma source(%dma_start3A_192 : memref<10000x128xf32, #tpu.memory_space<hbm>>) target(%dma_start3A_186 : memref<64x128xf32, #tpu.memory_space<vmem>>) offsets(%dma_start3A_189 : memref<64xi32, #tpu.memory_space<vmem>>) semaphore(%arg14 : memref<!tpu.dma_semaphore, #tpu.memory_space<semaphore_mem>>)
      %dma_start3A_193 = arith.constant 2 : i32
      %dma_start3A_194 = arith.constant 0 : i32
      %dma_start3A_195 = tpu.memref_slice %arg8[%dma_start3A_193, %dma_start3A_194] : memref<4x128xi32, #tpu.memory_space<vmem>> -> memref<1x128xi32, #tpu.memory_space<vmem>>
      %dma_start3A_196 = tpu.memref_squeeze %dma_start3A_195 : memref<1x128xi32, #tpu.memory_space<vmem>> -> memref<128xi32, #tpu.memory_space<vmem>>
      %dma_start3A_197 = arith.constant 0 : i32
      %dma_start3A_198 = arith.constant 0 : i32
      %dma_start3A_199 = tpu.memref_slice %arg12[%dma_start3A_197, %dma_start3A_198] : memref<10112x128xf32, #tpu.memory_space<vmem_shared>> -> memref<10112x128xf32, #tpu.memory_space<vmem_shared>>
      tpu.enqueue_indirect_dma source(%arg10 : memref<128x128xf32, #tpu.memory_space<vmem>>) target(%dma_start3A_199 : memref<10112x128xf32, #tpu.memory_space<vmem_shared>>) offsets(%dma_start3A_196 : memref<128xi32, #tpu.memory_space<vmem>>) semaphore(%arg17 : memref<!tpu.dma_semaphore, #tpu.memory_space<semaphore_mem>>) {add = true}
      %add3A_200 = arith.constant 3 : i32
      %add3A_201 = arith.addi %mul3A_51, %add3A_200 : i32
      %dma_wait3A_202 = arith.constant 0 : i32
      %dma_wait3A_203 = tpu.memref_slice %arg7[%add3A_201, %dma_wait3A_202] : memref<80x128xi32, #tpu.memory_space<vmem>> -> memref<1x128xi32, #tpu.memory_space<vmem>>
      %dma_wait3A_204 = tpu.memref_squeeze %dma_wait3A_203 : memref<1x128xi32, #tpu.memory_space<vmem>> -> memref<128xi32, #tpu.memory_space<vmem>>
      %dma_wait3A_205 = arith.constant 0 : i32
      %dma_wait3A_206 = arith.constant 0 : i32
      %dma_wait3A_207 = tpu.memref_slice %arg2[%dma_wait3A_205, %dma_wait3A_206] : memref<10000x128xf32, #tpu.memory_space<hbm>> -> memref<10000x128xf32, #tpu.memory_space<hbm>>
      tpu.wait_indirect_dma semaphore(%arg14 : memref<!tpu.dma_semaphore, #tpu.memory_space<semaphore_mem>>) src(%dma_wait3A_207 : memref<10000x128xf32, #tpu.memory_space<hbm>>) dst(%arg11 : memref<128x128xf32, #tpu.memory_space<vmem>>)
      %dma_wait3A_208 = arith.constant 0 : i32
      %dma_wait3A_209 = arith.constant 0 : i32
      %dma_wait3A_210 = tpu.memref_slice %arg8[%dma_wait3A_208, %dma_wait3A_209] : memref<4x128xi32, #tpu.memory_space<vmem>> -> memref<1x128xi32, #tpu.memory_space<vmem>>
      %dma_wait3A_211 = tpu.memref_squeeze %dma_wait3A_210 : memref<1x128xi32, #tpu.memory_space<vmem>> -> memref<128xi32, #tpu.memory_space<vmem>>
      %dma_wait3A_212 = arith.constant 0 : i32
      %dma_wait3A_213 = arith.constant 0 : i32
      %dma_wait3A_214 = tpu.memref_slice %arg12[%dma_wait3A_212, %dma_wait3A_213] : memref<10112x128xf32, #tpu.memory_space<vmem_shared>> -> memref<10112x128xf32, #tpu.memory_space<vmem_shared>>
      tpu.wait_indirect_dma semaphore(%arg17 : memref<!tpu.dma_semaphore, #tpu.memory_space<semaphore_mem>>) src(%arg10 : memref<128x128xf32, #tpu.memory_space<vmem>>) dst(%dma_wait3A_214 : memref<10112x128xf32, #tpu.memory_space<vmem_shared>>)
      %add3A_215 = arith.constant 1 : i32
      %add3A_216 = arith.addi %add3A_201, %add3A_215 : i32
      %dma_start3A_217 = arith.constant 0 : i32
      %dma_start3A_218 = arith.constant 0 : i32
      %dma_start3A_219 = tpu.memref_slice %arg10[%dma_start3A_217, %dma_start3A_218] : memref<128x128xf32, #tpu.memory_space<vmem>> -> memref<64x128xf32, #tpu.memory_space<vmem>>
      %dma_start3A_220 = arith.constant 0 : i32
      %dma_start3A_221 = tpu.memref_slice %arg7[%add3A_216, %dma_start3A_220] : memref<80x128xi32, #tpu.memory_space<vmem>> -> memref<1x64xi32, #tpu.memory_space<vmem>>
      %dma_start3A_222 = tpu.memref_squeeze %dma_start3A_221 : memref<1x64xi32, #tpu.memory_space<vmem>> -> memref<64xi32, #tpu.memory_space<vmem>>
      %dma_start3A_223 = arith.constant 0 : i32
      %dma_start3A_224 = arith.constant 0 : i32
      %dma_start3A_225 = tpu.memref_slice %arg2[%dma_start3A_223, %dma_start3A_224] : memref<10000x128xf32, #tpu.memory_space<hbm>> -> memref<10000x128xf32, #tpu.memory_space<hbm>>
      tpu.enqueue_indirect_dma source(%dma_start3A_225 : memref<10000x128xf32, #tpu.memory_space<hbm>>) target(%dma_start3A_219 : memref<64x128xf32, #tpu.memory_space<vmem>>) offsets(%dma_start3A_222 : memref<64xi32, #tpu.memory_space<vmem>>) semaphore(%arg13 : memref<!tpu.dma_semaphore, #tpu.memory_space<semaphore_mem>>)
      %add3A_226 = arith.constant 1 : i32
      %add3A_227 = arith.addi %add3A_201, %add3A_226 : i32
      %dma_start3A_228 = arith.constant 64 : i32
      %dma_start3A_229 = arith.constant 0 : i32
      %dma_start3A_230 = tpu.memref_slice %arg10[%dma_start3A_228, %dma_start3A_229] : memref<128x128xf32, #tpu.memory_space<vmem>> -> memref<64x128xf32, #tpu.memory_space<vmem>>
      %dma_start3A_231 = arith.constant 64 : i32
      %dma_start3A_232 = tpu.memref_slice %arg7[%add3A_227, %dma_start3A_231] : memref<80x128xi32, #tpu.memory_space<vmem>> -> memref<1x64xi32, #tpu.memory_space<vmem>>
      %dma_start3A_233 = tpu.memref_squeeze %dma_start3A_232 : memref<1x64xi32, #tpu.memory_space<vmem>> -> memref<64xi32, #tpu.memory_space<vmem>>
      %dma_start3A_234 = arith.constant 0 : i32
      %dma_start3A_235 = arith.constant 0 : i32
      %dma_start3A_236 = tpu.memref_slice %arg2[%dma_start3A_234, %dma_start3A_235] : memref<10000x128xf32, #tpu.memory_space<hbm>> -> memref<10000x128xf32, #tpu.memory_space<hbm>>
      tpu.enqueue_indirect_dma source(%dma_start3A_236 : memref<10000x128xf32, #tpu.memory_space<hbm>>) target(%dma_start3A_230 : memref<64x128xf32, #tpu.memory_space<vmem>>) offsets(%dma_start3A_233 : memref<64xi32, #tpu.memory_space<vmem>>) semaphore(%arg13 : memref<!tpu.dma_semaphore, #tpu.memory_space<semaphore_mem>>)
      %dma_start3A_237 = arith.constant 3 : i32
      %dma_start3A_238 = arith.constant 0 : i32
      %dma_start3A_239 = tpu.memref_slice %arg8[%dma_start3A_237, %dma_start3A_238] : memref<4x128xi32, #tpu.memory_space<vmem>> -> memref<1x128xi32, #tpu.memory_space<vmem>>
      %dma_start3A_240 = tpu.memref_squeeze %dma_start3A_239 : memref<1x128xi32, #tpu.memory_space<vmem>> -> memref<128xi32, #tpu.memory_space<vmem>>
      %dma_start3A_241 = arith.constant 0 : i32
      %dma_start3A_242 = arith.constant 0 : i32
      %dma_start3A_243 = tpu.memref_slice %arg12[%dma_start3A_241, %dma_start3A_242] : memref<10112x128xf32, #tpu.memory_space<vmem_shared>> -> memref<10112x128xf32, #tpu.memory_space<vmem_shared>>
      tpu.enqueue_indirect_dma source(%arg11 : memref<128x128xf32, #tpu.memory_space<vmem>>) target(%dma_start3A_243 : memref<10112x128xf32, #tpu.memory_space<vmem_shared>>) offsets(%dma_start3A_240 : memref<128xi32, #tpu.memory_space<vmem>>) semaphore(%arg18 : memref<!tpu.dma_semaphore, #tpu.memory_space<semaphore_mem>>) {add = true}
      %add3A_244 = arith.constant 4 : i32
      %add3A_245 = arith.addi %mul3A_51, %add3A_244 : i32
      %dma_wait3A_246 = arith.constant 0 : i32
      %dma_wait3A_247 = tpu.memref_slice %arg7[%add3A_245, %dma_wait3A_246] : memref<80x128xi32, #tpu.memory_space<vmem>> -> memref<1x128xi32, #tpu.memory_space<vmem>>
      %dma_wait3A_248 = tpu.memref_squeeze %dma_wait3A_247 : memref<1x128xi32, #tpu.memory_space<vmem>> -> memref<128xi32, #tpu.memory_space<vmem>>
      %dma_wait3A_249 = arith.constant 0 : i32
      %dma_wait3A_250 = arith.constant 0 : i32
      %dma_wait3A_251 = tpu.memref_slice %arg2[%dma_wait3A_249, %dma_wait3A_250] : memref<10000x128xf32, #tpu.memory_space<hbm>> -> memref<10000x128xf32, #tpu.memory_space<hbm>>
      tpu.wait_indirect_dma semaphore(%arg13 : memref<!tpu.dma_semaphore, #tpu.memory_space<semaphore_mem>>) src(%dma_wait3A_251 : memref<10000x128xf32, #tpu.memory_space<hbm>>) dst(%arg10 : memref<128x128xf32, #tpu.memory_space<vmem>>)
      %dma_wait3A_252 = arith.constant 0 : i32
      %dma_wait3A_253 = arith.constant 0 : i32
      %dma_wait3A_254 = tpu.memref_slice %arg8[%dma_wait3A_252, %dma_wait3A_253] : memref<4x128xi32, #tpu.memory_space<vmem>> -> memref<1x128xi32, #tpu.memory_space<vmem>>
      %dma_wait3A_255 = tpu.memref_squeeze %dma_wait3A_254 : memref<1x128xi32, #tpu.memory_space<vmem>> -> memref<128xi32, #tpu.memory_space<vmem>>
      %dma_wait3A_256 = arith.constant 0 : i32
      %dma_wait3A_257 = arith.constant 0 : i32
      %dma_wait3A_258 = tpu.memref_slice %arg12[%dma_wait3A_256, %dma_wait3A_257] : memref<10112x128xf32, #tpu.memory_space<vmem_shared>> -> memref<10112x128xf32, #tpu.memory_space<vmem_shared>>
      tpu.wait_indirect_dma semaphore(%arg18 : memref<!tpu.dma_semaphore, #tpu.memory_space<semaphore_mem>>) src(%arg11 : memref<128x128xf32, #tpu.memory_space<vmem>>) dst(%dma_wait3A_258 : memref<10112x128xf32, #tpu.memory_space<vmem_shared>>)
      %add3A_259 = arith.constant 1 : i32
      %add3A_260 = arith.addi %add3A_245, %add3A_259 : i32
      %dma_start3A_261 = arith.constant 0 : i32
      %dma_start3A_262 = arith.constant 0 : i32
      %dma_start3A_263 = tpu.memref_slice %arg11[%dma_start3A_261, %dma_start3A_262] : memref<128x128xf32, #tpu.memory_space<vmem>> -> memref<64x128xf32, #tpu.memory_space<vmem>>
      %dma_start3A_264 = arith.constant 0 : i32
      %dma_start3A_265 = tpu.memref_slice %arg7[%add3A_260, %dma_start3A_264] : memref<80x128xi32, #tpu.memory_space<vmem>> -> memref<1x64xi32, #tpu.memory_space<vmem>>
      %dma_start3A_266 = tpu.memref_squeeze %dma_start3A_265 : memref<1x64xi32, #tpu.memory_space<vmem>> -> memref<64xi32, #tpu.memory_space<vmem>>
      %dma_start3A_267 = arith.constant 0 : i32
      %dma_start3A_268 = arith.constant 0 : i32
      %dma_start3A_269 = tpu.memref_slice %arg2[%dma_start3A_267, %dma_start3A_268] : memref<10000x128xf32, #tpu.memory_space<hbm>> -> memref<10000x128xf32, #tpu.memory_space<hbm>>
      tpu.enqueue_indirect_dma source(%dma_start3A_269 : memref<10000x128xf32, #tpu.memory_space<hbm>>) target(%dma_start3A_263 : memref<64x128xf32, #tpu.memory_space<vmem>>) offsets(%dma_start3A_266 : memref<64xi32, #tpu.memory_space<vmem>>) semaphore(%arg14 : memref<!tpu.dma_semaphore, #tpu.memory_space<semaphore_mem>>)
      %add3A_270 = arith.constant 1 : i32
      %add3A_271 = arith.addi %add3A_245, %add3A_270 : i32
      %dma_start3A_272 = arith.constant 64 : i32
      %dma_start3A_273 = arith.constant 0 : i32
      %dma_start3A_274 = tpu.memref_slice %arg11[%dma_start3A_272, %dma_start3A_273] : memref<128x128xf32, #tpu.memory_space<vmem>> -> memref<64x128xf32, #tpu.memory_space<vmem>>
      %dma_start3A_275 = arith.constant 64 : i32
      %dma_start3A_276 = tpu.memref_slice %arg7[%add3A_271, %dma_start3A_275] : memref<80x128xi32, #tpu.memory_space<vmem>> -> memref<1x64xi32, #tpu.memory_space<vmem>>
      %dma_start3A_277 = tpu.memref_squeeze %dma_start3A_276 : memref<1x64xi32, #tpu.memory_space<vmem>> -> memref<64xi32, #tpu.memory_space<vmem>>
      %dma_start3A_278 = arith.constant 0 : i32
      %dma_start3A_279 = arith.constant 0 : i32
      %dma_start3A_280 = tpu.memref_slice %arg2[%dma_start3A_278, %dma_start3A_279] : memref<10000x128xf32, #tpu.memory_space<hbm>> -> memref<10000x128xf32, #tpu.memory_space<hbm>>
      tpu.enqueue_indirect_dma source(%dma_start3A_280 : memref<10000x128xf32, #tpu.memory_space<hbm>>) target(%dma_start3A_274 : memref<64x128xf32, #tpu.memory_space<vmem>>) offsets(%dma_start3A_277 : memref<64xi32, #tpu.memory_space<vmem>>) semaphore(%arg14 : memref<!tpu.dma_semaphore, #tpu.memory_space<semaphore_mem>>)
      %dma_wait3A_281 = arith.constant 0 : i32
      %dma_wait3A_282 = arith.constant 0 : i32
      %dma_wait3A_283 = arith.constant 0 : i32
      %dma_wait3A_284 = tpu.memref_slice %arg4[%add3A, %dma_wait3A_281, %dma_wait3A_282, %dma_wait3A_283] : memref<32x20x4x128xi32, #tpu.memory_space<hbm>> -> memref<1x1x4x128xi32, #tpu.memory_space<hbm>>
      %dma_wait3A_285 = tpu.memref_squeeze %dma_wait3A_284 : memref<1x1x4x128xi32, #tpu.memory_space<hbm>> -> memref<4x128xi32, #tpu.memory_space<hbm>>
      %dma_wait3A_286 = arith.constant 0 : i32
      %dma_wait3A_287 = arith.constant 0 : i32
      %dma_wait3A_288 = tpu.memref_slice %arg4[%add3A, %dma_wait3A_281, %dma_wait3A_286, %dma_wait3A_287] : memref<32x20x4x128xi32, #tpu.memory_space<hbm>> -> memref<1x1x4x128xi32, #tpu.memory_space<hbm>>
      %dma_wait3A_289 = tpu.memref_squeeze %dma_wait3A_288 : memref<1x1x4x128xi32, #tpu.memory_space<hbm>> -> memref<4x128xi32, #tpu.memory_space<hbm>>
      tpu.wait_dma2 semaphore(%arg16 : memref<!tpu.dma_semaphore, #tpu.memory_space<semaphore_mem>>) src(%dma_wait3A_289 : memref<4x128xi32, #tpu.memory_space<hbm>>) dst(%arg9 : memref<4x128xi32, #tpu.memory_space<vmem>>)
      %dma_start3A_290 = arith.constant 0 : i32
      %dma_start3A_291 = arith.constant 0 : i32
      %dma_start3A_292 = tpu.memref_slice %arg9[%dma_start3A_290, %dma_start3A_291] : memref<4x128xi32, #tpu.memory_space<vmem>> -> memref<1x128xi32, #tpu.memory_space<vmem>>
      %dma_start3A_293 = tpu.memref_squeeze %dma_start3A_292 : memref<1x128xi32, #tpu.memory_space<vmem>> -> memref<128xi32, #tpu.memory_space<vmem>>
      %dma_start3A_294 = arith.constant 0 : i32
      %dma_start3A_295 = arith.constant 0 : i32
      %dma_start3A_296 = tpu.memref_slice %arg12[%dma_start3A_294, %dma_start3A_295] : memref<10112x128xf32, #tpu.memory_space<vmem_shared>> -> memref<10112x128xf32, #tpu.memory_space<vmem_shared>>
      tpu.enqueue_indirect_dma source(%arg10 : memref<128x128xf32, #tpu.memory_space<vmem>>) target(%dma_start3A_296 : memref<10112x128xf32, #tpu.memory_space<vmem_shared>>) offsets(%dma_start3A_293 : memref<128xi32, #tpu.memory_space<vmem>>) semaphore(%arg17 : memref<!tpu.dma_semaphore, #tpu.memory_space<semaphore_mem>>) {add = true}
      %add3A_297 = arith.constant 5 : i32
      %add3A_298 = arith.addi %mul3A_51, %add3A_297 : i32
      %dma_wait3A_299 = arith.constant 0 : i32
      %dma_wait3A_300 = tpu.memref_slice %arg7[%add3A_298, %dma_wait3A_299] : memref<80x128xi32, #tpu.memory_space<vmem>> -> memref<1x128xi32, #tpu.memory_space<vmem>>
      %dma_wait3A_301 = tpu.memref_squeeze %dma_wait3A_300 : memref<1x128xi32, #tpu.memory_space<vmem>> -> memref<128xi32, #tpu.memory_space<vmem>>
      %dma_wait3A_302 = arith.constant 0 : i32
      %dma_wait3A_303 = arith.constant 0 : i32
      %dma_wait3A_304 = tpu.memref_slice %arg2[%dma_wait3A_302, %dma_wait3A_303] : memref<10000x128xf32, #tpu.memory_space<hbm>> -> memref<10000x128xf32, #tpu.memory_space<hbm>>
      tpu.wait_indirect_dma semaphore(%arg14 : memref<!tpu.dma_semaphore, #tpu.memory_space<semaphore_mem>>) src(%dma_wait3A_304 : memref<10000x128xf32, #tpu.memory_space<hbm>>) dst(%arg11 : memref<128x128xf32, #tpu.memory_space<vmem>>)
      %dma_wait3A_305 = arith.constant 0 : i32
      %dma_wait3A_306 = arith.constant 0 : i32
      %dma_wait3A_307 = tpu.memref_slice %arg8[%dma_wait3A_305, %dma_wait3A_306] : memref<4x128xi32, #tpu.memory_space<vmem>> -> memref<1x128xi32, #tpu.memory_space<vmem>>
      %dma_wait3A_308 = tpu.memref_squeeze %dma_wait3A_307 : memref<1x128xi32, #tpu.memory_space<vmem>> -> memref<128xi32, #tpu.memory_space<vmem>>
      %dma_wait3A_309 = arith.constant 0 : i32
      %dma_wait3A_310 = arith.constant 0 : i32
      %dma_wait3A_311 = tpu.memref_slice %arg12[%dma_wait3A_309, %dma_wait3A_310] : memref<10112x128xf32, #tpu.memory_space<vmem_shared>> -> memref<10112x128xf32, #tpu.memory_space<vmem_shared>>
      tpu.wait_indirect_dma semaphore(%arg17 : memref<!tpu.dma_semaphore, #tpu.memory_space<semaphore_mem>>) src(%arg10 : memref<128x128xf32, #tpu.memory_space<vmem>>) dst(%dma_wait3A_311 : memref<10112x128xf32, #tpu.memory_space<vmem_shared>>)
      %add3A_312 = arith.constant 1 : i32
      %add3A_313 = arith.addi %add3A_298, %add3A_312 : i32
      %dma_start3A_314 = arith.constant 0 : i32
      %dma_start3A_315 = arith.constant 0 : i32
      %dma_start3A_316 = tpu.memref_slice %arg10[%dma_start3A_314, %dma_start3A_315] : memref<128x128xf32, #tpu.memory_space<vmem>> -> memref<64x128xf32, #tpu.memory_space<vmem>>
      %dma_start3A_317 = arith.constant 0 : i32
      %dma_start3A_318 = tpu.memref_slice %arg7[%add3A_313, %dma_start3A_317] : memref<80x128xi32, #tpu.memory_space<vmem>> -> memref<1x64xi32, #tpu.memory_space<vmem>>
      %dma_start3A_319 = tpu.memref_squeeze %dma_start3A_318 : memref<1x64xi32, #tpu.memory_space<vmem>> -> memref<64xi32, #tpu.memory_space<vmem>>
      %dma_start3A_320 = arith.constant 0 : i32
      %dma_start3A_321 = arith.constant 0 : i32
      %dma_start3A_322 = tpu.memref_slice %arg2[%dma_start3A_320, %dma_start3A_321] : memref<10000x128xf32, #tpu.memory_space<hbm>> -> memref<10000x128xf32, #tpu.memory_space<hbm>>
      tpu.enqueue_indirect_dma source(%dma_start3A_322 : memref<10000x128xf32, #tpu.memory_space<hbm>>) target(%dma_start3A_316 : memref<64x128xf32, #tpu.memory_space<vmem>>) offsets(%dma_start3A_319 : memref<64xi32, #tpu.memory_space<vmem>>) semaphore(%arg13 : memref<!tpu.dma_semaphore, #tpu.memory_space<semaphore_mem>>)
      %add3A_323 = arith.constant 1 : i32
      %add3A_324 = arith.addi %add3A_298, %add3A_323 : i32
      %dma_start3A_325 = arith.constant 64 : i32
      %dma_start3A_326 = arith.constant 0 : i32
      %dma_start3A_327 = tpu.memref_slice %arg10[%dma_start3A_325, %dma_start3A_326] : memref<128x128xf32, #tpu.memory_space<vmem>> -> memref<64x128xf32, #tpu.memory_space<vmem>>
      %dma_start3A_328 = arith.constant 64 : i32
      %dma_start3A_329 = tpu.memref_slice %arg7[%add3A_324, %dma_start3A_328] : memref<80x128xi32, #tpu.memory_space<vmem>> -> memref<1x64xi32, #tpu.memory_space<vmem>>
      %dma_start3A_330 = tpu.memref_squeeze %dma_start3A_329 : memref<1x64xi32, #tpu.memory_space<vmem>> -> memref<64xi32, #tpu.memory_space<vmem>>
      %dma_start3A_331 = arith.constant 0 : i32
      %dma_start3A_332 = arith.constant 0 : i32
      %dma_start3A_333 = tpu.memref_slice %arg2[%dma_start3A_331, %dma_start3A_332] : memref<10000x128xf32, #tpu.memory_space<hbm>> -> memref<10000x128xf32, #tpu.memory_space<hbm>>
      tpu.enqueue_indirect_dma source(%dma_start3A_333 : memref<10000x128xf32, #tpu.memory_space<hbm>>) target(%dma_start3A_327 : memref<64x128xf32, #tpu.memory_space<vmem>>) offsets(%dma_start3A_330 : memref<64xi32, #tpu.memory_space<vmem>>) semaphore(%arg13 : memref<!tpu.dma_semaphore, #tpu.memory_space<semaphore_mem>>)
      %dma_start3A_334 = arith.constant 1 : i32
      %dma_start3A_335 = arith.constant 0 : i32
      %dma_start3A_336 = tpu.memref_slice %arg9[%dma_start3A_334, %dma_start3A_335] : memref<4x128xi32, #tpu.memory_space<vmem>> -> memref<1x128xi32, #tpu.memory_space<vmem>>
      %dma_start3A_337 = tpu.memref_squeeze %dma_start3A_336 : memref<1x128xi32, #tpu.memory_space<vmem>> -> memref<128xi32, #tpu.memory_space<vmem>>
      %dma_start3A_338 = arith.constant 0 : i32
      %dma_start3A_339 = arith.constant 0 : i32
      %dma_start3A_340 = tpu.memref_slice %arg12[%dma_start3A_338, %dma_start3A_339] : memref<10112x128xf32, #tpu.memory_space<vmem_shared>> -> memref<10112x128xf32, #tpu.memory_space<vmem_shared>>
      tpu.enqueue_indirect_dma source(%arg11 : memref<128x128xf32, #tpu.memory_space<vmem>>) target(%dma_start3A_340 : memref<10112x128xf32, #tpu.memory_space<vmem_shared>>) offsets(%dma_start3A_337 : memref<128xi32, #tpu.memory_space<vmem>>) semaphore(%arg18 : memref<!tpu.dma_semaphore, #tpu.memory_space<semaphore_mem>>) {add = true}
      %add3A_341 = arith.constant 6 : i32
      %add3A_342 = arith.addi %mul3A_51, %add3A_341 : i32
      %dma_wait3A_343 = arith.constant 0 : i32
      %dma_wait3A_344 = tpu.memref_slice %arg7[%add3A_342, %dma_wait3A_343] : memref<80x128xi32, #tpu.memory_space<vmem>> -> memref<1x128xi32, #tpu.memory_space<vmem>>
      %dma_wait3A_345 = tpu.memref_squeeze %dma_wait3A_344 : memref<1x128xi32, #tpu.memory_space<vmem>> -> memref<128xi32, #tpu.memory_space<vmem>>
      %dma_wait3A_346 = arith.constant 0 : i32
      %dma_wait3A_347 = arith.constant 0 : i32
      %dma_wait3A_348 = tpu.memref_slice %arg2[%dma_wait3A_346, %dma_wait3A_347] : memref<10000x128xf32, #tpu.memory_space<hbm>> -> memref<10000x128xf32, #tpu.memory_space<hbm>>
      tpu.wait_indirect_dma semaphore(%arg13 : memref<!tpu.dma_semaphore, #tpu.memory_space<semaphore_mem>>) src(%dma_wait3A_348 : memref<10000x128xf32, #tpu.memory_space<hbm>>) dst(%arg10 : memref<128x128xf32, #tpu.memory_space<vmem>>)
      %dma_wait3A_349 = arith.constant 0 : i32
      %dma_wait3A_350 = arith.constant 0 : i32
      %dma_wait3A_351 = tpu.memref_slice %arg8[%dma_wait3A_349, %dma_wait3A_350] : memref<4x128xi32, #tpu.memory_space<vmem>> -> memref<1x128xi32, #tpu.memory_space<vmem>>
      %dma_wait3A_352 = tpu.memref_squeeze %dma_wait3A_351 : memref<1x128xi32, #tpu.memory_space<vmem>> -> memref<128xi32, #tpu.memory_space<vmem>>
      %dma_wait3A_353 = arith.constant 0 : i32
      %dma_wait3A_354 = arith.constant 0 : i32
      %dma_wait3A_355 = tpu.memref_slice %arg12[%dma_wait3A_353, %dma_wait3A_354] : memref<10112x128xf32, #tpu.memory_space<vmem_shared>> -> memref<10112x128xf32, #tpu.memory_space<vmem_shared>>
      tpu.wait_indirect_dma semaphore(%arg18 : memref<!tpu.dma_semaphore, #tpu.memory_space<semaphore_mem>>) src(%arg11 : memref<128x128xf32, #tpu.memory_space<vmem>>) dst(%dma_wait3A_355 : memref<10112x128xf32, #tpu.memory_space<vmem_shared>>)
      %add3A_356 = arith.constant 1 : i32
      %add3A_357 = arith.addi %add3A_342, %add3A_356 : i32
      %dma_start3A_358 = arith.constant 0 : i32
      %dma_start3A_359 = arith.constant 0 : i32
      %dma_start3A_360 = tpu.memref_slice %arg11[%dma_start3A_358, %dma_start3A_359] : memref<128x128xf32, #tpu.memory_space<vmem>> -> memref<64x128xf32, #tpu.memory_space<vmem>>
      %dma_start3A_361 = arith.constant 0 : i32
      %dma_start3A_362 = tpu.memref_slice %arg7[%add3A_357, %dma_start3A_361] : memref<80x128xi32, #tpu.memory_space<vmem>> -> memref<1x64xi32, #tpu.memory_space<vmem>>
      %dma_start3A_363 = tpu.memref_squeeze %dma_start3A_362 : memref<1x64xi32, #tpu.memory_space<vmem>> -> memref<64xi32, #tpu.memory_space<vmem>>
      %dma_start3A_364 = arith.constant 0 : i32
      %dma_start3A_365 = arith.constant 0 : i32
      %dma_start3A_366 = tpu.memref_slice %arg2[%dma_start3A_364, %dma_start3A_365] : memref<10000x128xf32, #tpu.memory_space<hbm>> -> memref<10000x128xf32, #tpu.memory_space<hbm>>
      tpu.enqueue_indirect_dma source(%dma_start3A_366 : memref<10000x128xf32, #tpu.memory_space<hbm>>) target(%dma_start3A_360 : memref<64x128xf32, #tpu.memory_space<vmem>>) offsets(%dma_start3A_363 : memref<64xi32, #tpu.memory_space<vmem>>) semaphore(%arg14 : memref<!tpu.dma_semaphore, #tpu.memory_space<semaphore_mem>>)
      %add3A_367 = arith.constant 1 : i32
      %add3A_368 = arith.addi %add3A_342, %add3A_367 : i32
      %dma_start3A_369 = arith.constant 64 : i32
      %dma_start3A_370 = arith.constant 0 : i32
      %dma_start3A_371 = tpu.memref_slice %arg11[%dma_start3A_369, %dma_start3A_370] : memref<128x128xf32, #tpu.memory_space<vmem>> -> memref<64x128xf32, #tpu.memory_space<vmem>>
      %dma_start3A_372 = arith.constant 64 : i32
      %dma_start3A_373 = tpu.memref_slice %arg7[%add3A_368, %dma_start3A_372] : memref<80x128xi32, #tpu.memory_space<vmem>> -> memref<1x64xi32, #tpu.memory_space<vmem>>
      %dma_start3A_374 = tpu.memref_squeeze %dma_start3A_373 : memref<1x64xi32, #tpu.memory_space<vmem>> -> memref<64xi32, #tpu.memory_space<vmem>>
      %dma_start3A_375 = arith.constant 0 : i32
      %dma_start3A_376 = arith.constant 0 : i32
      %dma_start3A_377 = tpu.memref_slice %arg2[%dma_start3A_375, %dma_start3A_376] : memref<10000x128xf32, #tpu.memory_space<hbm>> -> memref<10000x128xf32, #tpu.memory_space<hbm>>
      tpu.enqueue_indirect_dma source(%dma_start3A_377 : memref<10000x128xf32, #tpu.memory_space<hbm>>) target(%dma_start3A_371 : memref<64x128xf32, #tpu.memory_space<vmem>>) offsets(%dma_start3A_374 : memref<64xi32, #tpu.memory_space<vmem>>) semaphore(%arg14 : memref<!tpu.dma_semaphore, #tpu.memory_space<semaphore_mem>>)
      %dma_start3A_378 = arith.constant 2 : i32
      %dma_start3A_379 = arith.constant 0 : i32
      %dma_start3A_380 = tpu.memref_slice %arg9[%dma_start3A_378, %dma_start3A_379] : memref<4x128xi32, #tpu.memory_space<vmem>> -> memref<1x128xi32, #tpu.memory_space<vmem>>
      %dma_start3A_381 = tpu.memref_squeeze %dma_start3A_380 : memref<1x128xi32, #tpu.memory_space<vmem>> -> memref<128xi32, #tpu.memory_space<vmem>>
      %dma_start3A_382 = arith.constant 0 : i32
      %dma_start3A_383 = arith.constant 0 : i32
      %dma_start3A_384 = tpu.memref_slice %arg12[%dma_start3A_382, %dma_start3A_383] : memref<10112x128xf32, #tpu.memory_space<vmem_shared>> -> memref<10112x128xf32, #tpu.memory_space<vmem_shared>>
      tpu.enqueue_indirect_dma source(%arg10 : memref<128x128xf32, #tpu.memory_space<vmem>>) target(%dma_start3A_384 : memref<10112x128xf32, #tpu.memory_space<vmem_shared>>) offsets(%dma_start3A_381 : memref<128xi32, #tpu.memory_space<vmem>>) semaphore(%arg17 : memref<!tpu.dma_semaphore, #tpu.memory_space<semaphore_mem>>) {add = true}
      %add3A_385 = arith.constant 7 : i32
      %add3A_386 = arith.addi %mul3A_51, %add3A_385 : i32
      %dma_wait3A_387 = arith.constant 0 : i32
      %dma_wait3A_388 = tpu.memref_slice %arg7[%add3A_386, %dma_wait3A_387] : memref<80x128xi32, #tpu.memory_space<vmem>> -> memref<1x128xi32, #tpu.memory_space<vmem>>
      %dma_wait3A_389 = tpu.memref_squeeze %dma_wait3A_388 : memref<1x128xi32, #tpu.memory_space<vmem>> -> memref<128xi32, #tpu.memory_space<vmem>>
      %dma_wait3A_390 = arith.constant 0 : i32
      %dma_wait3A_391 = arith.constant 0 : i32
      %dma_wait3A_392 = tpu.memref_slice %arg2[%dma_wait3A_390, %dma_wait3A_391] : memref<10000x128xf32, #tpu.memory_space<hbm>> -> memref<10000x128xf32, #tpu.memory_space<hbm>>
      tpu.wait_indirect_dma semaphore(%arg14 : memref<!tpu.dma_semaphore, #tpu.memory_space<semaphore_mem>>) src(%dma_wait3A_392 : memref<10000x128xf32, #tpu.memory_space<hbm>>) dst(%arg11 : memref<128x128xf32, #tpu.memory_space<vmem>>)
      %dma_wait3A_393 = arith.constant 0 : i32
      %dma_wait3A_394 = arith.constant 0 : i32
      %dma_wait3A_395 = tpu.memref_slice %arg8[%dma_wait3A_393, %dma_wait3A_394] : memref<4x128xi32, #tpu.memory_space<vmem>> -> memref<1x128xi32, #tpu.memory_space<vmem>>
      %dma_wait3A_396 = tpu.memref_squeeze %dma_wait3A_395 : memref<1x128xi32, #tpu.memory_space<vmem>> -> memref<128xi32, #tpu.memory_space<vmem>>
      %dma_wait3A_397 = arith.constant 0 : i32
      %dma_wait3A_398 = arith.constant 0 : i32
      %dma_wait3A_399 = tpu.memref_slice %arg12[%dma_wait3A_397, %dma_wait3A_398] : memref<10112x128xf32, #tpu.memory_space<vmem_shared>> -> memref<10112x128xf32, #tpu.memory_space<vmem_shared>>
      tpu.wait_indirect_dma semaphore(%arg17 : memref<!tpu.dma_semaphore, #tpu.memory_space<semaphore_mem>>) src(%arg10 : memref<128x128xf32, #tpu.memory_space<vmem>>) dst(%dma_wait3A_399 : memref<10112x128xf32, #tpu.memory_space<vmem_shared>>)
      %lt3A = arith.constant 9 : i32
      %lt3A_400 = arith.cmpi slt, %scan3A_49, %lt3A : i32
      %convert_element_type3A_401 = arith.extui %lt3A_400 : i1 to i32
      %cond3A_402 = arith.constant 0 : i32
      %cond3A_403 = arith.cmpi ne, %convert_element_type3A_401, %cond3A_402 : i32
      scf.if %cond3A_403 {
        %add3A_416 = arith.constant 1 : i32
        %add3A_417 = arith.addi %add3A_386, %add3A_416 : i32
        %dma_start3A_418 = arith.constant 0 : i32
        %dma_start3A_419 = arith.constant 0 : i32
        %dma_start3A_420 = tpu.memref_slice %arg10[%dma_start3A_418, %dma_start3A_419] : memref<128x128xf32, #tpu.memory_space<vmem>> -> memref<64x128xf32, #tpu.memory_space<vmem>>
        %dma_start3A_421 = arith.constant 0 : i32
        %dma_start3A_422 = tpu.memref_slice %arg7[%add3A_417, %dma_start3A_421] : memref<80x128xi32, #tpu.memory_space<vmem>> -> memref<1x64xi32, #tpu.memory_space<vmem>>
        %dma_start3A_423 = tpu.memref_squeeze %dma_start3A_422 : memref<1x64xi32, #tpu.memory_space<vmem>> -> memref<64xi32, #tpu.memory_space<vmem>>
        %dma_start3A_424 = arith.constant 0 : i32
        %dma_start3A_425 = arith.constant 0 : i32
        %dma_start3A_426 = tpu.memref_slice %arg2[%dma_start3A_424, %dma_start3A_425] : memref<10000x128xf32, #tpu.memory_space<hbm>> -> memref<10000x128xf32, #tpu.memory_space<hbm>>
        tpu.enqueue_indirect_dma source(%dma_start3A_426 : memref<10000x128xf32, #tpu.memory_space<hbm>>) target(%dma_start3A_420 : memref<64x128xf32, #tpu.memory_space<vmem>>) offsets(%dma_start3A_423 : memref<64xi32, #tpu.memory_space<vmem>>) semaphore(%arg13 : memref<!tpu.dma_semaphore, #tpu.memory_space<semaphore_mem>>)
        %add3A_427 = arith.constant 1 : i32
        %add3A_428 = arith.addi %add3A_386, %add3A_427 : i32
        %dma_start3A_429 = arith.constant 64 : i32
        %dma_start3A_430 = arith.constant 0 : i32
        %dma_start3A_431 = tpu.memref_slice %arg10[%dma_start3A_429, %dma_start3A_430] : memref<128x128xf32, #tpu.memory_space<vmem>> -> memref<64x128xf32, #tpu.memory_space<vmem>>
        %dma_start3A_432 = arith.constant 64 : i32
        %dma_start3A_433 = tpu.memref_slice %arg7[%add3A_428, %dma_start3A_432] : memref<80x128xi32, #tpu.memory_space<vmem>> -> memref<1x64xi32, #tpu.memory_space<vmem>>
        %dma_start3A_434 = tpu.memref_squeeze %dma_start3A_433 : memref<1x64xi32, #tpu.memory_space<vmem>> -> memref<64xi32, #tpu.memory_space<vmem>>
        %dma_start3A_435 = arith.constant 0 : i32
        %dma_start3A_436 = arith.constant 0 : i32
        %dma_start3A_437 = tpu.memref_slice %arg2[%dma_start3A_435, %dma_start3A_436] : memref<10000x128xf32, #tpu.memory_space<hbm>> -> memref<10000x128xf32, #tpu.memory_space<hbm>>
        tpu.enqueue_indirect_dma source(%dma_start3A_437 : memref<10000x128xf32, #tpu.memory_space<hbm>>) target(%dma_start3A_431 : memref<64x128xf32, #tpu.memory_space<vmem>>) offsets(%dma_start3A_434 : memref<64xi32, #tpu.memory_space<vmem>>) semaphore(%arg13 : memref<!tpu.dma_semaphore, #tpu.memory_space<semaphore_mem>>)
      } else {
      }
      %dma_start3A_404 = arith.constant 3 : i32
      %dma_start3A_405 = arith.constant 0 : i32
      %dma_start3A_406 = tpu.memref_slice %arg9[%dma_start3A_404, %dma_start3A_405] : memref<4x128xi32, #tpu.memory_space<vmem>> -> memref<1x128xi32, #tpu.memory_space<vmem>>
      %dma_start3A_407 = tpu.memref_squeeze %dma_start3A_406 : memref<1x128xi32, #tpu.memory_space<vmem>> -> memref<128xi32, #tpu.memory_space<vmem>>
      %dma_start3A_408 = arith.constant 0 : i32
      %dma_start3A_409 = arith.constant 0 : i32
      %dma_start3A_410 = tpu.memref_slice %arg12[%dma_start3A_408, %dma_start3A_409] : memref<10112x128xf32, #tpu.memory_space<vmem_shared>> -> memref<10112x128xf32, #tpu.memory_space<vmem_shared>>
      tpu.enqueue_indirect_dma source(%arg11 : memref<128x128xf32, #tpu.memory_space<vmem>>) target(%dma_start3A_410 : memref<10112x128xf32, #tpu.memory_space<vmem_shared>>) offsets(%dma_start3A_407 : memref<128xi32, #tpu.memory_space<vmem>>) semaphore(%arg18 : memref<!tpu.dma_semaphore, #tpu.memory_space<semaphore_mem>>) {add = true}
      %lt3A_411 = arith.constant 9 : i32
      %lt3A_412 = arith.cmpi slt, %scan3A_49, %lt3A_411 : i32
      %convert_element_type3A_413 = arith.extui %lt3A_412 : i1 to i32
      %cond3A_414 = arith.constant 0 : i32
      %cond3A_415 = arith.cmpi ne, %convert_element_type3A_413, %cond3A_414 : i32
      scf.if %cond3A_415 {
        %mul3A_416 = arith.constant 2 : i32
        %mul3A_417 = arith.muli %mul3A_416, %scan3A_49 : i32
        %add3A_418 = arith.constant 2 : i32
        %add3A_419 = arith.addi %mul3A_417, %add3A_418 : i32
        %dma_start3A_420 = arith.constant 0 : i32
        %dma_start3A_421 = arith.constant 0 : i32
        %dma_start3A_422 = tpu.memref_slice %arg4[%add3A, %add3A_419, %dma_start3A_420, %dma_start3A_421] : memref<32x20x4x128xi32, #tpu.memory_space<hbm>> -> memref<1x1x4x128xi32, #tpu.memory_space<hbm>>
        %dma_start3A_423 = tpu.memref_squeeze %dma_start3A_422 : memref<1x1x4x128xi32, #tpu.memory_space<hbm>> -> memref<4x128xi32, #tpu.memory_space<hbm>>
        %dma_start3A_424 = arith.constant 0 : i32
        %dma_start3A_425 = arith.constant 0 : i32
        %dma_start3A_426 = tpu.memref_slice %arg4[%add3A, %add3A_419, %dma_start3A_424, %dma_start3A_425] : memref<32x20x4x128xi32, #tpu.memory_space<hbm>> -> memref<1x1x4x128xi32, #tpu.memory_space<hbm>>
        %dma_start3A_427 = tpu.memref_squeeze %dma_start3A_426 : memref<1x1x4x128xi32, #tpu.memory_space<hbm>> -> memref<4x128xi32, #tpu.memory_space<hbm>>
        tpu.enqueue_dma source(%dma_start3A_427 : memref<4x128xi32, #tpu.memory_space<hbm>>) target(%arg8 : memref<4x128xi32, #tpu.memory_space<vmem>>) target_semaphore(%arg15 : memref<!tpu.dma_semaphore, #tpu.memory_space<semaphore_mem>>)
      } else {
      }
    }
    %scan3A_37 = arith.constant 10 : i32
    %dma_wait3A = arith.constant 0 : i32
    %dma_wait3A_38 = arith.constant 0 : i32
    %dma_wait3A_39 = tpu.memref_slice %arg8[%dma_wait3A, %dma_wait3A_38] : memref<4x128xi32, #tpu.memory_space<vmem>> -> memref<1x128xi32, #tpu.memory_space<vmem>>
    %dma_wait3A_40 = tpu.memref_squeeze %dma_wait3A_39 : memref<1x128xi32, #tpu.memory_space<vmem>> -> memref<128xi32, #tpu.memory_space<vmem>>
    %dma_wait3A_41 = arith.constant 0 : i32
    %dma_wait3A_42 = arith.constant 0 : i32
    %dma_wait3A_43 = tpu.memref_slice %arg12[%dma_wait3A_41, %dma_wait3A_42] : memref<10112x128xf32, #tpu.memory_space<vmem_shared>> -> memref<10112x128xf32, #tpu.memory_space<vmem_shared>>
    tpu.wait_indirect_dma semaphore(%arg18 : memref<!tpu.dma_semaphore, #tpu.memory_space<semaphore_mem>>) src(%arg11 : memref<128x128xf32, #tpu.memory_space<vmem>>) dst(%dma_wait3A_43 : memref<10112x128xf32, #tpu.memory_space<vmem_shared>>)
    %barrier3A_44 = arith.constant 0 : index
    tpu.barrier barrier_id(%barrier3A_44)
    %mul3A_45 = arith.constant 632 : i32
    %mul3A_46 = arith.muli %arg1, %mul3A_45 : i32
    %mul3A_47 = arith.constant 632 : i32
    %mul3A_48 = arith.muli %arg1, %mul3A_47 : i32
    "tpu.region"() ({
      %run_scoped3A = tpu.sem_alloc : memref<!tpu.dma_semaphore, #tpu.memory_space<semaphore_mem>>
      %dma_start3A_49 = arith.constant 0 : i32
      %dma_start3A_50 = tpu.memref_slice %arg6[%arg0, %mul3A_48, %dma_start3A_49] : memref<2x10112x128xf32, #tpu.memory_space<hbm>> -> memref<1x632x128xf32, #tpu.memory_space<hbm>>
      %dma_start3A_51 = tpu.memref_squeeze %dma_start3A_50 : memref<1x632x128xf32, #tpu.memory_space<hbm>> -> memref<632x128xf32, #tpu.memory_space<hbm>>
      %dma_start3A_52 = arith.constant 0 : i32
      %dma_start3A_53 = tpu.memref_slice %arg12[%mul3A_46, %dma_start3A_52] : memref<10112x128xf32, #tpu.memory_space<vmem_shared>> -> memref<632x128xf32, #tpu.memory_space<vmem_shared>>
      tpu.enqueue_dma source(%dma_start3A_53 : memref<632x128xf32, #tpu.memory_space<vmem_shared>>) target(%dma_start3A_51 : memref<632x128xf32, #tpu.memory_space<hbm>>) target_semaphore(%run_scoped3A : memref<!tpu.dma_semaphore, #tpu.memory_space<semaphore_mem>>)
      %dma_wait3A_54 = arith.constant 0 : i32
      %dma_wait3A_55 = tpu.memref_slice %arg6[%arg0, %mul3A_48, %dma_wait3A_54] : memref<2x10112x128xf32, #tpu.memory_space<hbm>> -> memref<1x632x128xf32, #tpu.memory_space<hbm>>
      %dma_wait3A_56 = tpu.memref_squeeze %dma_wait3A_55 : memref<1x632x128xf32, #tpu.memory_space<hbm>> -> memref<632x128xf32, #tpu.memory_space<hbm>>
      %dma_wait3A_57 = arith.constant 0 : i32
      %dma_wait3A_58 = tpu.memref_slice %arg12[%mul3A_46, %dma_wait3A_57] : memref<10112x128xf32, #tpu.memory_space<vmem_shared>> -> memref<632x128xf32, #tpu.memory_space<vmem_shared>>
      tpu.wait_dma2 semaphore(%run_scoped3A : memref<!tpu.dma_semaphore, #tpu.memory_space<semaphore_mem>>) src(%dma_wait3A_58 : memref<632x128xf32, #tpu.memory_space<vmem_shared>>) dst(%dma_wait3A_56 : memref<632x128xf32, #tpu.memory_space<hbm>>)
      tpu.yield
    }) : () -> ()
    return
  }
}

#map = affine_map<(d0, d1) -> (0, 0, 0)>
#map1 = affine_map<(d0, d1) -> (0, 0)>
module attributes {stable_mosaic.version = 14 : i64} {
  func.func @_sc_deg(%arg0: i32, %arg1: i32, %arg2: memref<32x80x128xi32, #tpu.memory_space<hbm>>, %arg3: memref<10112x128xf32, #tpu.memory_space<hbm>>, %arg4: memref<128x128xf32, #tpu.memory_space<hbm>>, %arg5: memref<2x10112x128xf32, #tpu.memory_space<hbm>>, %arg6: memref<80x128xi32, #tpu.memory_space<vmem>>, %arg7: memref<128x128xf32, #tpu.memory_space<vmem>>, %arg8: memref<10112x128xf32, #tpu.memory_space<vmem_shared>>, %arg9: memref<!tpu.dma_semaphore, #tpu.memory_space<semaphore_mem>>) attributes {dimension_semantics = [#tpu.dimension_semantics<core_parallel>, #tpu.dimension_semantics<subcore_parallel>], iteration_bounds = array<i64: 2, 16>, scalar_prefetch = 0 : i64, scratch_operands = 4 : i64, tpu.core_type = #tpu.core_type<sc_vector_subcore>, window_params = [{transform_indices = #map}, {transform_indices = #map1}, {transform_indices = #map1}, {transform_indices = #map}]} {
    %mul3A = arith.constant 16 : i32
    %mul3A_0 = arith.muli %arg0, %mul3A : i32
    %add3A = arith.addi %mul3A_0, %arg1 : i32
    "tpu.region"() ({
      %run_scoped3A = tpu.sem_alloc : memref<!tpu.dma_semaphore, #tpu.memory_space<semaphore_mem>>
      %dma_start3A = arith.constant 0 : i32
      %dma_start3A_70 = arith.constant 0 : i32
      %dma_start3A_71 = tpu.memref_slice %arg2[%add3A, %dma_start3A, %dma_start3A_70] : memref<32x80x128xi32, #tpu.memory_space<hbm>> -> memref<1x80x128xi32, #tpu.memory_space<hbm>>
      %dma_start3A_72 = tpu.memref_squeeze %dma_start3A_71 : memref<1x80x128xi32, #tpu.memory_space<hbm>> -> memref<80x128xi32, #tpu.memory_space<hbm>>
      %dma_start3A_73 = arith.constant 0 : i32
      %dma_start3A_74 = arith.constant 0 : i32
      %dma_start3A_75 = tpu.memref_slice %arg2[%add3A, %dma_start3A_73, %dma_start3A_74] : memref<32x80x128xi32, #tpu.memory_space<hbm>> -> memref<1x80x128xi32, #tpu.memory_space<hbm>>
      %dma_start3A_76 = tpu.memref_squeeze %dma_start3A_75 : memref<1x80x128xi32, #tpu.memory_space<hbm>> -> memref<80x128xi32, #tpu.memory_space<hbm>>
      tpu.enqueue_dma source(%dma_start3A_76 : memref<80x128xi32, #tpu.memory_space<hbm>>) target(%arg6 : memref<80x128xi32, #tpu.memory_space<vmem>>) target_semaphore(%run_scoped3A : memref<!tpu.dma_semaphore, #tpu.memory_space<semaphore_mem>>)
      %dma_wait3A_77 = arith.constant 0 : i32
      %dma_wait3A_78 = arith.constant 0 : i32
      %dma_wait3A_79 = tpu.memref_slice %arg2[%add3A, %dma_wait3A_77, %dma_wait3A_78] : memref<32x80x128xi32, #tpu.memory_space<hbm>> -> memref<1x80x128xi32, #tpu.memory_space<hbm>>
      %dma_wait3A_80 = tpu.memref_squeeze %dma_wait3A_79 : memref<1x80x128xi32, #tpu.memory_space<hbm>> -> memref<80x128xi32, #tpu.memory_space<hbm>>
      %dma_wait3A_81 = arith.constant 0 : i32
      %dma_wait3A_82 = arith.constant 0 : i32
      %dma_wait3A_83 = tpu.memref_slice %arg2[%add3A, %dma_wait3A_81, %dma_wait3A_82] : memref<32x80x128xi32, #tpu.memory_space<hbm>> -> memref<1x80x128xi32, #tpu.memory_space<hbm>>
      %dma_wait3A_84 = tpu.memref_squeeze %dma_wait3A_83 : memref<1x80x128xi32, #tpu.memory_space<hbm>> -> memref<80x128xi32, #tpu.memory_space<hbm>>
      tpu.wait_dma2 semaphore(%run_scoped3A : memref<!tpu.dma_semaphore, #tpu.memory_space<semaphore_mem>>) src(%dma_wait3A_84 : memref<80x128xi32, #tpu.memory_space<hbm>>) dst(%arg6 : memref<80x128xi32, #tpu.memory_space<vmem>>)
      tpu.yield
    }) : () -> ()
    %mul3A_1 = arith.constant 632 : i32
    %mul3A_2 = arith.muli %arg1, %mul3A_1 : i32
    %mul3A_3 = arith.constant 632 : i32
    %mul3A_4 = arith.muli %arg1, %mul3A_3 : i32
    "tpu.region"() ({
      %run_scoped3A = tpu.sem_alloc : memref<!tpu.dma_semaphore, #tpu.memory_space<semaphore_mem>>
      %dma_start3A = arith.constant 0 : i32
      %dma_start3A_70 = tpu.memref_slice %arg8[%mul3A_4, %dma_start3A] : memref<10112x128xf32, #tpu.memory_space<vmem_shared>> -> memref<632x128xf32, #tpu.memory_space<vmem_shared>>
      %dma_start3A_71 = arith.constant 0 : i32
      %dma_start3A_72 = tpu.memref_slice %arg3[%mul3A_2, %dma_start3A_71] : memref<10112x128xf32, #tpu.memory_space<hbm>> -> memref<632x128xf32, #tpu.memory_space<hbm>>
      tpu.enqueue_dma source(%dma_start3A_72 : memref<632x128xf32, #tpu.memory_space<hbm>>) target(%dma_start3A_70 : memref<632x128xf32, #tpu.memory_space<vmem_shared>>) target_semaphore(%run_scoped3A : memref<!tpu.dma_semaphore, #tpu.memory_space<semaphore_mem>>)
      %dma_wait3A_73 = arith.constant 0 : i32
      %dma_wait3A_74 = tpu.memref_slice %arg8[%mul3A_4, %dma_wait3A_73] : memref<10112x128xf32, #tpu.memory_space<vmem_shared>> -> memref<632x128xf32, #tpu.memory_space<vmem_shared>>
      %dma_wait3A_75 = arith.constant 0 : i32
      %dma_wait3A_76 = tpu.memref_slice %arg3[%mul3A_2, %dma_wait3A_75] : memref<10112x128xf32, #tpu.memory_space<hbm>> -> memref<632x128xf32, #tpu.memory_space<hbm>>
      tpu.wait_dma2 semaphore(%run_scoped3A : memref<!tpu.dma_semaphore, #tpu.memory_space<semaphore_mem>>) src(%dma_wait3A_76 : memref<632x128xf32, #tpu.memory_space<hbm>>) dst(%dma_wait3A_74 : memref<632x128xf32, #tpu.memory_space<vmem_shared>>)
      tpu.yield
    }) : () -> ()
    "tpu.region"() ({
      %run_scoped3A = tpu.sem_alloc : memref<!tpu.dma_semaphore, #tpu.memory_space<semaphore_mem>>
      tpu.enqueue_dma source(%arg4 : memref<128x128xf32, #tpu.memory_space<hbm>>) target(%arg7 : memref<128x128xf32, #tpu.memory_space<vmem>>) target_semaphore(%run_scoped3A : memref<!tpu.dma_semaphore, #tpu.memory_space<semaphore_mem>>)
      tpu.wait_dma2 semaphore(%run_scoped3A : memref<!tpu.dma_semaphore, #tpu.memory_space<semaphore_mem>>) src(%arg4 : memref<128x128xf32, #tpu.memory_space<hbm>>) dst(%arg7 : memref<128x128xf32, #tpu.memory_space<vmem>>)
      tpu.yield
    }) : () -> ()
    %barrier3A = arith.constant 0 : index
    tpu.barrier barrier_id(%barrier3A)
    %scan3A = arith.constant 0 : i32
    %scan3A_5 = arith.constant 0 : i32
    %scan3A_6 = arith.constant 80 : i32
    %scan3A_7 = arith.addi %scan3A_5, %scan3A_6 : i32
    %scan3A_8 = arith.constant 1 : i32
    scf.for %scan3A_70 = %scan3A_5 to %scan3A_7 step %scan3A_8  : i32 {
      %dma_start3A = arith.constant 0 : i32
      %dma_start3A_71 = tpu.memref_slice %arg6[%scan3A_70, %dma_start3A] : memref<80x128xi32, #tpu.memory_space<vmem>> -> memref<1x128xi32, #tpu.memory_space<vmem>>
      %dma_start3A_72 = tpu.memref_squeeze %dma_start3A_71 : memref<1x128xi32, #tpu.memory_space<vmem>> -> memref<128xi32, #tpu.memory_space<vmem>>
      %dma_start3A_73 = arith.constant 0 : i32
      %dma_start3A_74 = arith.constant 0 : i32
      %dma_start3A_75 = tpu.memref_slice %arg8[%dma_start3A_73, %dma_start3A_74] : memref<10112x128xf32, #tpu.memory_space<vmem_shared>> -> memref<10112x128xf32, #tpu.memory_space<vmem_shared>>
      tpu.enqueue_indirect_dma source(%arg7 : memref<128x128xf32, #tpu.memory_space<vmem>>) target(%dma_start3A_75 : memref<10112x128xf32, #tpu.memory_space<vmem_shared>>) offsets(%dma_start3A_72 : memref<128xi32, #tpu.memory_space<vmem>>) semaphore(%arg9 : memref<!tpu.dma_semaphore, #tpu.memory_space<semaphore_mem>>) {add = true}
      %ge3A = arith.constant 8 : i32
      %ge3A_76 = arith.cmpi sge, %scan3A_70, %ge3A : i32
      %convert_element_type3A = arith.extui %ge3A_76 : i1 to i32
      %cond3A = arith.constant 0 : i32
      %cond3A_77 = arith.cmpi ne, %convert_element_type3A, %cond3A : i32
      scf.if %cond3A_77 {
        %dma_wait3A_78 = arith.constant 0 : i32
        %dma_wait3A_79 = arith.constant 0 : i32
        %dma_wait3A_80 = tpu.memref_slice %arg6[%dma_wait3A_78, %dma_wait3A_79] : memref<80x128xi32, #tpu.memory_space<vmem>> -> memref<1x128xi32, #tpu.memory_space<vmem>>
        %dma_wait3A_81 = tpu.memref_squeeze %dma_wait3A_80 : memref<1x128xi32, #tpu.memory_space<vmem>> -> memref<128xi32, #tpu.memory_space<vmem>>
        %dma_wait3A_82 = arith.constant 0 : i32
        %dma_wait3A_83 = arith.constant 0 : i32
        %dma_wait3A_84 = tpu.memref_slice %arg8[%dma_wait3A_82, %dma_wait3A_83] : memref<10112x128xf32, #tpu.memory_space<vmem_shared>> -> memref<10112x128xf32, #tpu.memory_space<vmem_shared>>
        tpu.wait_indirect_dma semaphore(%arg9 : memref<!tpu.dma_semaphore, #tpu.memory_space<semaphore_mem>>) src(%arg7 : memref<128x128xf32, #tpu.memory_space<vmem>>) dst(%dma_wait3A_84 : memref<10112x128xf32, #tpu.memory_space<vmem_shared>>)
      } else {
      }
    }
    %scan3A_9 = arith.constant 80 : i32
    %dma_wait3A = arith.constant 0 : i32
    %dma_wait3A_10 = arith.constant 0 : i32
    %dma_wait3A_11 = tpu.memref_slice %arg6[%dma_wait3A, %dma_wait3A_10] : memref<80x128xi32, #tpu.memory_space<vmem>> -> memref<1x128xi32, #tpu.memory_space<vmem>>
    %dma_wait3A_12 = tpu.memref_squeeze %dma_wait3A_11 : memref<1x128xi32, #tpu.memory_space<vmem>> -> memref<128xi32, #tpu.memory_space<vmem>>
    %dma_wait3A_13 = arith.constant 0 : i32
    %dma_wait3A_14 = arith.constant 0 : i32
    %dma_wait3A_15 = tpu.memref_slice %arg8[%dma_wait3A_13, %dma_wait3A_14] : memref<10112x128xf32, #tpu.memory_space<vmem_shared>> -> memref<10112x128xf32, #tpu.memory_space<vmem_shared>>
    tpu.wait_indirect_dma semaphore(%arg9 : memref<!tpu.dma_semaphore, #tpu.memory_space<semaphore_mem>>) src(%arg7 : memref<128x128xf32, #tpu.memory_space<vmem>>) dst(%dma_wait3A_15 : memref<10112x128xf32, #tpu.memory_space<vmem_shared>>)
    %dma_wait3A_16 = arith.constant 0 : i32
    %dma_wait3A_17 = arith.constant 0 : i32
    %dma_wait3A_18 = tpu.memref_slice %arg6[%dma_wait3A_16, %dma_wait3A_17] : memref<80x128xi32, #tpu.memory_space<vmem>> -> memref<1x128xi32, #tpu.memory_space<vmem>>
    %dma_wait3A_19 = tpu.memref_squeeze %dma_wait3A_18 : memref<1x128xi32, #tpu.memory_space<vmem>> -> memref<128xi32, #tpu.memory_space<vmem>>
    %dma_wait3A_20 = arith.constant 0 : i32
    %dma_wait3A_21 = arith.constant 0 : i32
    %dma_wait3A_22 = tpu.memref_slice %arg8[%dma_wait3A_20, %dma_wait3A_21] : memref<10112x128xf32, #tpu.memory_space<vmem_shared>> -> memref<10112x128xf32, #tpu.memory_space<vmem_shared>>
    tpu.wait_indirect_dma semaphore(%arg9 : memref<!tpu.dma_semaphore, #tpu.memory_space<semaphore_mem>>) src(%arg7 : memref<128x128xf32, #tpu.memory_space<vmem>>) dst(%dma_wait3A_22 : memref<10112x128xf32, #tpu.memory_space<vmem_shared>>)
    %dma_wait3A_23 = arith.constant 0 : i32
    %dma_wait3A_24 = arith.constant 0 : i32
    %dma_wait3A_25 = tpu.memref_slice %arg6[%dma_wait3A_23, %dma_wait3A_24] : memref<80x128xi32, #tpu.memory_space<vmem>> -> memref<1x128xi32, #tpu.memory_space<vmem>>
    %dma_wait3A_26 = tpu.memref_squeeze %dma_wait3A_25 : memref<1x128xi32, #tpu.memory_space<vmem>> -> memref<128xi32, #tpu.memory_space<vmem>>
    %dma_wait3A_27 = arith.constant 0 : i32
    %dma_wait3A_28 = arith.constant 0 : i32
    %dma_wait3A_29 = tpu.memref_slice %arg8[%dma_wait3A_27, %dma_wait3A_28] : memref<10112x128xf32, #tpu.memory_space<vmem_shared>> -> memref<10112x128xf32, #tpu.memory_space<vmem_shared>>
    tpu.wait_indirect_dma semaphore(%arg9 : memref<!tpu.dma_semaphore, #tpu.memory_space<semaphore_mem>>) src(%arg7 : memref<128x128xf32, #tpu.memory_space<vmem>>) dst(%dma_wait3A_29 : memref<10112x128xf32, #tpu.memory_space<vmem_shared>>)
    %dma_wait3A_30 = arith.constant 0 : i32
    %dma_wait3A_31 = arith.constant 0 : i32
    %dma_wait3A_32 = tpu.memref_slice %arg6[%dma_wait3A_30, %dma_wait3A_31] : memref<80x128xi32, #tpu.memory_space<vmem>> -> memref<1x128xi32, #tpu.memory_space<vmem>>
    %dma_wait3A_33 = tpu.memref_squeeze %dma_wait3A_32 : memref<1x128xi32, #tpu.memory_space<vmem>> -> memref<128xi32, #tpu.memory_space<vmem>>
    %dma_wait3A_34 = arith.constant 0 : i32
    %dma_wait3A_35 = arith.constant 0 : i32
    %dma_wait3A_36 = tpu.memref_slice %arg8[%dma_wait3A_34, %dma_wait3A_35] : memref<10112x128xf32, #tpu.memory_space<vmem_shared>> -> memref<10112x128xf32, #tpu.memory_space<vmem_shared>>
    tpu.wait_indirect_dma semaphore(%arg9 : memref<!tpu.dma_semaphore, #tpu.memory_space<semaphore_mem>>) src(%arg7 : memref<128x128xf32, #tpu.memory_space<vmem>>) dst(%dma_wait3A_36 : memref<10112x128xf32, #tpu.memory_space<vmem_shared>>)
    %dma_wait3A_37 = arith.constant 0 : i32
    %dma_wait3A_38 = arith.constant 0 : i32
    %dma_wait3A_39 = tpu.memref_slice %arg6[%dma_wait3A_37, %dma_wait3A_38] : memref<80x128xi32, #tpu.memory_space<vmem>> -> memref<1x128xi32, #tpu.memory_space<vmem>>
    %dma_wait3A_40 = tpu.memref_squeeze %dma_wait3A_39 : memref<1x128xi32, #tpu.memory_space<vmem>> -> memref<128xi32, #tpu.memory_space<vmem>>
    %dma_wait3A_41 = arith.constant 0 : i32
    %dma_wait3A_42 = arith.constant 0 : i32
    %dma_wait3A_43 = tpu.memref_slice %arg8[%dma_wait3A_41, %dma_wait3A_42] : memref<10112x128xf32, #tpu.memory_space<vmem_shared>> -> memref<10112x128xf32, #tpu.memory_space<vmem_shared>>
    tpu.wait_indirect_dma semaphore(%arg9 : memref<!tpu.dma_semaphore, #tpu.memory_space<semaphore_mem>>) src(%arg7 : memref<128x128xf32, #tpu.memory_space<vmem>>) dst(%dma_wait3A_43 : memref<10112x128xf32, #tpu.memory_space<vmem_shared>>)
    %dma_wait3A_44 = arith.constant 0 : i32
    %dma_wait3A_45 = arith.constant 0 : i32
    %dma_wait3A_46 = tpu.memref_slice %arg6[%dma_wait3A_44, %dma_wait3A_45] : memref<80x128xi32, #tpu.memory_space<vmem>> -> memref<1x128xi32, #tpu.memory_space<vmem>>
    %dma_wait3A_47 = tpu.memref_squeeze %dma_wait3A_46 : memref<1x128xi32, #tpu.memory_space<vmem>> -> memref<128xi32, #tpu.memory_space<vmem>>
    %dma_wait3A_48 = arith.constant 0 : i32
    %dma_wait3A_49 = arith.constant 0 : i32
    %dma_wait3A_50 = tpu.memref_slice %arg8[%dma_wait3A_48, %dma_wait3A_49] : memref<10112x128xf32, #tpu.memory_space<vmem_shared>> -> memref<10112x128xf32, #tpu.memory_space<vmem_shared>>
    tpu.wait_indirect_dma semaphore(%arg9 : memref<!tpu.dma_semaphore, #tpu.memory_space<semaphore_mem>>) src(%arg7 : memref<128x128xf32, #tpu.memory_space<vmem>>) dst(%dma_wait3A_50 : memref<10112x128xf32, #tpu.memory_space<vmem_shared>>)
    %dma_wait3A_51 = arith.constant 0 : i32
    %dma_wait3A_52 = arith.constant 0 : i32
    %dma_wait3A_53 = tpu.memref_slice %arg6[%dma_wait3A_51, %dma_wait3A_52] : memref<80x128xi32, #tpu.memory_space<vmem>> -> memref<1x128xi32, #tpu.memory_space<vmem>>
    %dma_wait3A_54 = tpu.memref_squeeze %dma_wait3A_53 : memref<1x128xi32, #tpu.memory_space<vmem>> -> memref<128xi32, #tpu.memory_space<vmem>>
    %dma_wait3A_55 = arith.constant 0 : i32
    %dma_wait3A_56 = arith.constant 0 : i32
    %dma_wait3A_57 = tpu.memref_slice %arg8[%dma_wait3A_55, %dma_wait3A_56] : memref<10112x128xf32, #tpu.memory_space<vmem_shared>> -> memref<10112x128xf32, #tpu.memory_space<vmem_shared>>
    tpu.wait_indirect_dma semaphore(%arg9 : memref<!tpu.dma_semaphore, #tpu.memory_space<semaphore_mem>>) src(%arg7 : memref<128x128xf32, #tpu.memory_space<vmem>>) dst(%dma_wait3A_57 : memref<10112x128xf32, #tpu.memory_space<vmem_shared>>)
    %dma_wait3A_58 = arith.constant 0 : i32
    %dma_wait3A_59 = arith.constant 0 : i32
    %dma_wait3A_60 = tpu.memref_slice %arg6[%dma_wait3A_58, %dma_wait3A_59] : memref<80x128xi32, #tpu.memory_space<vmem>> -> memref<1x128xi32, #tpu.memory_space<vmem>>
    %dma_wait3A_61 = tpu.memref_squeeze %dma_wait3A_60 : memref<1x128xi32, #tpu.memory_space<vmem>> -> memref<128xi32, #tpu.memory_space<vmem>>
    %dma_wait3A_62 = arith.constant 0 : i32
    %dma_wait3A_63 = arith.constant 0 : i32
    %dma_wait3A_64 = tpu.memref_slice %arg8[%dma_wait3A_62, %dma_wait3A_63] : memref<10112x128xf32, #tpu.memory_space<vmem_shared>> -> memref<10112x128xf32, #tpu.memory_space<vmem_shared>>
    tpu.wait_indirect_dma semaphore(%arg9 : memref<!tpu.dma_semaphore, #tpu.memory_space<semaphore_mem>>) src(%arg7 : memref<128x128xf32, #tpu.memory_space<vmem>>) dst(%dma_wait3A_64 : memref<10112x128xf32, #tpu.memory_space<vmem_shared>>)
    %barrier3A_65 = arith.constant 0 : index
    tpu.barrier barrier_id(%barrier3A_65)
    %mul3A_66 = arith.constant 632 : i32
    %mul3A_67 = arith.muli %arg1, %mul3A_66 : i32
    %mul3A_68 = arith.constant 632 : i32
    %mul3A_69 = arith.muli %arg1, %mul3A_68 : i32
    "tpu.region"() ({
      %run_scoped3A = tpu.sem_alloc : memref<!tpu.dma_semaphore, #tpu.memory_space<semaphore_mem>>
      %dma_start3A = arith.constant 0 : i32
      %dma_start3A_70 = tpu.memref_slice %arg5[%arg0, %mul3A_69, %dma_start3A] : memref<2x10112x128xf32, #tpu.memory_space<hbm>> -> memref<1x632x128xf32, #tpu.memory_space<hbm>>
      %dma_start3A_71 = tpu.memref_squeeze %dma_start3A_70 : memref<1x632x128xf32, #tpu.memory_space<hbm>> -> memref<632x128xf32, #tpu.memory_space<hbm>>
      %dma_start3A_72 = arith.constant 0 : i32
      %dma_start3A_73 = tpu.memref_slice %arg8[%mul3A_67, %dma_start3A_72] : memref<10112x128xf32, #tpu.memory_space<vmem_shared>> -> memref<632x128xf32, #tpu.memory_space<vmem_shared>>
      tpu.enqueue_dma source(%dma_start3A_73 : memref<632x128xf32, #tpu.memory_space<vmem_shared>>) target(%dma_start3A_71 : memref<632x128xf32, #tpu.memory_space<hbm>>) target_semaphore(%run_scoped3A : memref<!tpu.dma_semaphore, #tpu.memory_space<semaphore_mem>>)
      %dma_wait3A_74 = arith.constant 0 : i32
      %dma_wait3A_75 = tpu.memref_slice %arg5[%arg0, %mul3A_69, %dma_wait3A_74] : memref<2x10112x128xf32, #tpu.memory_space<hbm>> -> memref<1x632x128xf32, #tpu.memory_space<hbm>>
      %dma_wait3A_76 = tpu.memref_squeeze %dma_wait3A_75 : memref<1x632x128xf32, #tpu.memory_space<hbm>> -> memref<632x128xf32, #tpu.memory_space<hbm>>
      %dma_wait3A_77 = arith.constant 0 : i32
      %dma_wait3A_78 = tpu.memref_slice %arg8[%mul3A_67, %dma_wait3A_77] : memref<10112x128xf32, #tpu.memory_space<vmem_shared>> -> memref<632x128xf32, #tpu.memory_space<vmem_shared>>
      tpu.wait_dma2 semaphore(%run_scoped3A : memref<!tpu.dma_semaphore, #tpu.memory_space<semaphore_mem>>) src(%dma_wait3A_78 : memref<632x128xf32, #tpu.memory_space<vmem_shared>>) dst(%dma_wait3A_76 : memref<632x128xf32, #tpu.memory_space<hbm>>)
      tpu.yield
    }) : () -> ()
    return
  }
}

#map = affine_map<(d0, d1) -> (0, 0)>
#map1 = affine_map<(d0, d1) -> (0, 0, 0)>
#map2 = affine_map<(d0, d1) -> (0, 0, 0, 0)>
module attributes {stable_mosaic.version = 14 : i64} {
  func.func @_sc_agg(%arg0: i32, %arg1: i32, %arg2: memref<10000x128xf32, #tpu.memory_space<hbm>>, %arg3: memref<32x80x128xi32, #tpu.memory_space<hbm>>, %arg4: memref<32x20x4x128xi32, #tpu.memory_space<hbm>>, %arg5: memref<10112x128xf32, #tpu.memory_space<hbm>>, %arg6: memref<2x10112x128xf32, #tpu.memory_space<hbm>>, %arg7: memref<80x128xi32, #tpu.memory_space<vmem>>, %arg8: memref<4x128xi32, #tpu.memory_space<vmem>>, %arg9: memref<4x128xi32, #tpu.memory_space<vmem>>, %arg10: memref<128x128xf32, #tpu.memory_space<vmem>>, %arg11: memref<128x128xf32, #tpu.memory_space<vmem>>, %arg12: memref<10112x128xf32, #tpu.memory_space<vmem_shared>>, %arg13: memref<!tpu.dma_semaphore, #tpu.memory_space<semaphore_mem>>, %arg14: memref<!tpu.dma_semaphore, #tpu.memory_space<semaphore_mem>>, %arg15: memref<!tpu.dma_semaphore, #tpu.memory_space<semaphore_mem>>, %arg16: memref<!tpu.dma_semaphore, #tpu.memory_space<semaphore_mem>>, %arg17: memref<!tpu.dma_semaphore, #tpu.memory_space<semaphore_mem>>, %arg18: memref<!tpu.dma_semaphore, #tpu.memory_space<semaphore_mem>>) attributes {dimension_semantics = [#tpu.dimension_semantics<core_parallel>, #tpu.dimension_semantics<subcore_parallel>], iteration_bounds = array<i64: 2, 16>, scalar_prefetch = 0 : i64, scratch_operands = 12 : i64, tpu.core_type = #tpu.core_type<sc_vector_subcore>, window_params = [{transform_indices = #map}, {transform_indices = #map1}, {transform_indices = #map2}, {transform_indices = #map}, {transform_indices = #map1}]} {
    %mul3A = arith.constant 16 : i32
    %mul3A_0 = arith.muli %arg0, %mul3A : i32
    %add3A = arith.addi %mul3A_0, %arg1 : i32
    "tpu.region"() ({
      %run_scoped3A = tpu.sem_alloc : memref<!tpu.dma_semaphore, #tpu.memory_space<semaphore_mem>>
      %dma_start3A_49 = arith.constant 0 : i32
      %dma_start3A_50 = arith.constant 0 : i32
      %dma_start3A_51 = tpu.memref_slice %arg3[%add3A, %dma_start3A_49, %dma_start3A_50] : memref<32x80x128xi32, #tpu.memory_space<hbm>> -> memref<1x80x128xi32, #tpu.memory_space<hbm>>
      %dma_start3A_52 = tpu.memref_squeeze %dma_start3A_51 : memref<1x80x128xi32, #tpu.memory_space<hbm>> -> memref<80x128xi32, #tpu.memory_space<hbm>>
      %dma_start3A_53 = arith.constant 0 : i32
      %dma_start3A_54 = arith.constant 0 : i32
      %dma_start3A_55 = tpu.memref_slice %arg3[%add3A, %dma_start3A_53, %dma_start3A_54] : memref<32x80x128xi32, #tpu.memory_space<hbm>> -> memref<1x80x128xi32, #tpu.memory_space<hbm>>
      %dma_start3A_56 = tpu.memref_squeeze %dma_start3A_55 : memref<1x80x128xi32, #tpu.memory_space<hbm>> -> memref<80x128xi32, #tpu.memory_space<hbm>>
      tpu.enqueue_dma source(%dma_start3A_56 : memref<80x128xi32, #tpu.memory_space<hbm>>) target(%arg7 : memref<80x128xi32, #tpu.memory_space<vmem>>) target_semaphore(%run_scoped3A : memref<!tpu.dma_semaphore, #tpu.memory_space<semaphore_mem>>)
      %dma_wait3A_57 = arith.constant 0 : i32
      %dma_wait3A_58 = arith.constant 0 : i32
      %dma_wait3A_59 = tpu.memref_slice %arg3[%add3A, %dma_wait3A_57, %dma_wait3A_58] : memref<32x80x128xi32, #tpu.memory_space<hbm>> -> memref<1x80x128xi32, #tpu.memory_space<hbm>>
      %dma_wait3A_60 = tpu.memref_squeeze %dma_wait3A_59 : memref<1x80x128xi32, #tpu.memory_space<hbm>> -> memref<80x128xi32, #tpu.memory_space<hbm>>
      %dma_wait3A_61 = arith.constant 0 : i32
      %dma_wait3A_62 = arith.constant 0 : i32
      %dma_wait3A_63 = tpu.memref_slice %arg3[%add3A, %dma_wait3A_61, %dma_wait3A_62] : memref<32x80x128xi32, #tpu.memory_space<hbm>> -> memref<1x80x128xi32, #tpu.memory_space<hbm>>
      %dma_wait3A_64 = tpu.memref_squeeze %dma_wait3A_63 : memref<1x80x128xi32, #tpu.memory_space<hbm>> -> memref<80x128xi32, #tpu.memory_space<hbm>>
      tpu.wait_dma2 semaphore(%run_scoped3A : memref<!tpu.dma_semaphore, #tpu.memory_space<semaphore_mem>>) src(%dma_wait3A_64 : memref<80x128xi32, #tpu.memory_space<hbm>>) dst(%arg7 : memref<80x128xi32, #tpu.memory_space<vmem>>)
      tpu.yield
    }) : () -> ()
    %dma_start3A = arith.constant 0 : i32
    %dma_start3A_1 = arith.constant 0 : i32
    %dma_start3A_2 = arith.constant 0 : i32
    %dma_start3A_3 = tpu.memref_slice %arg4[%add3A, %dma_start3A, %dma_start3A_1, %dma_start3A_2] : memref<32x20x4x128xi32, #tpu.memory_space<hbm>> -> memref<1x1x4x128xi32, #tpu.memory_space<hbm>>
    %dma_start3A_4 = tpu.memref_squeeze %dma_start3A_3 : memref<1x1x4x128xi32, #tpu.memory_space<hbm>> -> memref<4x128xi32, #tpu.memory_space<hbm>>
    %dma_start3A_5 = arith.constant 0 : i32
    %dma_start3A_6 = arith.constant 0 : i32
    %dma_start3A_7 = tpu.memref_slice %arg4[%add3A, %dma_start3A, %dma_start3A_5, %dma_start3A_6] : memref<32x20x4x128xi32, #tpu.memory_space<hbm>> -> memref<1x1x4x128xi32, #tpu.memory_space<hbm>>
    %dma_start3A_8 = tpu.memref_squeeze %dma_start3A_7 : memref<1x1x4x128xi32, #tpu.memory_space<hbm>> -> memref<4x128xi32, #tpu.memory_space<hbm>>
    tpu.enqueue_dma source(%dma_start3A_8 : memref<4x128xi32, #tpu.memory_space<hbm>>) target(%arg8 : memref<4x128xi32, #tpu.memory_space<vmem>>) target_semaphore(%arg15 : memref<!tpu.dma_semaphore, #tpu.memory_space<semaphore_mem>>)
    %mul3A_9 = arith.constant 632 : i32
    %mul3A_10 = arith.muli %arg1, %mul3A_9 : i32
    %mul3A_11 = arith.constant 632 : i32
    %mul3A_12 = arith.muli %arg1, %mul3A_11 : i32
    "tpu.region"() ({
      %run_scoped3A = tpu.sem_alloc : memref<!tpu.dma_semaphore, #tpu.memory_space<semaphore_mem>>
      %dma_start3A_49 = arith.constant 0 : i32
      %dma_start3A_50 = tpu.memref_slice %arg12[%mul3A_12, %dma_start3A_49] : memref<10112x128xf32, #tpu.memory_space<vmem_shared>> -> memref<632x128xf32, #tpu.memory_space<vmem_shared>>
      %dma_start3A_51 = arith.constant 0 : i32
      %dma_start3A_52 = tpu.memref_slice %arg5[%mul3A_10, %dma_start3A_51] : memref<10112x128xf32, #tpu.memory_space<hbm>> -> memref<632x128xf32, #tpu.memory_space<hbm>>
      tpu.enqueue_dma source(%dma_start3A_52 : memref<632x128xf32, #tpu.memory_space<hbm>>) target(%dma_start3A_50 : memref<632x128xf32, #tpu.memory_space<vmem_shared>>) target_semaphore(%run_scoped3A : memref<!tpu.dma_semaphore, #tpu.memory_space<semaphore_mem>>)
      %dma_wait3A_53 = arith.constant 0 : i32
      %dma_wait3A_54 = tpu.memref_slice %arg12[%mul3A_12, %dma_wait3A_53] : memref<10112x128xf32, #tpu.memory_space<vmem_shared>> -> memref<632x128xf32, #tpu.memory_space<vmem_shared>>
      %dma_wait3A_55 = arith.constant 0 : i32
      %dma_wait3A_56 = tpu.memref_slice %arg5[%mul3A_10, %dma_wait3A_55] : memref<10112x128xf32, #tpu.memory_space<hbm>> -> memref<632x128xf32, #tpu.memory_space<hbm>>
      tpu.wait_dma2 semaphore(%run_scoped3A : memref<!tpu.dma_semaphore, #tpu.memory_space<semaphore_mem>>) src(%dma_wait3A_56 : memref<632x128xf32, #tpu.memory_space<hbm>>) dst(%dma_wait3A_54 : memref<632x128xf32, #tpu.memory_space<vmem_shared>>)
      tpu.yield
    }) : () -> ()
    %barrier3A = arith.constant 0 : index
    tpu.barrier barrier_id(%barrier3A)
    %dma_start3A_13 = arith.constant 0 : i32
    %dma_start3A_14 = arith.constant 0 : i32
    %dma_start3A_15 = arith.constant 0 : i32
    %dma_start3A_16 = tpu.memref_slice %arg10[%dma_start3A_14, %dma_start3A_15] : memref<128x128xf32, #tpu.memory_space<vmem>> -> memref<64x128xf32, #tpu.memory_space<vmem>>
    %dma_start3A_17 = arith.constant 0 : i32
    %dma_start3A_18 = tpu.memref_slice %arg7[%dma_start3A_13, %dma_start3A_17] : memref<80x128xi32, #tpu.memory_space<vmem>> -> memref<1x64xi32, #tpu.memory_space<vmem>>
    %dma_start3A_19 = tpu.memref_squeeze %dma_start3A_18 : memref<1x64xi32, #tpu.memory_space<vmem>> -> memref<64xi32, #tpu.memory_space<vmem>>
    %dma_start3A_20 = arith.constant 0 : i32
    %dma_start3A_21 = arith.constant 0 : i32
    %dma_start3A_22 = tpu.memref_slice %arg2[%dma_start3A_20, %dma_start3A_21] : memref<10000x128xf32, #tpu.memory_space<hbm>> -> memref<10000x128xf32, #tpu.memory_space<hbm>>
    tpu.enqueue_indirect_dma source(%dma_start3A_22 : memref<10000x128xf32, #tpu.memory_space<hbm>>) target(%dma_start3A_16 : memref<64x128xf32, #tpu.memory_space<vmem>>) offsets(%dma_start3A_19 : memref<64xi32, #tpu.memory_space<vmem>>) semaphore(%arg13 : memref<!tpu.dma_semaphore, #tpu.memory_space<semaphore_mem>>)
    %dma_start3A_23 = arith.constant 0 : i32
    %dma_start3A_24 = arith.constant 64 : i32
    %dma_start3A_25 = arith.constant 0 : i32
    %dma_start3A_26 = tpu.memref_slice %arg10[%dma_start3A_24, %dma_start3A_25] : memref<128x128xf32, #tpu.memory_space<vmem>> -> memref<64x128xf32, #tpu.memory_space<vmem>>
    %dma_start3A_27 = arith.constant 64 : i32
    %dma_start3A_28 = tpu.memref_slice %arg7[%dma_start3A_23, %dma_start3A_27] : memref<80x128xi32, #tpu.memory_space<vmem>> -> memref<1x64xi32, #tpu.memory_space<vmem>>
    %dma_start3A_29 = tpu.memref_squeeze %dma_start3A_28 : memref<1x64xi32, #tpu.memory_space<vmem>> -> memref<64xi32, #tpu.memory_space<vmem>>
    %dma_start3A_30 = arith.constant 0 : i32
    %dma_start3A_31 = arith.constant 0 : i32
    %dma_start3A_32 = tpu.memref_slice %arg2[%dma_start3A_30, %dma_start3A_31] : memref<10000x128xf32, #tpu.memory_space<hbm>> -> memref<10000x128xf32, #tpu.memory_space<hbm>>
    tpu.enqueue_indirect_dma source(%dma_start3A_32 : memref<10000x128xf32, #tpu.memory_space<hbm>>) target(%dma_start3A_26 : memref<64x128xf32, #tpu.memory_space<vmem>>) offsets(%dma_start3A_29 : memref<64xi32, #tpu.memory_space<vmem>>) semaphore(%arg13 : memref<!tpu.dma_semaphore, #tpu.memory_space<semaphore_mem>>)
    %scan3A = arith.constant 0 : i32
    %scan3A_33 = arith.constant 0 : i32
    %scan3A_34 = arith.constant 10 : i32
    %scan3A_35 = arith.addi %scan3A_33, %scan3A_34 : i32
    %scan3A_36 = arith.constant 1 : i32
    scf.for %scan3A_49 = %scan3A_33 to %scan3A_35 step %scan3A_36  : i32 {
      %mul3A_50 = arith.constant 8 : i32
      %mul3A_51 = arith.muli %mul3A_50, %scan3A_49 : i32
      %dma_wait3A_52 = arith.constant 0 : i32
      %dma_wait3A_53 = arith.constant 0 : i32
      %dma_wait3A_54 = arith.constant 0 : i32
      %dma_wait3A_55 = tpu.memref_slice %arg4[%add3A, %dma_wait3A_52, %dma_wait3A_53, %dma_wait3A_54] : memref<32x20x4x128xi32, #tpu.memory_space<hbm>> -> memref<1x1x4x128xi32, #tpu.memory_space<hbm>>
      %dma_wait3A_56 = tpu.memref_squeeze %dma_wait3A_55 : memref<1x1x4x128xi32, #tpu.memory_space<hbm>> -> memref<4x128xi32, #tpu.memory_space<hbm>>
      %dma_wait3A_57 = arith.constant 0 : i32
      %dma_wait3A_58 = arith.constant 0 : i32
      %dma_wait3A_59 = tpu.memref_slice %arg4[%add3A, %dma_wait3A_52, %dma_wait3A_57, %dma_wait3A_58] : memref<32x20x4x128xi32, #tpu.memory_space<hbm>> -> memref<1x1x4x128xi32, #tpu.memory_space<hbm>>
      %dma_wait3A_60 = tpu.memref_squeeze %dma_wait3A_59 : memref<1x1x4x128xi32, #tpu.memory_space<hbm>> -> memref<4x128xi32, #tpu.memory_space<hbm>>
      tpu.wait_dma2 semaphore(%arg15 : memref<!tpu.dma_semaphore, #tpu.memory_space<semaphore_mem>>) src(%dma_wait3A_60 : memref<4x128xi32, #tpu.memory_space<hbm>>) dst(%arg8 : memref<4x128xi32, #tpu.memory_space<vmem>>)
      %add3A_61 = arith.constant 0 : i32
      %add3A_62 = arith.addi %mul3A_51, %add3A_61 : i32
      %dma_wait3A_63 = arith.constant 0 : i32
      %dma_wait3A_64 = tpu.memref_slice %arg7[%add3A_62, %dma_wait3A_63] : memref<80x128xi32, #tpu.memory_space<vmem>> -> memref<1x128xi32, #tpu.memory_space<vmem>>
      %dma_wait3A_65 = tpu.memref_squeeze %dma_wait3A_64 : memref<1x128xi32, #tpu.memory_space<vmem>> -> memref<128xi32, #tpu.memory_space<vmem>>
      %dma_wait3A_66 = arith.constant 0 : i32
      %dma_wait3A_67 = arith.constant 0 : i32
      %dma_wait3A_68 = tpu.memref_slice %arg2[%dma_wait3A_66, %dma_wait3A_67] : memref<10000x128xf32, #tpu.memory_space<hbm>> -> memref<10000x128xf32, #tpu.memory_space<hbm>>
      tpu.wait_indirect_dma semaphore(%arg13 : memref<!tpu.dma_semaphore, #tpu.memory_space<semaphore_mem>>) src(%dma_wait3A_68 : memref<10000x128xf32, #tpu.memory_space<hbm>>) dst(%arg10 : memref<128x128xf32, #tpu.memory_space<vmem>>)
      %gt3A = arith.constant 0 : i32
      %gt3A_69 = arith.cmpi sgt, %scan3A_49, %gt3A : i32
      %convert_element_type3A = arith.extui %gt3A_69 : i1 to i32
      %cond3A = arith.constant 0 : i32
      %cond3A_70 = arith.cmpi ne, %convert_element_type3A, %cond3A : i32
      scf.if %cond3A_70 {
        %dma_wait3A_416 = arith.constant 0 : i32
        %dma_wait3A_417 = arith.constant 0 : i32
        %dma_wait3A_418 = tpu.memref_slice %arg8[%dma_wait3A_416, %dma_wait3A_417] : memref<4x128xi32, #tpu.memory_space<vmem>> -> memref<1x128xi32, #tpu.memory_space<vmem>>
        %dma_wait3A_419 = tpu.memref_squeeze %dma_wait3A_418 : memref<1x128xi32, #tpu.memory_space<vmem>> -> memref<128xi32, #tpu.memory_space<vmem>>
        %dma_wait3A_420 = arith.constant 0 : i32
        %dma_wait3A_421 = arith.constant 0 : i32
        %dma_wait3A_422 = tpu.memref_slice %arg12[%dma_wait3A_420, %dma_wait3A_421] : memref<10112x128xf32, #tpu.memory_space<vmem_shared>> -> memref<10112x128xf32, #tpu.memory_space<vmem_shared>>
        tpu.wait_indirect_dma semaphore(%arg18 : memref<!tpu.dma_semaphore, #tpu.memory_space<semaphore_mem>>) src(%arg11 : memref<128x128xf32, #tpu.memory_space<vmem>>) dst(%dma_wait3A_422 : memref<10112x128xf32, #tpu.memory_space<vmem_shared>>)
      } else {
      }
      %mul3A_71 = arith.constant 2 : i32
      %mul3A_72 = arith.muli %mul3A_71, %scan3A_49 : i32
      %add3A_73 = arith.constant 1 : i32
      %add3A_74 = arith.addi %mul3A_72, %add3A_73 : i32
      %dma_start3A_75 = arith.constant 0 : i32
      %dma_start3A_76 = arith.constant 0 : i32
      %dma_start3A_77 = tpu.memref_slice %arg4[%add3A, %add3A_74, %dma_start3A_75, %dma_start3A_76] : memref<32x20x4x128xi32, #tpu.memory_space<hbm>> -> memref<1x1x4x128xi32, #tpu.memory_space<hbm>>
      %dma_start3A_78 = tpu.memref_squeeze %dma_start3A_77 : memref<1x1x4x128xi32, #tpu.memory_space<hbm>> -> memref<4x128xi32, #tpu.memory_space<hbm>>
      %dma_start3A_79 = arith.constant 0 : i32
      %dma_start3A_80 = arith.constant 0 : i32
      %dma_start3A_81 = tpu.memref_slice %arg4[%add3A, %add3A_74, %dma_start3A_79, %dma_start3A_80] : memref<32x20x4x128xi32, #tpu.memory_space<hbm>> -> memref<1x1x4x128xi32, #tpu.memory_space<hbm>>
      %dma_start3A_82 = tpu.memref_squeeze %dma_start3A_81 : memref<1x1x4x128xi32, #tpu.memory_space<hbm>> -> memref<4x128xi32, #tpu.memory_space<hbm>>
      tpu.enqueue_dma source(%dma_start3A_82 : memref<4x128xi32, #tpu.memory_space<hbm>>) target(%arg9 : memref<4x128xi32, #tpu.memory_space<vmem>>) target_semaphore(%arg16 : memref<!tpu.dma_semaphore, #tpu.memory_space<semaphore_mem>>)
      %add3A_83 = arith.constant 1 : i32
      %add3A_84 = arith.addi %add3A_62, %add3A_83 : i32
      %dma_start3A_85 = arith.constant 0 : i32
      %dma_start3A_86 = arith.constant 0 : i32
      %dma_start3A_87 = tpu.memref_slice %arg11[%dma_start3A_85, %dma_start3A_86] : memref<128x128xf32, #tpu.memory_space<vmem>> -> memref<64x128xf32, #tpu.memory_space<vmem>>
      %dma_start3A_88 = arith.constant 0 : i32
      %dma_start3A_89 = tpu.memref_slice %arg7[%add3A_84, %dma_start3A_88] : memref<80x128xi32, #tpu.memory_space<vmem>> -> memref<1x64xi32, #tpu.memory_space<vmem>>
      %dma_start3A_90 = tpu.memref_squeeze %dma_start3A_89 : memref<1x64xi32, #tpu.memory_space<vmem>> -> memref<64xi32, #tpu.memory_space<vmem>>
      %dma_start3A_91 = arith.constant 0 : i32
      %dma_start3A_92 = arith.constant 0 : i32
      %dma_start3A_93 = tpu.memref_slice %arg2[%dma_start3A_91, %dma_start3A_92] : memref<10000x128xf32, #tpu.memory_space<hbm>> -> memref<10000x128xf32, #tpu.memory_space<hbm>>
      tpu.enqueue_indirect_dma source(%dma_start3A_93 : memref<10000x128xf32, #tpu.memory_space<hbm>>) target(%dma_start3A_87 : memref<64x128xf32, #tpu.memory_space<vmem>>) offsets(%dma_start3A_90 : memref<64xi32, #tpu.memory_space<vmem>>) semaphore(%arg14 : memref<!tpu.dma_semaphore, #tpu.memory_space<semaphore_mem>>)
      %add3A_94 = arith.constant 1 : i32
      %add3A_95 = arith.addi %add3A_62, %add3A_94 : i32
      %dma_start3A_96 = arith.constant 64 : i32
      %dma_start3A_97 = arith.constant 0 : i32
      %dma_start3A_98 = tpu.memref_slice %arg11[%dma_start3A_96, %dma_start3A_97] : memref<128x128xf32, #tpu.memory_space<vmem>> -> memref<64x128xf32, #tpu.memory_space<vmem>>
      %dma_start3A_99 = arith.constant 64 : i32
      %dma_start3A_100 = tpu.memref_slice %arg7[%add3A_95, %dma_start3A_99] : memref<80x128xi32, #tpu.memory_space<vmem>> -> memref<1x64xi32, #tpu.memory_space<vmem>>
      %dma_start3A_101 = tpu.memref_squeeze %dma_start3A_100 : memref<1x64xi32, #tpu.memory_space<vmem>> -> memref<64xi32, #tpu.memory_space<vmem>>
      %dma_start3A_102 = arith.constant 0 : i32
      %dma_start3A_103 = arith.constant 0 : i32
      %dma_start3A_104 = tpu.memref_slice %arg2[%dma_start3A_102, %dma_start3A_103] : memref<10000x128xf32, #tpu.memory_space<hbm>> -> memref<10000x128xf32, #tpu.memory_space<hbm>>
      tpu.enqueue_indirect_dma source(%dma_start3A_104 : memref<10000x128xf32, #tpu.memory_space<hbm>>) target(%dma_start3A_98 : memref<64x128xf32, #tpu.memory_space<vmem>>) offsets(%dma_start3A_101 : memref<64xi32, #tpu.memory_space<vmem>>) semaphore(%arg14 : memref<!tpu.dma_semaphore, #tpu.memory_space<semaphore_mem>>)
      %dma_start3A_105 = arith.constant 0 : i32
      %dma_start3A_106 = arith.constant 0 : i32
      %dma_start3A_107 = tpu.memref_slice %arg8[%dma_start3A_105, %dma_start3A_106] : memref<4x128xi32, #tpu.memory_space<vmem>> -> memref<1x128xi32, #tpu.memory_space<vmem>>
      %dma_start3A_108 = tpu.memref_squeeze %dma_start3A_107 : memref<1x128xi32, #tpu.memory_space<vmem>> -> memref<128xi32, #tpu.memory_space<vmem>>
      %dma_start3A_109 = arith.constant 0 : i32
      %dma_start3A_110 = arith.constant 0 : i32
      %dma_start3A_111 = tpu.memref_slice %arg12[%dma_start3A_109, %dma_start3A_110] : memref<10112x128xf32, #tpu.memory_space<vmem_shared>> -> memref<10112x128xf32, #tpu.memory_space<vmem_shared>>
      tpu.enqueue_indirect_dma source(%arg10 : memref<128x128xf32, #tpu.memory_space<vmem>>) target(%dma_start3A_111 : memref<10112x128xf32, #tpu.memory_space<vmem_shared>>) offsets(%dma_start3A_108 : memref<128xi32, #tpu.memory_space<vmem>>) semaphore(%arg17 : memref<!tpu.dma_semaphore, #tpu.memory_space<semaphore_mem>>) {add = true}
      %add3A_112 = arith.constant 1 : i32
      %add3A_113 = arith.addi %mul3A_51, %add3A_112 : i32
      %dma_wait3A_114 = arith.constant 0 : i32
      %dma_wait3A_115 = tpu.memref_slice %arg7[%add3A_113, %dma_wait3A_114] : memref<80x128xi32, #tpu.memory_space<vmem>> -> memref<1x128xi32, #tpu.memory_space<vmem>>
      %dma_wait3A_116 = tpu.memref_squeeze %dma_wait3A_115 : memref<1x128xi32, #tpu.memory_space<vmem>> -> memref<128xi32, #tpu.memory_space<vmem>>
      %dma_wait3A_117 = arith.constant 0 : i32
      %dma_wait3A_118 = arith.constant 0 : i32
      %dma_wait3A_119 = tpu.memref_slice %arg2[%dma_wait3A_117, %dma_wait3A_118] : memref<10000x128xf32, #tpu.memory_space<hbm>> -> memref<10000x128xf32, #tpu.memory_space<hbm>>
      tpu.wait_indirect_dma semaphore(%arg14 : memref<!tpu.dma_semaphore, #tpu.memory_space<semaphore_mem>>) src(%dma_wait3A_119 : memref<10000x128xf32, #tpu.memory_space<hbm>>) dst(%arg11 : memref<128x128xf32, #tpu.memory_space<vmem>>)
      %dma_wait3A_120 = arith.constant 0 : i32
      %dma_wait3A_121 = arith.constant 0 : i32
      %dma_wait3A_122 = tpu.memref_slice %arg8[%dma_wait3A_120, %dma_wait3A_121] : memref<4x128xi32, #tpu.memory_space<vmem>> -> memref<1x128xi32, #tpu.memory_space<vmem>>
      %dma_wait3A_123 = tpu.memref_squeeze %dma_wait3A_122 : memref<1x128xi32, #tpu.memory_space<vmem>> -> memref<128xi32, #tpu.memory_space<vmem>>
      %dma_wait3A_124 = arith.constant 0 : i32
      %dma_wait3A_125 = arith.constant 0 : i32
      %dma_wait3A_126 = tpu.memref_slice %arg12[%dma_wait3A_124, %dma_wait3A_125] : memref<10112x128xf32, #tpu.memory_space<vmem_shared>> -> memref<10112x128xf32, #tpu.memory_space<vmem_shared>>
      tpu.wait_indirect_dma semaphore(%arg17 : memref<!tpu.dma_semaphore, #tpu.memory_space<semaphore_mem>>) src(%arg10 : memref<128x128xf32, #tpu.memory_space<vmem>>) dst(%dma_wait3A_126 : memref<10112x128xf32, #tpu.memory_space<vmem_shared>>)
      %add3A_127 = arith.constant 1 : i32
      %add3A_128 = arith.addi %add3A_113, %add3A_127 : i32
      %dma_start3A_129 = arith.constant 0 : i32
      %dma_start3A_130 = arith.constant 0 : i32
      %dma_start3A_131 = tpu.memref_slice %arg10[%dma_start3A_129, %dma_start3A_130] : memref<128x128xf32, #tpu.memory_space<vmem>> -> memref<64x128xf32, #tpu.memory_space<vmem>>
      %dma_start3A_132 = arith.constant 0 : i32
      %dma_start3A_133 = tpu.memref_slice %arg7[%add3A_128, %dma_start3A_132] : memref<80x128xi32, #tpu.memory_space<vmem>> -> memref<1x64xi32, #tpu.memory_space<vmem>>
      %dma_start3A_134 = tpu.memref_squeeze %dma_start3A_133 : memref<1x64xi32, #tpu.memory_space<vmem>> -> memref<64xi32, #tpu.memory_space<vmem>>
      %dma_start3A_135 = arith.constant 0 : i32
      %dma_start3A_136 = arith.constant 0 : i32
      %dma_start3A_137 = tpu.memref_slice %arg2[%dma_start3A_135, %dma_start3A_136] : memref<10000x128xf32, #tpu.memory_space<hbm>> -> memref<10000x128xf32, #tpu.memory_space<hbm>>
      tpu.enqueue_indirect_dma source(%dma_start3A_137 : memref<10000x128xf32, #tpu.memory_space<hbm>>) target(%dma_start3A_131 : memref<64x128xf32, #tpu.memory_space<vmem>>) offsets(%dma_start3A_134 : memref<64xi32, #tpu.memory_space<vmem>>) semaphore(%arg13 : memref<!tpu.dma_semaphore, #tpu.memory_space<semaphore_mem>>)
      %add3A_138 = arith.constant 1 : i32
      %add3A_139 = arith.addi %add3A_113, %add3A_138 : i32
      %dma_start3A_140 = arith.constant 64 : i32
      %dma_start3A_141 = arith.constant 0 : i32
      %dma_start3A_142 = tpu.memref_slice %arg10[%dma_start3A_140, %dma_start3A_141] : memref<128x128xf32, #tpu.memory_space<vmem>> -> memref<64x128xf32, #tpu.memory_space<vmem>>
      %dma_start3A_143 = arith.constant 64 : i32
      %dma_start3A_144 = tpu.memref_slice %arg7[%add3A_139, %dma_start3A_143] : memref<80x128xi32, #tpu.memory_space<vmem>> -> memref<1x64xi32, #tpu.memory_space<vmem>>
      %dma_start3A_145 = tpu.memref_squeeze %dma_start3A_144 : memref<1x64xi32, #tpu.memory_space<vmem>> -> memref<64xi32, #tpu.memory_space<vmem>>
      %dma_start3A_146 = arith.constant 0 : i32
      %dma_start3A_147 = arith.constant 0 : i32
      %dma_start3A_148 = tpu.memref_slice %arg2[%dma_start3A_146, %dma_start3A_147] : memref<10000x128xf32, #tpu.memory_space<hbm>> -> memref<10000x128xf32, #tpu.memory_space<hbm>>
      tpu.enqueue_indirect_dma source(%dma_start3A_148 : memref<10000x128xf32, #tpu.memory_space<hbm>>) target(%dma_start3A_142 : memref<64x128xf32, #tpu.memory_space<vmem>>) offsets(%dma_start3A_145 : memref<64xi32, #tpu.memory_space<vmem>>) semaphore(%arg13 : memref<!tpu.dma_semaphore, #tpu.memory_space<semaphore_mem>>)
      %dma_start3A_149 = arith.constant 1 : i32
      %dma_start3A_150 = arith.constant 0 : i32
      %dma_start3A_151 = tpu.memref_slice %arg8[%dma_start3A_149, %dma_start3A_150] : memref<4x128xi32, #tpu.memory_space<vmem>> -> memref<1x128xi32, #tpu.memory_space<vmem>>
      %dma_start3A_152 = tpu.memref_squeeze %dma_start3A_151 : memref<1x128xi32, #tpu.memory_space<vmem>> -> memref<128xi32, #tpu.memory_space<vmem>>
      %dma_start3A_153 = arith.constant 0 : i32
      %dma_start3A_154 = arith.constant 0 : i32
      %dma_start3A_155 = tpu.memref_slice %arg12[%dma_start3A_153, %dma_start3A_154] : memref<10112x128xf32, #tpu.memory_space<vmem_shared>> -> memref<10112x128xf32, #tpu.memory_space<vmem_shared>>
      tpu.enqueue_indirect_dma source(%arg11 : memref<128x128xf32, #tpu.memory_space<vmem>>) target(%dma_start3A_155 : memref<10112x128xf32, #tpu.memory_space<vmem_shared>>) offsets(%dma_start3A_152 : memref<128xi32, #tpu.memory_space<vmem>>) semaphore(%arg18 : memref<!tpu.dma_semaphore, #tpu.memory_space<semaphore_mem>>) {add = true}
      %add3A_156 = arith.constant 2 : i32
      %add3A_157 = arith.addi %mul3A_51, %add3A_156 : i32
      %dma_wait3A_158 = arith.constant 0 : i32
      %dma_wait3A_159 = tpu.memref_slice %arg7[%add3A_157, %dma_wait3A_158] : memref<80x128xi32, #tpu.memory_space<vmem>> -> memref<1x128xi32, #tpu.memory_space<vmem>>
      %dma_wait3A_160 = tpu.memref_squeeze %dma_wait3A_159 : memref<1x128xi32, #tpu.memory_space<vmem>> -> memref<128xi32, #tpu.memory_space<vmem>>
      %dma_wait3A_161 = arith.constant 0 : i32
      %dma_wait3A_162 = arith.constant 0 : i32
      %dma_wait3A_163 = tpu.memref_slice %arg2[%dma_wait3A_161, %dma_wait3A_162] : memref<10000x128xf32, #tpu.memory_space<hbm>> -> memref<10000x128xf32, #tpu.memory_space<hbm>>
      tpu.wait_indirect_dma semaphore(%arg13 : memref<!tpu.dma_semaphore, #tpu.memory_space<semaphore_mem>>) src(%dma_wait3A_163 : memref<10000x128xf32, #tpu.memory_space<hbm>>) dst(%arg10 : memref<128x128xf32, #tpu.memory_space<vmem>>)
      %dma_wait3A_164 = arith.constant 0 : i32
      %dma_wait3A_165 = arith.constant 0 : i32
      %dma_wait3A_166 = tpu.memref_slice %arg8[%dma_wait3A_164, %dma_wait3A_165] : memref<4x128xi32, #tpu.memory_space<vmem>> -> memref<1x128xi32, #tpu.memory_space<vmem>>
      %dma_wait3A_167 = tpu.memref_squeeze %dma_wait3A_166 : memref<1x128xi32, #tpu.memory_space<vmem>> -> memref<128xi32, #tpu.memory_space<vmem>>
      %dma_wait3A_168 = arith.constant 0 : i32
      %dma_wait3A_169 = arith.constant 0 : i32
      %dma_wait3A_170 = tpu.memref_slice %arg12[%dma_wait3A_168, %dma_wait3A_169] : memref<10112x128xf32, #tpu.memory_space<vmem_shared>> -> memref<10112x128xf32, #tpu.memory_space<vmem_shared>>
      tpu.wait_indirect_dma semaphore(%arg18 : memref<!tpu.dma_semaphore, #tpu.memory_space<semaphore_mem>>) src(%arg11 : memref<128x128xf32, #tpu.memory_space<vmem>>) dst(%dma_wait3A_170 : memref<10112x128xf32, #tpu.memory_space<vmem_shared>>)
      %add3A_171 = arith.constant 1 : i32
      %add3A_172 = arith.addi %add3A_157, %add3A_171 : i32
      %dma_start3A_173 = arith.constant 0 : i32
      %dma_start3A_174 = arith.constant 0 : i32
      %dma_start3A_175 = tpu.memref_slice %arg11[%dma_start3A_173, %dma_start3A_174] : memref<128x128xf32, #tpu.memory_space<vmem>> -> memref<64x128xf32, #tpu.memory_space<vmem>>
      %dma_start3A_176 = arith.constant 0 : i32
      %dma_start3A_177 = tpu.memref_slice %arg7[%add3A_172, %dma_start3A_176] : memref<80x128xi32, #tpu.memory_space<vmem>> -> memref<1x64xi32, #tpu.memory_space<vmem>>
      %dma_start3A_178 = tpu.memref_squeeze %dma_start3A_177 : memref<1x64xi32, #tpu.memory_space<vmem>> -> memref<64xi32, #tpu.memory_space<vmem>>
      %dma_start3A_179 = arith.constant 0 : i32
      %dma_start3A_180 = arith.constant 0 : i32
      %dma_start3A_181 = tpu.memref_slice %arg2[%dma_start3A_179, %dma_start3A_180] : memref<10000x128xf32, #tpu.memory_space<hbm>> -> memref<10000x128xf32, #tpu.memory_space<hbm>>
      tpu.enqueue_indirect_dma source(%dma_start3A_181 : memref<10000x128xf32, #tpu.memory_space<hbm>>) target(%dma_start3A_175 : memref<64x128xf32, #tpu.memory_space<vmem>>) offsets(%dma_start3A_178 : memref<64xi32, #tpu.memory_space<vmem>>) semaphore(%arg14 : memref<!tpu.dma_semaphore, #tpu.memory_space<semaphore_mem>>)
      %add3A_182 = arith.constant 1 : i32
      %add3A_183 = arith.addi %add3A_157, %add3A_182 : i32
      %dma_start3A_184 = arith.constant 64 : i32
      %dma_start3A_185 = arith.constant 0 : i32
      %dma_start3A_186 = tpu.memref_slice %arg11[%dma_start3A_184, %dma_start3A_185] : memref<128x128xf32, #tpu.memory_space<vmem>> -> memref<64x128xf32, #tpu.memory_space<vmem>>
      %dma_start3A_187 = arith.constant 64 : i32
      %dma_start3A_188 = tpu.memref_slice %arg7[%add3A_183, %dma_start3A_187] : memref<80x128xi32, #tpu.memory_space<vmem>> -> memref<1x64xi32, #tpu.memory_space<vmem>>
      %dma_start3A_189 = tpu.memref_squeeze %dma_start3A_188 : memref<1x64xi32, #tpu.memory_space<vmem>> -> memref<64xi32, #tpu.memory_space<vmem>>
      %dma_start3A_190 = arith.constant 0 : i32
      %dma_start3A_191 = arith.constant 0 : i32
      %dma_start3A_192 = tpu.memref_slice %arg2[%dma_start3A_190, %dma_start3A_191] : memref<10000x128xf32, #tpu.memory_space<hbm>> -> memref<10000x128xf32, #tpu.memory_space<hbm>>
      tpu.enqueue_indirect_dma source(%dma_start3A_192 : memref<10000x128xf32, #tpu.memory_space<hbm>>) target(%dma_start3A_186 : memref<64x128xf32, #tpu.memory_space<vmem>>) offsets(%dma_start3A_189 : memref<64xi32, #tpu.memory_space<vmem>>) semaphore(%arg14 : memref<!tpu.dma_semaphore, #tpu.memory_space<semaphore_mem>>)
      %dma_start3A_193 = arith.constant 2 : i32
      %dma_start3A_194 = arith.constant 0 : i32
      %dma_start3A_195 = tpu.memref_slice %arg8[%dma_start3A_193, %dma_start3A_194] : memref<4x128xi32, #tpu.memory_space<vmem>> -> memref<1x128xi32, #tpu.memory_space<vmem>>
      %dma_start3A_196 = tpu.memref_squeeze %dma_start3A_195 : memref<1x128xi32, #tpu.memory_space<vmem>> -> memref<128xi32, #tpu.memory_space<vmem>>
      %dma_start3A_197 = arith.constant 0 : i32
      %dma_start3A_198 = arith.constant 0 : i32
      %dma_start3A_199 = tpu.memref_slice %arg12[%dma_start3A_197, %dma_start3A_198] : memref<10112x128xf32, #tpu.memory_space<vmem_shared>> -> memref<10112x128xf32, #tpu.memory_space<vmem_shared>>
      tpu.enqueue_indirect_dma source(%arg10 : memref<128x128xf32, #tpu.memory_space<vmem>>) target(%dma_start3A_199 : memref<10112x128xf32, #tpu.memory_space<vmem_shared>>) offsets(%dma_start3A_196 : memref<128xi32, #tpu.memory_space<vmem>>) semaphore(%arg17 : memref<!tpu.dma_semaphore, #tpu.memory_space<semaphore_mem>>) {add = true}
      %add3A_200 = arith.constant 3 : i32
      %add3A_201 = arith.addi %mul3A_51, %add3A_200 : i32
      %dma_wait3A_202 = arith.constant 0 : i32
      %dma_wait3A_203 = tpu.memref_slice %arg7[%add3A_201, %dma_wait3A_202] : memref<80x128xi32, #tpu.memory_space<vmem>> -> memref<1x128xi32, #tpu.memory_space<vmem>>
      %dma_wait3A_204 = tpu.memref_squeeze %dma_wait3A_203 : memref<1x128xi32, #tpu.memory_space<vmem>> -> memref<128xi32, #tpu.memory_space<vmem>>
      %dma_wait3A_205 = arith.constant 0 : i32
      %dma_wait3A_206 = arith.constant 0 : i32
      %dma_wait3A_207 = tpu.memref_slice %arg2[%dma_wait3A_205, %dma_wait3A_206] : memref<10000x128xf32, #tpu.memory_space<hbm>> -> memref<10000x128xf32, #tpu.memory_space<hbm>>
      tpu.wait_indirect_dma semaphore(%arg14 : memref<!tpu.dma_semaphore, #tpu.memory_space<semaphore_mem>>) src(%dma_wait3A_207 : memref<10000x128xf32, #tpu.memory_space<hbm>>) dst(%arg11 : memref<128x128xf32, #tpu.memory_space<vmem>>)
      %dma_wait3A_208 = arith.constant 0 : i32
      %dma_wait3A_209 = arith.constant 0 : i32
      %dma_wait3A_210 = tpu.memref_slice %arg8[%dma_wait3A_208, %dma_wait3A_209] : memref<4x128xi32, #tpu.memory_space<vmem>> -> memref<1x128xi32, #tpu.memory_space<vmem>>
      %dma_wait3A_211 = tpu.memref_squeeze %dma_wait3A_210 : memref<1x128xi32, #tpu.memory_space<vmem>> -> memref<128xi32, #tpu.memory_space<vmem>>
      %dma_wait3A_212 = arith.constant 0 : i32
      %dma_wait3A_213 = arith.constant 0 : i32
      %dma_wait3A_214 = tpu.memref_slice %arg12[%dma_wait3A_212, %dma_wait3A_213] : memref<10112x128xf32, #tpu.memory_space<vmem_shared>> -> memref<10112x128xf32, #tpu.memory_space<vmem_shared>>
      tpu.wait_indirect_dma semaphore(%arg17 : memref<!tpu.dma_semaphore, #tpu.memory_space<semaphore_mem>>) src(%arg10 : memref<128x128xf32, #tpu.memory_space<vmem>>) dst(%dma_wait3A_214 : memref<10112x128xf32, #tpu.memory_space<vmem_shared>>)
      %add3A_215 = arith.constant 1 : i32
      %add3A_216 = arith.addi %add3A_201, %add3A_215 : i32
      %dma_start3A_217 = arith.constant 0 : i32
      %dma_start3A_218 = arith.constant 0 : i32
      %dma_start3A_219 = tpu.memref_slice %arg10[%dma_start3A_217, %dma_start3A_218] : memref<128x128xf32, #tpu.memory_space<vmem>> -> memref<64x128xf32, #tpu.memory_space<vmem>>
      %dma_start3A_220 = arith.constant 0 : i32
      %dma_start3A_221 = tpu.memref_slice %arg7[%add3A_216, %dma_start3A_220] : memref<80x128xi32, #tpu.memory_space<vmem>> -> memref<1x64xi32, #tpu.memory_space<vmem>>
      %dma_start3A_222 = tpu.memref_squeeze %dma_start3A_221 : memref<1x64xi32, #tpu.memory_space<vmem>> -> memref<64xi32, #tpu.memory_space<vmem>>
      %dma_start3A_223 = arith.constant 0 : i32
      %dma_start3A_224 = arith.constant 0 : i32
      %dma_start3A_225 = tpu.memref_slice %arg2[%dma_start3A_223, %dma_start3A_224] : memref<10000x128xf32, #tpu.memory_space<hbm>> -> memref<10000x128xf32, #tpu.memory_space<hbm>>
      tpu.enqueue_indirect_dma source(%dma_start3A_225 : memref<10000x128xf32, #tpu.memory_space<hbm>>) target(%dma_start3A_219 : memref<64x128xf32, #tpu.memory_space<vmem>>) offsets(%dma_start3A_222 : memref<64xi32, #tpu.memory_space<vmem>>) semaphore(%arg13 : memref<!tpu.dma_semaphore, #tpu.memory_space<semaphore_mem>>)
      %add3A_226 = arith.constant 1 : i32
      %add3A_227 = arith.addi %add3A_201, %add3A_226 : i32
      %dma_start3A_228 = arith.constant 64 : i32
      %dma_start3A_229 = arith.constant 0 : i32
      %dma_start3A_230 = tpu.memref_slice %arg10[%dma_start3A_228, %dma_start3A_229] : memref<128x128xf32, #tpu.memory_space<vmem>> -> memref<64x128xf32, #tpu.memory_space<vmem>>
      %dma_start3A_231 = arith.constant 64 : i32
      %dma_start3A_232 = tpu.memref_slice %arg7[%add3A_227, %dma_start3A_231] : memref<80x128xi32, #tpu.memory_space<vmem>> -> memref<1x64xi32, #tpu.memory_space<vmem>>
      %dma_start3A_233 = tpu.memref_squeeze %dma_start3A_232 : memref<1x64xi32, #tpu.memory_space<vmem>> -> memref<64xi32, #tpu.memory_space<vmem>>
      %dma_start3A_234 = arith.constant 0 : i32
      %dma_start3A_235 = arith.constant 0 : i32
      %dma_start3A_236 = tpu.memref_slice %arg2[%dma_start3A_234, %dma_start3A_235] : memref<10000x128xf32, #tpu.memory_space<hbm>> -> memref<10000x128xf32, #tpu.memory_space<hbm>>
      tpu.enqueue_indirect_dma source(%dma_start3A_236 : memref<10000x128xf32, #tpu.memory_space<hbm>>) target(%dma_start3A_230 : memref<64x128xf32, #tpu.memory_space<vmem>>) offsets(%dma_start3A_233 : memref<64xi32, #tpu.memory_space<vmem>>) semaphore(%arg13 : memref<!tpu.dma_semaphore, #tpu.memory_space<semaphore_mem>>)
      %dma_start3A_237 = arith.constant 3 : i32
      %dma_start3A_238 = arith.constant 0 : i32
      %dma_start3A_239 = tpu.memref_slice %arg8[%dma_start3A_237, %dma_start3A_238] : memref<4x128xi32, #tpu.memory_space<vmem>> -> memref<1x128xi32, #tpu.memory_space<vmem>>
      %dma_start3A_240 = tpu.memref_squeeze %dma_start3A_239 : memref<1x128xi32, #tpu.memory_space<vmem>> -> memref<128xi32, #tpu.memory_space<vmem>>
      %dma_start3A_241 = arith.constant 0 : i32
      %dma_start3A_242 = arith.constant 0 : i32
      %dma_start3A_243 = tpu.memref_slice %arg12[%dma_start3A_241, %dma_start3A_242] : memref<10112x128xf32, #tpu.memory_space<vmem_shared>> -> memref<10112x128xf32, #tpu.memory_space<vmem_shared>>
      tpu.enqueue_indirect_dma source(%arg11 : memref<128x128xf32, #tpu.memory_space<vmem>>) target(%dma_start3A_243 : memref<10112x128xf32, #tpu.memory_space<vmem_shared>>) offsets(%dma_start3A_240 : memref<128xi32, #tpu.memory_space<vmem>>) semaphore(%arg18 : memref<!tpu.dma_semaphore, #tpu.memory_space<semaphore_mem>>) {add = true}
      %add3A_244 = arith.constant 4 : i32
      %add3A_245 = arith.addi %mul3A_51, %add3A_244 : i32
      %dma_wait3A_246 = arith.constant 0 : i32
      %dma_wait3A_247 = tpu.memref_slice %arg7[%add3A_245, %dma_wait3A_246] : memref<80x128xi32, #tpu.memory_space<vmem>> -> memref<1x128xi32, #tpu.memory_space<vmem>>
      %dma_wait3A_248 = tpu.memref_squeeze %dma_wait3A_247 : memref<1x128xi32, #tpu.memory_space<vmem>> -> memref<128xi32, #tpu.memory_space<vmem>>
      %dma_wait3A_249 = arith.constant 0 : i32
      %dma_wait3A_250 = arith.constant 0 : i32
      %dma_wait3A_251 = tpu.memref_slice %arg2[%dma_wait3A_249, %dma_wait3A_250] : memref<10000x128xf32, #tpu.memory_space<hbm>> -> memref<10000x128xf32, #tpu.memory_space<hbm>>
      tpu.wait_indirect_dma semaphore(%arg13 : memref<!tpu.dma_semaphore, #tpu.memory_space<semaphore_mem>>) src(%dma_wait3A_251 : memref<10000x128xf32, #tpu.memory_space<hbm>>) dst(%arg10 : memref<128x128xf32, #tpu.memory_space<vmem>>)
      %dma_wait3A_252 = arith.constant 0 : i32
      %dma_wait3A_253 = arith.constant 0 : i32
      %dma_wait3A_254 = tpu.memref_slice %arg8[%dma_wait3A_252, %dma_wait3A_253] : memref<4x128xi32, #tpu.memory_space<vmem>> -> memref<1x128xi32, #tpu.memory_space<vmem>>
      %dma_wait3A_255 = tpu.memref_squeeze %dma_wait3A_254 : memref<1x128xi32, #tpu.memory_space<vmem>> -> memref<128xi32, #tpu.memory_space<vmem>>
      %dma_wait3A_256 = arith.constant 0 : i32
      %dma_wait3A_257 = arith.constant 0 : i32
      %dma_wait3A_258 = tpu.memref_slice %arg12[%dma_wait3A_256, %dma_wait3A_257] : memref<10112x128xf32, #tpu.memory_space<vmem_shared>> -> memref<10112x128xf32, #tpu.memory_space<vmem_shared>>
      tpu.wait_indirect_dma semaphore(%arg18 : memref<!tpu.dma_semaphore, #tpu.memory_space<semaphore_mem>>) src(%arg11 : memref<128x128xf32, #tpu.memory_space<vmem>>) dst(%dma_wait3A_258 : memref<10112x128xf32, #tpu.memory_space<vmem_shared>>)
      %add3A_259 = arith.constant 1 : i32
      %add3A_260 = arith.addi %add3A_245, %add3A_259 : i32
      %dma_start3A_261 = arith.constant 0 : i32
      %dma_start3A_262 = arith.constant 0 : i32
      %dma_start3A_263 = tpu.memref_slice %arg11[%dma_start3A_261, %dma_start3A_262] : memref<128x128xf32, #tpu.memory_space<vmem>> -> memref<64x128xf32, #tpu.memory_space<vmem>>
      %dma_start3A_264 = arith.constant 0 : i32
      %dma_start3A_265 = tpu.memref_slice %arg7[%add3A_260, %dma_start3A_264] : memref<80x128xi32, #tpu.memory_space<vmem>> -> memref<1x64xi32, #tpu.memory_space<vmem>>
      %dma_start3A_266 = tpu.memref_squeeze %dma_start3A_265 : memref<1x64xi32, #tpu.memory_space<vmem>> -> memref<64xi32, #tpu.memory_space<vmem>>
      %dma_start3A_267 = arith.constant 0 : i32
      %dma_start3A_268 = arith.constant 0 : i32
      %dma_start3A_269 = tpu.memref_slice %arg2[%dma_start3A_267, %dma_start3A_268] : memref<10000x128xf32, #tpu.memory_space<hbm>> -> memref<10000x128xf32, #tpu.memory_space<hbm>>
      tpu.enqueue_indirect_dma source(%dma_start3A_269 : memref<10000x128xf32, #tpu.memory_space<hbm>>) target(%dma_start3A_263 : memref<64x128xf32, #tpu.memory_space<vmem>>) offsets(%dma_start3A_266 : memref<64xi32, #tpu.memory_space<vmem>>) semaphore(%arg14 : memref<!tpu.dma_semaphore, #tpu.memory_space<semaphore_mem>>)
      %add3A_270 = arith.constant 1 : i32
      %add3A_271 = arith.addi %add3A_245, %add3A_270 : i32
      %dma_start3A_272 = arith.constant 64 : i32
      %dma_start3A_273 = arith.constant 0 : i32
      %dma_start3A_274 = tpu.memref_slice %arg11[%dma_start3A_272, %dma_start3A_273] : memref<128x128xf32, #tpu.memory_space<vmem>> -> memref<64x128xf32, #tpu.memory_space<vmem>>
      %dma_start3A_275 = arith.constant 64 : i32
      %dma_start3A_276 = tpu.memref_slice %arg7[%add3A_271, %dma_start3A_275] : memref<80x128xi32, #tpu.memory_space<vmem>> -> memref<1x64xi32, #tpu.memory_space<vmem>>
      %dma_start3A_277 = tpu.memref_squeeze %dma_start3A_276 : memref<1x64xi32, #tpu.memory_space<vmem>> -> memref<64xi32, #tpu.memory_space<vmem>>
      %dma_start3A_278 = arith.constant 0 : i32
      %dma_start3A_279 = arith.constant 0 : i32
      %dma_start3A_280 = tpu.memref_slice %arg2[%dma_start3A_278, %dma_start3A_279] : memref<10000x128xf32, #tpu.memory_space<hbm>> -> memref<10000x128xf32, #tpu.memory_space<hbm>>
      tpu.enqueue_indirect_dma source(%dma_start3A_280 : memref<10000x128xf32, #tpu.memory_space<hbm>>) target(%dma_start3A_274 : memref<64x128xf32, #tpu.memory_space<vmem>>) offsets(%dma_start3A_277 : memref<64xi32, #tpu.memory_space<vmem>>) semaphore(%arg14 : memref<!tpu.dma_semaphore, #tpu.memory_space<semaphore_mem>>)
      %dma_wait3A_281 = arith.constant 0 : i32
      %dma_wait3A_282 = arith.constant 0 : i32
      %dma_wait3A_283 = arith.constant 0 : i32
      %dma_wait3A_284 = tpu.memref_slice %arg4[%add3A, %dma_wait3A_281, %dma_wait3A_282, %dma_wait3A_283] : memref<32x20x4x128xi32, #tpu.memory_space<hbm>> -> memref<1x1x4x128xi32, #tpu.memory_space<hbm>>
      %dma_wait3A_285 = tpu.memref_squeeze %dma_wait3A_284 : memref<1x1x4x128xi32, #tpu.memory_space<hbm>> -> memref<4x128xi32, #tpu.memory_space<hbm>>
      %dma_wait3A_286 = arith.constant 0 : i32
      %dma_wait3A_287 = arith.constant 0 : i32
      %dma_wait3A_288 = tpu.memref_slice %arg4[%add3A, %dma_wait3A_281, %dma_wait3A_286, %dma_wait3A_287] : memref<32x20x4x128xi32, #tpu.memory_space<hbm>> -> memref<1x1x4x128xi32, #tpu.memory_space<hbm>>
      %dma_wait3A_289 = tpu.memref_squeeze %dma_wait3A_288 : memref<1x1x4x128xi32, #tpu.memory_space<hbm>> -> memref<4x128xi32, #tpu.memory_space<hbm>>
      tpu.wait_dma2 semaphore(%arg16 : memref<!tpu.dma_semaphore, #tpu.memory_space<semaphore_mem>>) src(%dma_wait3A_289 : memref<4x128xi32, #tpu.memory_space<hbm>>) dst(%arg9 : memref<4x128xi32, #tpu.memory_space<vmem>>)
      %dma_start3A_290 = arith.constant 0 : i32
      %dma_start3A_291 = arith.constant 0 : i32
      %dma_start3A_292 = tpu.memref_slice %arg9[%dma_start3A_290, %dma_start3A_291] : memref<4x128xi32, #tpu.memory_space<vmem>> -> memref<1x128xi32, #tpu.memory_space<vmem>>
      %dma_start3A_293 = tpu.memref_squeeze %dma_start3A_292 : memref<1x128xi32, #tpu.memory_space<vmem>> -> memref<128xi32, #tpu.memory_space<vmem>>
      %dma_start3A_294 = arith.constant 0 : i32
      %dma_start3A_295 = arith.constant 0 : i32
      %dma_start3A_296 = tpu.memref_slice %arg12[%dma_start3A_294, %dma_start3A_295] : memref<10112x128xf32, #tpu.memory_space<vmem_shared>> -> memref<10112x128xf32, #tpu.memory_space<vmem_shared>>
      tpu.enqueue_indirect_dma source(%arg10 : memref<128x128xf32, #tpu.memory_space<vmem>>) target(%dma_start3A_296 : memref<10112x128xf32, #tpu.memory_space<vmem_shared>>) offsets(%dma_start3A_293 : memref<128xi32, #tpu.memory_space<vmem>>) semaphore(%arg17 : memref<!tpu.dma_semaphore, #tpu.memory_space<semaphore_mem>>) {add = true}
      %add3A_297 = arith.constant 5 : i32
      %add3A_298 = arith.addi %mul3A_51, %add3A_297 : i32
      %dma_wait3A_299 = arith.constant 0 : i32
      %dma_wait3A_300 = tpu.memref_slice %arg7[%add3A_298, %dma_wait3A_299] : memref<80x128xi32, #tpu.memory_space<vmem>> -> memref<1x128xi32, #tpu.memory_space<vmem>>
      %dma_wait3A_301 = tpu.memref_squeeze %dma_wait3A_300 : memref<1x128xi32, #tpu.memory_space<vmem>> -> memref<128xi32, #tpu.memory_space<vmem>>
      %dma_wait3A_302 = arith.constant 0 : i32
      %dma_wait3A_303 = arith.constant 0 : i32
      %dma_wait3A_304 = tpu.memref_slice %arg2[%dma_wait3A_302, %dma_wait3A_303] : memref<10000x128xf32, #tpu.memory_space<hbm>> -> memref<10000x128xf32, #tpu.memory_space<hbm>>
      tpu.wait_indirect_dma semaphore(%arg14 : memref<!tpu.dma_semaphore, #tpu.memory_space<semaphore_mem>>) src(%dma_wait3A_304 : memref<10000x128xf32, #tpu.memory_space<hbm>>) dst(%arg11 : memref<128x128xf32, #tpu.memory_space<vmem>>)
      %dma_wait3A_305 = arith.constant 0 : i32
      %dma_wait3A_306 = arith.constant 0 : i32
      %dma_wait3A_307 = tpu.memref_slice %arg8[%dma_wait3A_305, %dma_wait3A_306] : memref<4x128xi32, #tpu.memory_space<vmem>> -> memref<1x128xi32, #tpu.memory_space<vmem>>
      %dma_wait3A_308 = tpu.memref_squeeze %dma_wait3A_307 : memref<1x128xi32, #tpu.memory_space<vmem>> -> memref<128xi32, #tpu.memory_space<vmem>>
      %dma_wait3A_309 = arith.constant 0 : i32
      %dma_wait3A_310 = arith.constant 0 : i32
      %dma_wait3A_311 = tpu.memref_slice %arg12[%dma_wait3A_309, %dma_wait3A_310] : memref<10112x128xf32, #tpu.memory_space<vmem_shared>> -> memref<10112x128xf32, #tpu.memory_space<vmem_shared>>
      tpu.wait_indirect_dma semaphore(%arg17 : memref<!tpu.dma_semaphore, #tpu.memory_space<semaphore_mem>>) src(%arg10 : memref<128x128xf32, #tpu.memory_space<vmem>>) dst(%dma_wait3A_311 : memref<10112x128xf32, #tpu.memory_space<vmem_shared>>)
      %add3A_312 = arith.constant 1 : i32
      %add3A_313 = arith.addi %add3A_298, %add3A_312 : i32
      %dma_start3A_314 = arith.constant 0 : i32
      %dma_start3A_315 = arith.constant 0 : i32
      %dma_start3A_316 = tpu.memref_slice %arg10[%dma_start3A_314, %dma_start3A_315] : memref<128x128xf32, #tpu.memory_space<vmem>> -> memref<64x128xf32, #tpu.memory_space<vmem>>
      %dma_start3A_317 = arith.constant 0 : i32
      %dma_start3A_318 = tpu.memref_slice %arg7[%add3A_313, %dma_start3A_317] : memref<80x128xi32, #tpu.memory_space<vmem>> -> memref<1x64xi32, #tpu.memory_space<vmem>>
      %dma_start3A_319 = tpu.memref_squeeze %dma_start3A_318 : memref<1x64xi32, #tpu.memory_space<vmem>> -> memref<64xi32, #tpu.memory_space<vmem>>
      %dma_start3A_320 = arith.constant 0 : i32
      %dma_start3A_321 = arith.constant 0 : i32
      %dma_start3A_322 = tpu.memref_slice %arg2[%dma_start3A_320, %dma_start3A_321] : memref<10000x128xf32, #tpu.memory_space<hbm>> -> memref<10000x128xf32, #tpu.memory_space<hbm>>
      tpu.enqueue_indirect_dma source(%dma_start3A_322 : memref<10000x128xf32, #tpu.memory_space<hbm>>) target(%dma_start3A_316 : memref<64x128xf32, #tpu.memory_space<vmem>>) offsets(%dma_start3A_319 : memref<64xi32, #tpu.memory_space<vmem>>) semaphore(%arg13 : memref<!tpu.dma_semaphore, #tpu.memory_space<semaphore_mem>>)
      %add3A_323 = arith.constant 1 : i32
      %add3A_324 = arith.addi %add3A_298, %add3A_323 : i32
      %dma_start3A_325 = arith.constant 64 : i32
      %dma_start3A_326 = arith.constant 0 : i32
      %dma_start3A_327 = tpu.memref_slice %arg10[%dma_start3A_325, %dma_start3A_326] : memref<128x128xf32, #tpu.memory_space<vmem>> -> memref<64x128xf32, #tpu.memory_space<vmem>>
      %dma_start3A_328 = arith.constant 64 : i32
      %dma_start3A_329 = tpu.memref_slice %arg7[%add3A_324, %dma_start3A_328] : memref<80x128xi32, #tpu.memory_space<vmem>> -> memref<1x64xi32, #tpu.memory_space<vmem>>
      %dma_start3A_330 = tpu.memref_squeeze %dma_start3A_329 : memref<1x64xi32, #tpu.memory_space<vmem>> -> memref<64xi32, #tpu.memory_space<vmem>>
      %dma_start3A_331 = arith.constant 0 : i32
      %dma_start3A_332 = arith.constant 0 : i32
      %dma_start3A_333 = tpu.memref_slice %arg2[%dma_start3A_331, %dma_start3A_332] : memref<10000x128xf32, #tpu.memory_space<hbm>> -> memref<10000x128xf32, #tpu.memory_space<hbm>>
      tpu.enqueue_indirect_dma source(%dma_start3A_333 : memref<10000x128xf32, #tpu.memory_space<hbm>>) target(%dma_start3A_327 : memref<64x128xf32, #tpu.memory_space<vmem>>) offsets(%dma_start3A_330 : memref<64xi32, #tpu.memory_space<vmem>>) semaphore(%arg13 : memref<!tpu.dma_semaphore, #tpu.memory_space<semaphore_mem>>)
      %dma_start3A_334 = arith.constant 1 : i32
      %dma_start3A_335 = arith.constant 0 : i32
      %dma_start3A_336 = tpu.memref_slice %arg9[%dma_start3A_334, %dma_start3A_335] : memref<4x128xi32, #tpu.memory_space<vmem>> -> memref<1x128xi32, #tpu.memory_space<vmem>>
      %dma_start3A_337 = tpu.memref_squeeze %dma_start3A_336 : memref<1x128xi32, #tpu.memory_space<vmem>> -> memref<128xi32, #tpu.memory_space<vmem>>
      %dma_start3A_338 = arith.constant 0 : i32
      %dma_start3A_339 = arith.constant 0 : i32
      %dma_start3A_340 = tpu.memref_slice %arg12[%dma_start3A_338, %dma_start3A_339] : memref<10112x128xf32, #tpu.memory_space<vmem_shared>> -> memref<10112x128xf32, #tpu.memory_space<vmem_shared>>
      tpu.enqueue_indirect_dma source(%arg11 : memref<128x128xf32, #tpu.memory_space<vmem>>) target(%dma_start3A_340 : memref<10112x128xf32, #tpu.memory_space<vmem_shared>>) offsets(%dma_start3A_337 : memref<128xi32, #tpu.memory_space<vmem>>) semaphore(%arg18 : memref<!tpu.dma_semaphore, #tpu.memory_space<semaphore_mem>>) {add = true}
      %add3A_341 = arith.constant 6 : i32
      %add3A_342 = arith.addi %mul3A_51, %add3A_341 : i32
      %dma_wait3A_343 = arith.constant 0 : i32
      %dma_wait3A_344 = tpu.memref_slice %arg7[%add3A_342, %dma_wait3A_343] : memref<80x128xi32, #tpu.memory_space<vmem>> -> memref<1x128xi32, #tpu.memory_space<vmem>>
      %dma_wait3A_345 = tpu.memref_squeeze %dma_wait3A_344 : memref<1x128xi32, #tpu.memory_space<vmem>> -> memref<128xi32, #tpu.memory_space<vmem>>
      %dma_wait3A_346 = arith.constant 0 : i32
      %dma_wait3A_347 = arith.constant 0 : i32
      %dma_wait3A_348 = tpu.memref_slice %arg2[%dma_wait3A_346, %dma_wait3A_347] : memref<10000x128xf32, #tpu.memory_space<hbm>> -> memref<10000x128xf32, #tpu.memory_space<hbm>>
      tpu.wait_indirect_dma semaphore(%arg13 : memref<!tpu.dma_semaphore, #tpu.memory_space<semaphore_mem>>) src(%dma_wait3A_348 : memref<10000x128xf32, #tpu.memory_space<hbm>>) dst(%arg10 : memref<128x128xf32, #tpu.memory_space<vmem>>)
      %dma_wait3A_349 = arith.constant 0 : i32
      %dma_wait3A_350 = arith.constant 0 : i32
      %dma_wait3A_351 = tpu.memref_slice %arg8[%dma_wait3A_349, %dma_wait3A_350] : memref<4x128xi32, #tpu.memory_space<vmem>> -> memref<1x128xi32, #tpu.memory_space<vmem>>
      %dma_wait3A_352 = tpu.memref_squeeze %dma_wait3A_351 : memref<1x128xi32, #tpu.memory_space<vmem>> -> memref<128xi32, #tpu.memory_space<vmem>>
      %dma_wait3A_353 = arith.constant 0 : i32
      %dma_wait3A_354 = arith.constant 0 : i32
      %dma_wait3A_355 = tpu.memref_slice %arg12[%dma_wait3A_353, %dma_wait3A_354] : memref<10112x128xf32, #tpu.memory_space<vmem_shared>> -> memref<10112x128xf32, #tpu.memory_space<vmem_shared>>
      tpu.wait_indirect_dma semaphore(%arg18 : memref<!tpu.dma_semaphore, #tpu.memory_space<semaphore_mem>>) src(%arg11 : memref<128x128xf32, #tpu.memory_space<vmem>>) dst(%dma_wait3A_355 : memref<10112x128xf32, #tpu.memory_space<vmem_shared>>)
      %add3A_356 = arith.constant 1 : i32
      %add3A_357 = arith.addi %add3A_342, %add3A_356 : i32
      %dma_start3A_358 = arith.constant 0 : i32
      %dma_start3A_359 = arith.constant 0 : i32
      %dma_start3A_360 = tpu.memref_slice %arg11[%dma_start3A_358, %dma_start3A_359] : memref<128x128xf32, #tpu.memory_space<vmem>> -> memref<64x128xf32, #tpu.memory_space<vmem>>
      %dma_start3A_361 = arith.constant 0 : i32
      %dma_start3A_362 = tpu.memref_slice %arg7[%add3A_357, %dma_start3A_361] : memref<80x128xi32, #tpu.memory_space<vmem>> -> memref<1x64xi32, #tpu.memory_space<vmem>>
      %dma_start3A_363 = tpu.memref_squeeze %dma_start3A_362 : memref<1x64xi32, #tpu.memory_space<vmem>> -> memref<64xi32, #tpu.memory_space<vmem>>
      %dma_start3A_364 = arith.constant 0 : i32
      %dma_start3A_365 = arith.constant 0 : i32
      %dma_start3A_366 = tpu.memref_slice %arg2[%dma_start3A_364, %dma_start3A_365] : memref<10000x128xf32, #tpu.memory_space<hbm>> -> memref<10000x128xf32, #tpu.memory_space<hbm>>
      tpu.enqueue_indirect_dma source(%dma_start3A_366 : memref<10000x128xf32, #tpu.memory_space<hbm>>) target(%dma_start3A_360 : memref<64x128xf32, #tpu.memory_space<vmem>>) offsets(%dma_start3A_363 : memref<64xi32, #tpu.memory_space<vmem>>) semaphore(%arg14 : memref<!tpu.dma_semaphore, #tpu.memory_space<semaphore_mem>>)
      %add3A_367 = arith.constant 1 : i32
      %add3A_368 = arith.addi %add3A_342, %add3A_367 : i32
      %dma_start3A_369 = arith.constant 64 : i32
      %dma_start3A_370 = arith.constant 0 : i32
      %dma_start3A_371 = tpu.memref_slice %arg11[%dma_start3A_369, %dma_start3A_370] : memref<128x128xf32, #tpu.memory_space<vmem>> -> memref<64x128xf32, #tpu.memory_space<vmem>>
      %dma_start3A_372 = arith.constant 64 : i32
      %dma_start3A_373 = tpu.memref_slice %arg7[%add3A_368, %dma_start3A_372] : memref<80x128xi32, #tpu.memory_space<vmem>> -> memref<1x64xi32, #tpu.memory_space<vmem>>
      %dma_start3A_374 = tpu.memref_squeeze %dma_start3A_373 : memref<1x64xi32, #tpu.memory_space<vmem>> -> memref<64xi32, #tpu.memory_space<vmem>>
      %dma_start3A_375 = arith.constant 0 : i32
      %dma_start3A_376 = arith.constant 0 : i32
      %dma_start3A_377 = tpu.memref_slice %arg2[%dma_start3A_375, %dma_start3A_376] : memref<10000x128xf32, #tpu.memory_space<hbm>> -> memref<10000x128xf32, #tpu.memory_space<hbm>>
      tpu.enqueue_indirect_dma source(%dma_start3A_377 : memref<10000x128xf32, #tpu.memory_space<hbm>>) target(%dma_start3A_371 : memref<64x128xf32, #tpu.memory_space<vmem>>) offsets(%dma_start3A_374 : memref<64xi32, #tpu.memory_space<vmem>>) semaphore(%arg14 : memref<!tpu.dma_semaphore, #tpu.memory_space<semaphore_mem>>)
      %dma_start3A_378 = arith.constant 2 : i32
      %dma_start3A_379 = arith.constant 0 : i32
      %dma_start3A_380 = tpu.memref_slice %arg9[%dma_start3A_378, %dma_start3A_379] : memref<4x128xi32, #tpu.memory_space<vmem>> -> memref<1x128xi32, #tpu.memory_space<vmem>>
      %dma_start3A_381 = tpu.memref_squeeze %dma_start3A_380 : memref<1x128xi32, #tpu.memory_space<vmem>> -> memref<128xi32, #tpu.memory_space<vmem>>
      %dma_start3A_382 = arith.constant 0 : i32
      %dma_start3A_383 = arith.constant 0 : i32
      %dma_start3A_384 = tpu.memref_slice %arg12[%dma_start3A_382, %dma_start3A_383] : memref<10112x128xf32, #tpu.memory_space<vmem_shared>> -> memref<10112x128xf32, #tpu.memory_space<vmem_shared>>
      tpu.enqueue_indirect_dma source(%arg10 : memref<128x128xf32, #tpu.memory_space<vmem>>) target(%dma_start3A_384 : memref<10112x128xf32, #tpu.memory_space<vmem_shared>>) offsets(%dma_start3A_381 : memref<128xi32, #tpu.memory_space<vmem>>) semaphore(%arg17 : memref<!tpu.dma_semaphore, #tpu.memory_space<semaphore_mem>>) {add = true}
      %add3A_385 = arith.constant 7 : i32
      %add3A_386 = arith.addi %mul3A_51, %add3A_385 : i32
      %dma_wait3A_387 = arith.constant 0 : i32
      %dma_wait3A_388 = tpu.memref_slice %arg7[%add3A_386, %dma_wait3A_387] : memref<80x128xi32, #tpu.memory_space<vmem>> -> memref<1x128xi32, #tpu.memory_space<vmem>>
      %dma_wait3A_389 = tpu.memref_squeeze %dma_wait3A_388 : memref<1x128xi32, #tpu.memory_space<vmem>> -> memref<128xi32, #tpu.memory_space<vmem>>
      %dma_wait3A_390 = arith.constant 0 : i32
      %dma_wait3A_391 = arith.constant 0 : i32
      %dma_wait3A_392 = tpu.memref_slice %arg2[%dma_wait3A_390, %dma_wait3A_391] : memref<10000x128xf32, #tpu.memory_space<hbm>> -> memref<10000x128xf32, #tpu.memory_space<hbm>>
      tpu.wait_indirect_dma semaphore(%arg14 : memref<!tpu.dma_semaphore, #tpu.memory_space<semaphore_mem>>) src(%dma_wait3A_392 : memref<10000x128xf32, #tpu.memory_space<hbm>>) dst(%arg11 : memref<128x128xf32, #tpu.memory_space<vmem>>)
      %dma_wait3A_393 = arith.constant 0 : i32
      %dma_wait3A_394 = arith.constant 0 : i32
      %dma_wait3A_395 = tpu.memref_slice %arg8[%dma_wait3A_393, %dma_wait3A_394] : memref<4x128xi32, #tpu.memory_space<vmem>> -> memref<1x128xi32, #tpu.memory_space<vmem>>
      %dma_wait3A_396 = tpu.memref_squeeze %dma_wait3A_395 : memref<1x128xi32, #tpu.memory_space<vmem>> -> memref<128xi32, #tpu.memory_space<vmem>>
      %dma_wait3A_397 = arith.constant 0 : i32
      %dma_wait3A_398 = arith.constant 0 : i32
      %dma_wait3A_399 = tpu.memref_slice %arg12[%dma_wait3A_397, %dma_wait3A_398] : memref<10112x128xf32, #tpu.memory_space<vmem_shared>> -> memref<10112x128xf32, #tpu.memory_space<vmem_shared>>
      tpu.wait_indirect_dma semaphore(%arg17 : memref<!tpu.dma_semaphore, #tpu.memory_space<semaphore_mem>>) src(%arg10 : memref<128x128xf32, #tpu.memory_space<vmem>>) dst(%dma_wait3A_399 : memref<10112x128xf32, #tpu.memory_space<vmem_shared>>)
      %lt3A = arith.constant 9 : i32
      %lt3A_400 = arith.cmpi slt, %scan3A_49, %lt3A : i32
      %convert_element_type3A_401 = arith.extui %lt3A_400 : i1 to i32
      %cond3A_402 = arith.constant 0 : i32
      %cond3A_403 = arith.cmpi ne, %convert_element_type3A_401, %cond3A_402 : i32
      scf.if %cond3A_403 {
        %add3A_416 = arith.constant 1 : i32
        %add3A_417 = arith.addi %add3A_386, %add3A_416 : i32
        %dma_start3A_418 = arith.constant 0 : i32
        %dma_start3A_419 = arith.constant 0 : i32
        %dma_start3A_420 = tpu.memref_slice %arg10[%dma_start3A_418, %dma_start3A_419] : memref<128x128xf32, #tpu.memory_space<vmem>> -> memref<64x128xf32, #tpu.memory_space<vmem>>
        %dma_start3A_421 = arith.constant 0 : i32
        %dma_start3A_422 = tpu.memref_slice %arg7[%add3A_417, %dma_start3A_421] : memref<80x128xi32, #tpu.memory_space<vmem>> -> memref<1x64xi32, #tpu.memory_space<vmem>>
        %dma_start3A_423 = tpu.memref_squeeze %dma_start3A_422 : memref<1x64xi32, #tpu.memory_space<vmem>> -> memref<64xi32, #tpu.memory_space<vmem>>
        %dma_start3A_424 = arith.constant 0 : i32
        %dma_start3A_425 = arith.constant 0 : i32
        %dma_start3A_426 = tpu.memref_slice %arg2[%dma_start3A_424, %dma_start3A_425] : memref<10000x128xf32, #tpu.memory_space<hbm>> -> memref<10000x128xf32, #tpu.memory_space<hbm>>
        tpu.enqueue_indirect_dma source(%dma_start3A_426 : memref<10000x128xf32, #tpu.memory_space<hbm>>) target(%dma_start3A_420 : memref<64x128xf32, #tpu.memory_space<vmem>>) offsets(%dma_start3A_423 : memref<64xi32, #tpu.memory_space<vmem>>) semaphore(%arg13 : memref<!tpu.dma_semaphore, #tpu.memory_space<semaphore_mem>>)
        %add3A_427 = arith.constant 1 : i32
        %add3A_428 = arith.addi %add3A_386, %add3A_427 : i32
        %dma_start3A_429 = arith.constant 64 : i32
        %dma_start3A_430 = arith.constant 0 : i32
        %dma_start3A_431 = tpu.memref_slice %arg10[%dma_start3A_429, %dma_start3A_430] : memref<128x128xf32, #tpu.memory_space<vmem>> -> memref<64x128xf32, #tpu.memory_space<vmem>>
        %dma_start3A_432 = arith.constant 64 : i32
        %dma_start3A_433 = tpu.memref_slice %arg7[%add3A_428, %dma_start3A_432] : memref<80x128xi32, #tpu.memory_space<vmem>> -> memref<1x64xi32, #tpu.memory_space<vmem>>
        %dma_start3A_434 = tpu.memref_squeeze %dma_start3A_433 : memref<1x64xi32, #tpu.memory_space<vmem>> -> memref<64xi32, #tpu.memory_space<vmem>>
        %dma_start3A_435 = arith.constant 0 : i32
        %dma_start3A_436 = arith.constant 0 : i32
        %dma_start3A_437 = tpu.memref_slice %arg2[%dma_start3A_435, %dma_start3A_436] : memref<10000x128xf32, #tpu.memory_space<hbm>> -> memref<10000x128xf32, #tpu.memory_space<hbm>>
        tpu.enqueue_indirect_dma source(%dma_start3A_437 : memref<10000x128xf32, #tpu.memory_space<hbm>>) target(%dma_start3A_431 : memref<64x128xf32, #tpu.memory_space<vmem>>) offsets(%dma_start3A_434 : memref<64xi32, #tpu.memory_space<vmem>>) semaphore(%arg13 : memref<!tpu.dma_semaphore, #tpu.memory_space<semaphore_mem>>)
      } else {
      }
      %dma_start3A_404 = arith.constant 3 : i32
      %dma_start3A_405 = arith.constant 0 : i32
      %dma_start3A_406 = tpu.memref_slice %arg9[%dma_start3A_404, %dma_start3A_405] : memref<4x128xi32, #tpu.memory_space<vmem>> -> memref<1x128xi32, #tpu.memory_space<vmem>>
      %dma_start3A_407 = tpu.memref_squeeze %dma_start3A_406 : memref<1x128xi32, #tpu.memory_space<vmem>> -> memref<128xi32, #tpu.memory_space<vmem>>
      %dma_start3A_408 = arith.constant 0 : i32
      %dma_start3A_409 = arith.constant 0 : i32
      %dma_start3A_410 = tpu.memref_slice %arg12[%dma_start3A_408, %dma_start3A_409] : memref<10112x128xf32, #tpu.memory_space<vmem_shared>> -> memref<10112x128xf32, #tpu.memory_space<vmem_shared>>
      tpu.enqueue_indirect_dma source(%arg11 : memref<128x128xf32, #tpu.memory_space<vmem>>) target(%dma_start3A_410 : memref<10112x128xf32, #tpu.memory_space<vmem_shared>>) offsets(%dma_start3A_407 : memref<128xi32, #tpu.memory_space<vmem>>) semaphore(%arg18 : memref<!tpu.dma_semaphore, #tpu.memory_space<semaphore_mem>>) {add = true}
      %lt3A_411 = arith.constant 9 : i32
      %lt3A_412 = arith.cmpi slt, %scan3A_49, %lt3A_411 : i32
      %convert_element_type3A_413 = arith.extui %lt3A_412 : i1 to i32
      %cond3A_414 = arith.constant 0 : i32
      %cond3A_415 = arith.cmpi ne, %convert_element_type3A_413, %cond3A_414 : i32
      scf.if %cond3A_415 {
        %mul3A_416 = arith.constant 2 : i32
        %mul3A_417 = arith.muli %mul3A_416, %scan3A_49 : i32
        %add3A_418 = arith.constant 2 : i32
        %add3A_419 = arith.addi %mul3A_417, %add3A_418 : i32
        %dma_start3A_420 = arith.constant 0 : i32
        %dma_start3A_421 = arith.constant 0 : i32
        %dma_start3A_422 = tpu.memref_slice %arg4[%add3A, %add3A_419, %dma_start3A_420, %dma_start3A_421] : memref<32x20x4x128xi32, #tpu.memory_space<hbm>> -> memref<1x1x4x128xi32, #tpu.memory_space<hbm>>
        %dma_start3A_423 = tpu.memref_squeeze %dma_start3A_422 : memref<1x1x4x128xi32, #tpu.memory_space<hbm>> -> memref<4x128xi32, #tpu.memory_space<hbm>>
        %dma_start3A_424 = arith.constant 0 : i32
        %dma_start3A_425 = arith.constant 0 : i32
        %dma_start3A_426 = tpu.memref_slice %arg4[%add3A, %add3A_419, %dma_start3A_424, %dma_start3A_425] : memref<32x20x4x128xi32, #tpu.memory_space<hbm>> -> memref<1x1x4x128xi32, #tpu.memory_space<hbm>>
        %dma_start3A_427 = tpu.memref_squeeze %dma_start3A_426 : memref<1x1x4x128xi32, #tpu.memory_space<hbm>> -> memref<4x128xi32, #tpu.memory_space<hbm>>
        tpu.enqueue_dma source(%dma_start3A_427 : memref<4x128xi32, #tpu.memory_space<hbm>>) target(%arg8 : memref<4x128xi32, #tpu.memory_space<vmem>>) target_semaphore(%arg15 : memref<!tpu.dma_semaphore, #tpu.memory_space<semaphore_mem>>)
      } else {
      }
    }
    %scan3A_37 = arith.constant 10 : i32
    %dma_wait3A = arith.constant 0 : i32
    %dma_wait3A_38 = arith.constant 0 : i32
    %dma_wait3A_39 = tpu.memref_slice %arg8[%dma_wait3A, %dma_wait3A_38] : memref<4x128xi32, #tpu.memory_space<vmem>> -> memref<1x128xi32, #tpu.memory_space<vmem>>
    %dma_wait3A_40 = tpu.memref_squeeze %dma_wait3A_39 : memref<1x128xi32, #tpu.memory_space<vmem>> -> memref<128xi32, #tpu.memory_space<vmem>>
    %dma_wait3A_41 = arith.constant 0 : i32
    %dma_wait3A_42 = arith.constant 0 : i32
    %dma_wait3A_43 = tpu.memref_slice %arg12[%dma_wait3A_41, %dma_wait3A_42] : memref<10112x128xf32, #tpu.memory_space<vmem_shared>> -> memref<10112x128xf32, #tpu.memory_space<vmem_shared>>
    tpu.wait_indirect_dma semaphore(%arg18 : memref<!tpu.dma_semaphore, #tpu.memory_space<semaphore_mem>>) src(%arg11 : memref<128x128xf32, #tpu.memory_space<vmem>>) dst(%dma_wait3A_43 : memref<10112x128xf32, #tpu.memory_space<vmem_shared>>)
    %barrier3A_44 = arith.constant 0 : index
    tpu.barrier barrier_id(%barrier3A_44)
    %mul3A_45 = arith.constant 632 : i32
    %mul3A_46 = arith.muli %arg1, %mul3A_45 : i32
    %mul3A_47 = arith.constant 632 : i32
    %mul3A_48 = arith.muli %arg1, %mul3A_47 : i32
    "tpu.region"() ({
      %run_scoped3A = tpu.sem_alloc : memref<!tpu.dma_semaphore, #tpu.memory_space<semaphore_mem>>
      %dma_start3A_49 = arith.constant 0 : i32
      %dma_start3A_50 = tpu.memref_slice %arg6[%arg0, %mul3A_48, %dma_start3A_49] : memref<2x10112x128xf32, #tpu.memory_space<hbm>> -> memref<1x632x128xf32, #tpu.memory_space<hbm>>
      %dma_start3A_51 = tpu.memref_squeeze %dma_start3A_50 : memref<1x632x128xf32, #tpu.memory_space<hbm>> -> memref<632x128xf32, #tpu.memory_space<hbm>>
      %dma_start3A_52 = arith.constant 0 : i32
      %dma_start3A_53 = tpu.memref_slice %arg12[%mul3A_46, %dma_start3A_52] : memref<10112x128xf32, #tpu.memory_space<vmem_shared>> -> memref<632x128xf32, #tpu.memory_space<vmem_shared>>
      tpu.enqueue_dma source(%dma_start3A_53 : memref<632x128xf32, #tpu.memory_space<vmem_shared>>) target(%dma_start3A_51 : memref<632x128xf32, #tpu.memory_space<hbm>>) target_semaphore(%run_scoped3A : memref<!tpu.dma_semaphore, #tpu.memory_space<semaphore_mem>>)
      %dma_wait3A_54 = arith.constant 0 : i32
      %dma_wait3A_55 = tpu.memref_slice %arg6[%arg0, %mul3A_48, %dma_wait3A_54] : memref<2x10112x128xf32, #tpu.memory_space<hbm>> -> memref<1x632x128xf32, #tpu.memory_space<hbm>>
      %dma_wait3A_56 = tpu.memref_squeeze %dma_wait3A_55 : memref<1x632x128xf32, #tpu.memory_space<hbm>> -> memref<632x128xf32, #tpu.memory_space<hbm>>
      %dma_wait3A_57 = arith.constant 0 : i32
      %dma_wait3A_58 = tpu.memref_slice %arg12[%mul3A_46, %dma_wait3A_57] : memref<10112x128xf32, #tpu.memory_space<vmem_shared>> -> memref<632x128xf32, #tpu.memory_space<vmem_shared>>
      tpu.wait_dma2 semaphore(%run_scoped3A : memref<!tpu.dma_semaphore, #tpu.memory_space<semaphore_mem>>) src(%dma_wait3A_58 : memref<632x128xf32, #tpu.memory_space<vmem_shared>>) dst(%dma_wait3A_56 : memref<632x128xf32, #tpu.memory_space<hbm>>)
      tpu.yield
    }) : () -> ()
    return
  }
}

module attributes {stable_mosaic.version = 14 : i64} {
  func.func @body(%arg0: i32, %arg1: memref<2528x128xf32, #tpu.memory_space<vmem>>, %arg2: memref<1x2528x128xf32, #tpu.memory_space<vmem>>, %arg3: memref<1x2528x128xf32, #tpu.memory_space<vmem>>, %arg4: memref<1x2528x128xf32, #tpu.memory_space<vmem>>, %arg5: memref<1x2528x128xf32, #tpu.memory_space<vmem>>, %arg6: memref<128x128xf32, #tpu.memory_space<vmem>>, %arg7: memref<128x128xf32, #tpu.memory_space<vmem>>, %arg8: memref<1x128xf32, #tpu.memory_space<vmem>>, %arg9: memref<2528x128xf32, #tpu.memory_space<vmem>>) attributes {dimension_semantics = [#tpu.dimension_semantics<arbitrary>], iteration_bounds = array<i64: 4>, scalar_prefetch = 0 : i64, scratch_operands = 0 : i64, tpu.core_type = #tpu.core_type<tc>, window_params = [{transform_indices = @transform_0, window_bounds = array<i64: 2528, 128>}, {transform_indices = @transform_1, window_bounds = array<i64: 1, 2528, 128>}, {transform_indices = @transform_2, window_bounds = array<i64: 1, 2528, 128>}, {transform_indices = @transform_3, window_bounds = array<i64: 1, 2528, 128>}, {transform_indices = @transform_4, window_bounds = array<i64: 1, 2528, 128>}, {pipeline_mode = #tpu.pipeline_mode<synchronous>, transform_indices = @transform_5, window_bounds = array<i64: 128, 128>}, {pipeline_mode = #tpu.pipeline_mode<synchronous>, transform_indices = @transform_6, window_bounds = array<i64: 128, 128>}, {pipeline_mode = #tpu.pipeline_mode<synchronous>, transform_indices = @transform_7, window_bounds = array<i64: 1, 128>}, {transform_indices = @transform_8, window_bounds = array<i64: 2528, 128>}]} {
    %get3A = arith.constant 0 : index
    %get3A_0 = arith.constant 0 : index
    %get3A_1 = arith.constant 0 : index
    %get3A_2 = vector.load %arg4[%get3A, %get3A_0, %get3A_1] : memref<1x2528x128xf32, #tpu.memory_space<vmem>>, vector<1x2528x128xf32>
    %get3A_3 = vector.shape_cast %get3A_2 : vector<1x2528x128xf32> to vector<2528x128xf32>
    %slice3A = vector.extract_strided_slice %get3A_3 {offsets = [0, 0], sizes = [2528, 1], strides = [1, 1]} : vector<2528x128xf32> to vector<2528x1xf32>
    %get3A_4 = arith.constant 0 : index
    %get3A_5 = arith.constant 0 : index
    %get3A_6 = arith.constant 0 : index
    %get3A_7 = vector.load %arg5[%get3A_4, %get3A_5, %get3A_6] : memref<1x2528x128xf32, #tpu.memory_space<vmem>>, vector<1x2528x128xf32>
    %get3A_8 = vector.shape_cast %get3A_7 : vector<1x2528x128xf32> to vector<2528x128xf32>
    %slice3A_9 = vector.extract_strided_slice %get3A_8 {offsets = [0, 0], sizes = [2528, 1], strides = [1, 1]} : vector<2528x128xf32> to vector<2528x1xf32>
    %add3A = arith.addf %slice3A, %slice3A_9 : vector<2528x1xf32>
    %max3A = arith.constant 1.000000e+00 : f32
    %max3A_10 = vector.broadcast %max3A : f32 to vector<2528x1xf32>
    %max3A_11 = arith.maximumf %add3A, %max3A_10 : vector<2528x1xf32>
    %div3A = arith.constant 1.000000e+00 : f32
    %div3A_12 = vector.broadcast %div3A : f32 to vector<2528x1xf32>
    %div3A_13 = arith.divf %div3A_12, %max3A_11 : vector<2528x1xf32>
    %get3A_14 = arith.constant 0 : index
    %get3A_15 = arith.constant 0 : index
    %get3A_16 = arith.constant 0 : index
    %get3A_17 = vector.load %arg2[%get3A_14, %get3A_15, %get3A_16] : memref<1x2528x128xf32, #tpu.memory_space<vmem>>, vector<1x2528x128xf32>
    %get3A_18 = vector.shape_cast %get3A_17 : vector<1x2528x128xf32> to vector<2528x128xf32>
    %get3A_19 = arith.constant 0 : index
    %get3A_20 = arith.constant 0 : index
    %get3A_21 = arith.constant 0 : index
    %get3A_22 = vector.load %arg3[%get3A_19, %get3A_20, %get3A_21] : memref<1x2528x128xf32, #tpu.memory_space<vmem>>, vector<1x2528x128xf32>
    %get3A_23 = vector.shape_cast %get3A_22 : vector<1x2528x128xf32> to vector<2528x128xf32>
    %add3A_24 = arith.addf %get3A_18, %get3A_23 : vector<2528x128xf32>
    %mul3A = vector.broadcast %div3A_13 : vector<2528x1xf32> to vector<2528x128xf32>
    %mul3A_25 = arith.mulf %add3A_24, %mul3A : vector<2528x128xf32>
    %get3A_26 = arith.constant 0 : index
    %get3A_27 = arith.constant 0 : index
    %get3A_28 = vector.load %arg1[%get3A_26, %get3A_27] : memref<2528x128xf32, #tpu.memory_space<vmem>>, vector<2528x128xf32>
    %get3A_29 = arith.constant 0 : index
    %get3A_30 = arith.constant 0 : index
    %get3A_31 = vector.load %arg6[%get3A_29, %get3A_30] : memref<128x128xf32, #tpu.memory_space<vmem>>, vector<128x128xf32>
    %dot_general3A = arith.constant dense<0.000000e+00> : vector<2528x128xf32>
    %dot_general3A_32 = tpu.matmul %get3A_28, %get3A_31, %dot_general3A {dimension_numbers = #tpu.dot_dimension_numbers<[1], [0], [0], [1], [0, 0, 1, 1], [], []>, transpose_lhs_hint = false} : vector<2528x128xf32>, vector<128x128xf32>, vector<2528x128xf32> -> vector<2528x128xf32>
    %get3A_33 = arith.constant 0 : index
    %get3A_34 = arith.constant 0 : index
    %get3A_35 = vector.load %arg7[%get3A_33, %get3A_34] : memref<128x128xf32, #tpu.memory_space<vmem>>, vector<128x128xf32>
    %dot_general3A_36 = arith.constant dense<0.000000e+00> : vector<2528x128xf32>
    %dot_general3A_37 = tpu.matmul %mul3A_25, %get3A_35, %dot_general3A_36 {dimension_numbers = #tpu.dot_dimension_numbers<[1], [0], [0], [1], [0, 0, 1, 1], [], []>, transpose_lhs_hint = false} : vector<2528x128xf32>, vector<128x128xf32>, vector<2528x128xf32> -> vector<2528x128xf32>
    %add3A_38 = arith.addf %dot_general3A_32, %dot_general3A_37 : vector<2528x128xf32>
    %get3A_39 = arith.constant 0 : index
    %get3A_40 = arith.constant 0 : index
    %get3A_41 = vector.load %arg8[%get3A_39, %get3A_40] : memref<1x128xf32, #tpu.memory_space<vmem>>, vector<1x128xf32>
    %add3A_42 = vector.broadcast %get3A_41 : vector<1x128xf32> to vector<2528x128xf32>
    %add3A_43 = arith.addf %add3A_38, %add3A_42 : vector<2528x128xf32>
    %max3A_44 = arith.constant 0.000000e+00 : f32
    %max3A_45 = vector.broadcast %max3A_44 : f32 to vector<2528x128xf32>
    %max3A_46 = arith.maximumf %add3A_43, %max3A_45 : vector<2528x128xf32>
    %swap3A = arith.constant 0 : index
    %swap3A_47 = arith.constant 0 : index
    %swap3A_48 = vector.load %arg9[%swap3A, %swap3A_47] : memref<2528x128xf32, #tpu.memory_space<vmem>>, vector<2528x128xf32>
    tpu.vector_store %arg9[%swap3A, %swap3A_47], %max3A_46 {strides = array<i32>} : memref<2528x128xf32, #tpu.memory_space<vmem>>, vector<2528x128xf32>,
    return
  }
  func.func @transform_0(%arg0: i32) -> (i32, i32) {
    %c0_i32 = arith.constant 0 : i32
    %c0_i32_0 = arith.constant 0 : i32
    return %arg0, %c0_i32 : i32, i32
  }
  func.func @transform_1(%arg0: i32) -> (i32, i32, i32) {
    %c0_i32 = arith.constant 0 : i32
    %c0_i32_0 = arith.constant 0 : i32
    %c0_i32_1 = arith.constant 0 : i32
    return %c0_i32, %arg0, %c0_i32_0 : i32, i32, i32
  }
  func.func @transform_2(%arg0: i32) -> (i32, i32, i32) {
    %c1_i32 = arith.constant 1 : i32
    %c0_i32 = arith.constant 0 : i32
    %c0_i32_0 = arith.constant 0 : i32
    return %c1_i32, %arg0, %c0_i32 : i32, i32, i32
  }
  func.func @transform_3(%arg0: i32) -> (i32, i32, i32) {
    %c0_i32 = arith.constant 0 : i32
    %c0_i32_0 = arith.constant 0 : i32
    %c0_i32_1 = arith.constant 0 : i32
    return %c0_i32, %arg0, %c0_i32_0 : i32, i32, i32
  }
  func.func @transform_4(%arg0: i32) -> (i32, i32, i32) {
    %c1_i32 = arith.constant 1 : i32
    %c0_i32 = arith.constant 0 : i32
    %c0_i32_0 = arith.constant 0 : i32
    return %c1_i32, %arg0, %c0_i32 : i32, i32, i32
  }
  func.func @transform_5(%arg0: i32) -> (i32, i32) {
    %c0_i32 = arith.constant 0 : i32
    %c0_i32_0 = arith.constant 0 : i32
    %c0_i32_1 = arith.constant 0 : i32
    return %c0_i32, %c0_i32_0 : i32, i32
  }
  func.func @transform_6(%arg0: i32) -> (i32, i32) {
    %c0_i32 = arith.constant 0 : i32
    %c0_i32_0 = arith.constant 0 : i32
    %c0_i32_1 = arith.constant 0 : i32
    return %c0_i32, %c0_i32_0 : i32, i32
  }
  func.func @transform_7(%arg0: i32) -> (i32, i32) {
    %c0_i32 = arith.constant 0 : i32
    %c0_i32_0 = arith.constant 0 : i32
    %c0_i32_1 = arith.constant 0 : i32
    return %c0_i32, %c0_i32_0 : i32, i32
  }
  func.func @transform_8(%arg0: i32) -> (i32, i32) {
    %c0_i32 = arith.constant 0 : i32
    %c0_i32_0 = arith.constant 0 : i32
    return %arg0, %c0_i32 : i32, i32
  }
}

module attributes {stable_mosaic.version = 14 : i64} {
  func.func @body(%arg0: i32, %arg1: memref<2528x128xf32, #tpu.memory_space<vmem>>, %arg2: memref<1x2528x128xf32, #tpu.memory_space<vmem>>, %arg3: memref<1x2528x128xf32, #tpu.memory_space<vmem>>, %arg4: memref<1x2528x128xf32, #tpu.memory_space<vmem>>, %arg5: memref<1x2528x128xf32, #tpu.memory_space<vmem>>, %arg6: memref<128x128xf32, #tpu.memory_space<vmem>>, %arg7: memref<128x128xf32, #tpu.memory_space<vmem>>, %arg8: memref<1x128xf32, #tpu.memory_space<vmem>>, %arg9: memref<2528x128xf32, #tpu.memory_space<vmem>>) attributes {dimension_semantics = [#tpu.dimension_semantics<arbitrary>], iteration_bounds = array<i64: 4>, scalar_prefetch = 0 : i64, scratch_operands = 0 : i64, tpu.core_type = #tpu.core_type<tc>, window_params = [{transform_indices = @transform_0, window_bounds = array<i64: 2528, 128>}, {transform_indices = @transform_1, window_bounds = array<i64: 1, 2528, 128>}, {transform_indices = @transform_2, window_bounds = array<i64: 1, 2528, 128>}, {transform_indices = @transform_3, window_bounds = array<i64: 1, 2528, 128>}, {transform_indices = @transform_4, window_bounds = array<i64: 1, 2528, 128>}, {pipeline_mode = #tpu.pipeline_mode<synchronous>, transform_indices = @transform_5, window_bounds = array<i64: 128, 128>}, {pipeline_mode = #tpu.pipeline_mode<synchronous>, transform_indices = @transform_6, window_bounds = array<i64: 128, 128>}, {pipeline_mode = #tpu.pipeline_mode<synchronous>, transform_indices = @transform_7, window_bounds = array<i64: 1, 128>}, {transform_indices = @transform_8, window_bounds = array<i64: 2528, 128>}]} {
    %get3A = arith.constant 0 : index
    %get3A_0 = arith.constant 0 : index
    %get3A_1 = arith.constant 0 : index
    %get3A_2 = vector.load %arg4[%get3A, %get3A_0, %get3A_1] : memref<1x2528x128xf32, #tpu.memory_space<vmem>>, vector<1x2528x128xf32>
    %get3A_3 = vector.shape_cast %get3A_2 : vector<1x2528x128xf32> to vector<2528x128xf32>
    %slice3A = vector.extract_strided_slice %get3A_3 {offsets = [0, 0], sizes = [2528, 1], strides = [1, 1]} : vector<2528x128xf32> to vector<2528x1xf32>
    %get3A_4 = arith.constant 0 : index
    %get3A_5 = arith.constant 0 : index
    %get3A_6 = arith.constant 0 : index
    %get3A_7 = vector.load %arg5[%get3A_4, %get3A_5, %get3A_6] : memref<1x2528x128xf32, #tpu.memory_space<vmem>>, vector<1x2528x128xf32>
    %get3A_8 = vector.shape_cast %get3A_7 : vector<1x2528x128xf32> to vector<2528x128xf32>
    %slice3A_9 = vector.extract_strided_slice %get3A_8 {offsets = [0, 0], sizes = [2528, 1], strides = [1, 1]} : vector<2528x128xf32> to vector<2528x1xf32>
    %add3A = arith.addf %slice3A, %slice3A_9 : vector<2528x1xf32>
    %max3A = arith.constant 1.000000e+00 : f32
    %max3A_10 = vector.broadcast %max3A : f32 to vector<2528x1xf32>
    %max3A_11 = arith.maximumf %add3A, %max3A_10 : vector<2528x1xf32>
    %div3A = arith.constant 1.000000e+00 : f32
    %div3A_12 = vector.broadcast %div3A : f32 to vector<2528x1xf32>
    %div3A_13 = arith.divf %div3A_12, %max3A_11 : vector<2528x1xf32>
    %get3A_14 = arith.constant 0 : index
    %get3A_15 = arith.constant 0 : index
    %get3A_16 = arith.constant 0 : index
    %get3A_17 = vector.load %arg2[%get3A_14, %get3A_15, %get3A_16] : memref<1x2528x128xf32, #tpu.memory_space<vmem>>, vector<1x2528x128xf32>
    %get3A_18 = vector.shape_cast %get3A_17 : vector<1x2528x128xf32> to vector<2528x128xf32>
    %get3A_19 = arith.constant 0 : index
    %get3A_20 = arith.constant 0 : index
    %get3A_21 = arith.constant 0 : index
    %get3A_22 = vector.load %arg3[%get3A_19, %get3A_20, %get3A_21] : memref<1x2528x128xf32, #tpu.memory_space<vmem>>, vector<1x2528x128xf32>
    %get3A_23 = vector.shape_cast %get3A_22 : vector<1x2528x128xf32> to vector<2528x128xf32>
    %add3A_24 = arith.addf %get3A_18, %get3A_23 : vector<2528x128xf32>
    %mul3A = vector.broadcast %div3A_13 : vector<2528x1xf32> to vector<2528x128xf32>
    %mul3A_25 = arith.mulf %add3A_24, %mul3A : vector<2528x128xf32>
    %get3A_26 = arith.constant 0 : index
    %get3A_27 = arith.constant 0 : index
    %get3A_28 = vector.load %arg1[%get3A_26, %get3A_27] : memref<2528x128xf32, #tpu.memory_space<vmem>>, vector<2528x128xf32>
    %get3A_29 = arith.constant 0 : index
    %get3A_30 = arith.constant 0 : index
    %get3A_31 = vector.load %arg6[%get3A_29, %get3A_30] : memref<128x128xf32, #tpu.memory_space<vmem>>, vector<128x128xf32>
    %dot_general3A = arith.constant dense<0.000000e+00> : vector<2528x128xf32>
    %dot_general3A_32 = tpu.matmul %get3A_28, %get3A_31, %dot_general3A {dimension_numbers = #tpu.dot_dimension_numbers<[1], [0], [0], [1], [0, 0, 1, 1], [], []>, transpose_lhs_hint = false} : vector<2528x128xf32>, vector<128x128xf32>, vector<2528x128xf32> -> vector<2528x128xf32>
    %get3A_33 = arith.constant 0 : index
    %get3A_34 = arith.constant 0 : index
    %get3A_35 = vector.load %arg7[%get3A_33, %get3A_34] : memref<128x128xf32, #tpu.memory_space<vmem>>, vector<128x128xf32>
    %dot_general3A_36 = arith.constant dense<0.000000e+00> : vector<2528x128xf32>
    %dot_general3A_37 = tpu.matmul %mul3A_25, %get3A_35, %dot_general3A_36 {dimension_numbers = #tpu.dot_dimension_numbers<[1], [0], [0], [1], [0, 0, 1, 1], [], []>, transpose_lhs_hint = false} : vector<2528x128xf32>, vector<128x128xf32>, vector<2528x128xf32> -> vector<2528x128xf32>
    %add3A_38 = arith.addf %dot_general3A_32, %dot_general3A_37 : vector<2528x128xf32>
    %get3A_39 = arith.constant 0 : index
    %get3A_40 = arith.constant 0 : index
    %get3A_41 = vector.load %arg8[%get3A_39, %get3A_40] : memref<1x128xf32, #tpu.memory_space<vmem>>, vector<1x128xf32>
    %add3A_42 = vector.broadcast %get3A_41 : vector<1x128xf32> to vector<2528x128xf32>
    %add3A_43 = arith.addf %add3A_38, %add3A_42 : vector<2528x128xf32>
    %swap3A = arith.constant 0 : index
    %swap3A_44 = arith.constant 0 : index
    %swap3A_45 = vector.load %arg9[%swap3A, %swap3A_44] : memref<2528x128xf32, #tpu.memory_space<vmem>>, vector<2528x128xf32>
    tpu.vector_store %arg9[%swap3A, %swap3A_44], %add3A_43 {strides = array<i32>} : memref<2528x128xf32, #tpu.memory_space<vmem>>, vector<2528x128xf32>,
    return
  }
  func.func @transform_0(%arg0: i32) -> (i32, i32) {
    %c0_i32 = arith.constant 0 : i32
    %c0_i32_0 = arith.constant 0 : i32
    return %arg0, %c0_i32 : i32, i32
  }
  func.func @transform_1(%arg0: i32) -> (i32, i32, i32) {
    %c0_i32 = arith.constant 0 : i32
    %c0_i32_0 = arith.constant 0 : i32
    %c0_i32_1 = arith.constant 0 : i32
    return %c0_i32, %arg0, %c0_i32_0 : i32, i32, i32
  }
  func.func @transform_2(%arg0: i32) -> (i32, i32, i32) {
    %c1_i32 = arith.constant 1 : i32
    %c0_i32 = arith.constant 0 : i32
    %c0_i32_0 = arith.constant 0 : i32
    return %c1_i32, %arg0, %c0_i32 : i32, i32, i32
  }
  func.func @transform_3(%arg0: i32) -> (i32, i32, i32) {
    %c0_i32 = arith.constant 0 : i32
    %c0_i32_0 = arith.constant 0 : i32
    %c0_i32_1 = arith.constant 0 : i32
    return %c0_i32, %arg0, %c0_i32_0 : i32, i32, i32
  }
  func.func @transform_4(%arg0: i32) -> (i32, i32, i32) {
    %c1_i32 = arith.constant 1 : i32
    %c0_i32 = arith.constant 0 : i32
    %c0_i32_0 = arith.constant 0 : i32
    return %c1_i32, %arg0, %c0_i32 : i32, i32, i32
  }
  func.func @transform_5(%arg0: i32) -> (i32, i32) {
    %c0_i32 = arith.constant 0 : i32
    %c0_i32_0 = arith.constant 0 : i32
    %c0_i32_1 = arith.constant 0 : i32
    return %c0_i32, %c0_i32_0 : i32, i32
  }
  func.func @transform_6(%arg0: i32) -> (i32, i32) {
    %c0_i32 = arith.constant 0 : i32
    %c0_i32_0 = arith.constant 0 : i32
    %c0_i32_1 = arith.constant 0 : i32
    return %c0_i32, %c0_i32_0 : i32, i32
  }
  func.func @transform_7(%arg0: i32) -> (i32, i32) {
    %c0_i32 = arith.constant 0 : i32
    %c0_i32_0 = arith.constant 0 : i32
    %c0_i32_1 = arith.constant 0 : i32
    return %c0_i32, %c0_i32_0 : i32, i32
  }
  func.func @transform_8(%arg0: i32) -> (i32, i32) {
    %c0_i32 = arith.constant 0 : i32
    %c0_i32_0 = arith.constant 0 : i32
    return %arg0, %c0_i32 : i32, i32
  }
}

</mosaic_0001>

<sc_bundles>
// kernel: kernel.10.cloned.1.call-start
scs
__scs_entry_jumppad:
0x0: {  	(pc) =	sbr.rel $0x88, $3  }
0x1: {  	(tag) =	ssettag $0x0;
	lr =	simm.s32 $0x1  }
0x2: {  	[smem:$0x3F99] =	sst lr;
	_ =	strace $0xD0000000  }
0x3: {  	_ = 	snop  }
0x4: {  	_ = 	snop  }
0x5: {  	_ = 	snop  }
0x6: {  	_ = 	snop  }
0x7: {  	_ = 	snop  }
__scs_overlays_trampoline_lowered:
0x8: {  	[smem:$0x3FA8] =	sst s0  }
0x9: {  	[smem:$0x3FA9] =	sst s1  }
0xa: {  	[smem:$0x3FAA] =	sst s2  }
0xb: {  	[smem:$0x3FAB] =	sst s3  }
0xc: {  	[smem:$0x3FAC] =	sst s4  }
0xd: {  	[smem:$0x3FAD] =	sst s5  }
0xe: {  	[smem:$0x3FAE] =	sst s6  }
0xf: {  	[smem:$0x3FAF] =	sst s7  }
0x10: {  	[smem:$0x3FB0] =	sst s8  }
0x11: {  	[smem:$0x3FB1] =	sst s9;
	s0 =	simm.s32 @!p0 $0x0  }
0x12: {  	s1 =	sld [smem:$0x3F97];
	s0 =	simm.s32 @p0 $0x1  }
0x13: {  	[smem:$0x3FB2] =	sst s0;
	s0 =	simm.s32 @!p1 $0x0  }
0x14: {  	s2 =	sld [smem:$0x3F96];
	s0 =	simm.s32 @p1 $0x1  }
0x15: {  	[smem:$0x3FB3] =	sst s0;
	s0 =	simm.s32 @!p2 $0x0  }
0x16: {  	s3 =	sld [smem:$0x3FDB];
	s0 =	simm.s32 @p2 $0x1  }
0x17: {  	s4 =	simm.s32 $0x1BF5;
	[smem:$0x3FB5] =	sst s0  }
0x18: {  	s0 =	sld [smem:$0x3F98];
	_ =	swait.ge [sflag:s4], $0x0  }
0x19: {  	s7 =	sld [smem:$0x3F99]  }
0x1a: {  	s8 =	sadd.s32 $0xFFFFE003, lr  }
0x1b: {  	s9 =	sadd.s32 $0xFFFFFEF7, lr;
	s5 =	simm.s32 $0xFFFFFFFF;
	p2 =	slt.u32 s8, $0xFFFFF086  }
0x1c: {  	p1 =	slt.u32 s9, $0xF7A;
	s5 =	simm.s32 @!p2 $0x0  }
0x1d: {  	s5 =	simm.s32 @p1 $0x1;
	p0 =	seq.s32 s7, s2  }
0x1e: {  	s7 =	smul.u32 @!p0 $0xF7A, s2;
	p2 =	seq.s32 @!p0 s5, $0x0  }
0x1f: {  	s9 =	smul.u32 $0xF7A, s1;
	s8 =	simm.s32 @!p0 $0x1BF5;
	p2 =	por !p2, p0  }
0x20: {  	[sflag:s8] =	ssyncset.s32 @!p0 $0xFFFFF086;
	s6 =	sadd.s32 @!p0 s3, s7;
	s7 =	simm.s32 @!p0 $0x108  }
0x21: {  	s3 =	sadd.s32 s3, s9;
	s6 =	sadd.s32 @!p0 $0x88, s6;
	s7 =	simm.s32 @p2 $0x1082  }
0x22: {  	[simem:s7], [sflag:s8] =	dma.local @!p0 [hbm:s6], $0xF7A  }
0x23: {  	s9 =	sor.u32 $0xD0000000, s2;
	s6 =	simm.s32 $0x108;
	_ =	swait.ge @!p0 [sflag:s8], $0x0  }
0x24: {  	s3 =	sadd.s32 $0x88, s3;
	s6 =	simm.s32 @!p1 $0x1082;
	[sflag:s4] =	ssyncset.s32 $0xFFFFF086  }
0x25: {  	[simem:s6], [sflag:s4] =	dma.local [hbm:s3], $0xF7A  }
0x26: {  	[smem:$0x3F99] =	sst s1;
	(tag) =	ssettag s2;
	_ =	strace s9  }
0x27: {  	s1 =	sld [smem:$0x3FA9]  }
0x28: {  	s2 =	sld [smem:$0x3FAA]  }
0x29: {  	s4 =	sld [smem:$0x3FAC]  }
0x2a: {  	p0 =	seq.s32 s5, $0x0;
	s5 =	sld [smem:$0x3FAD]  }
0x2b: {  	s6 =	sld [smem:$0x3FAE]  }
0x2c: {  	s7 =	sld [smem:$0x3FAF]  }
0x2d: {  	s3 =	simm.s32 $0x108;
	s8 =	sld [smem:$0x3FB0]  }
0x2e: {  	s3 =	simm.s32 @!p0 $0x1082;
	s9 =	sld [smem:$0x3FB1]  }
0x2f: {  	lr =	sadd.s32 s0, s3;
	s0 =	sld [smem:$0x3FA8]  }
0x30: {  	s3 =	sld [smem:$0x3FAB]  }
0x31: {  	[smem:$0x3FB4] =	sst s10  }
0x32: {  	s10 =	sld [smem:$0x3FB2];
	_ =	sdelay $0x3  }
0x33: {  	p0 =	seq.s32 s10, $0x1;
	s10 =	sld [smem:$0x3FB4];
	_ =	sdelay $0x3  }
0x34: {  	[smem:$0x3FB4] =	sst s10  }
0x35: {  	s10 =	sld [smem:$0x3FB3];
	_ =	sdelay $0x3  }
0x36: {  	p1 =	seq.s32 s10, $0x1;
	s10 =	sld [smem:$0x3FB4];
	_ =	sdelay $0x3  }
0x37: {  	[smem:$0x3FB4] =	sst s10  }
0x38: {  	s10 =	sld [smem:$0x3FB5]  }
0x39: {  	_ = 	snop;
	(pc) =	sbr.ind lr, $3  }
0x3a: {  	_ = 	snop  }
0x3b: {  	_ = 	snop  }
0x3c: {  	p2 =	seq.s32 s10, $0x1;
	s10 =	sld [smem:$0x3FB4]  }
0x3d: {  	_ =	shalt  }
0x3e: {  	_ =	shalt  }
0x3f: {  	_ =	shalt  }
0x40: {  	_ =	shalt  }
0x41: {  	_ =	shalt  }
0x42: {  	_ =	shalt  }
0x43: {  	_ =	shalt  }
0x44: {  	_ =	shalt  }
0x45: {  	_ =	shalt  }
0x46: {  	_ =	shalt  }
0x47: {  	_ =	shalt  }
0x48: {  	_ =	shalt  }
0x49: {  	_ =	shalt  }
0x4a: {  	_ =	shalt  }
0x4b: {  	_ =	shalt  }
0x4c: {  	_ =	shalt  }
0x4d: {  	_ =	shalt  }
0x4e: {  	_ =	shalt  }
0x4f: {  	_ =	shalt  }
0x50: {  	_ =	shalt  }
0x51: {  	_ =	shalt  }
0x52: {  	_ =	shalt  }
0x53: {  	_ =	shalt  }
0x54: {  	_ =	shalt  }
0x55: {  	_ =	shalt  }
0x56: {  	_ =	shalt  }
0x57: {  	_ =	shalt  }
0x58: {  	_ =	shalt  }
0x59: {  	_ =	shalt  }
0x5a: {  	_ =	shalt  }
0x5b: {  	_ =	shalt  }
0x5c: {  	_ =	shalt  }
0x5d: {  	_ =	shalt  }
0x5e: {  	_ =	shalt  }
0x5f: {  	_ =	shalt  }
0x60: {  	_ =	shalt  }
0x61: {  	_ =	shalt  }
0x62: {  	_ =	shalt  }
0x63: {  	_ =	shalt  }
0x64: {  	_ =	shalt  }
0x65: {  	_ =	shalt  }
0x66: {  	_ =	shalt  }
0x67: {  	_ =	shalt  }
0x68: {  	_ =	shalt  }
0x69: {  	_ =	shalt  }
0x6a: {  	_ =	shalt  }
0x6b: {  	_ =	shalt  }
0x6c: {  	_ =	shalt  }
0x6d: {  	_ =	shalt  }
0x6e: {  	_ =	shalt  }
0x6f: {  	_ =	shalt  }
0x70: {  	_ =	shalt  }
0x71: {  	_ =	shalt  }
0x72: {  	_ =	shalt  }
0x73: {  	_ =	shalt  }
0x74: {  	_ =	shalt  }
0x75: {  	_ =	shalt  }
0x76: {  	_ =	shalt  }
0x77: {  	_ =	shalt  }
0x78: {  	_ =	shalt  }
0x79: {  	_ =	shalt  }
0x7a: {  	_ =	shalt  }
0x7b: {  	_ =	shalt  }
0x7c: {  	_ =	shalt  }
0x7d: {  	_ =	shalt  }
0x7e: {  	_ =	shalt  }
0x7f: {  	_ =	shalt  }
0x80: {  	_ =	shalt  }
0x81: {  	_ =	shalt  }
0x82: {  	_ =	shalt  }
0x83: {  	_ =	shalt  }
0x84: {  	_ =	shalt  }
0x85: {  	_ =	shalt  }
0x86: {  	_ =	shalt  }
0x87: {  	_ =	shalt  }
.Lfunc_end0:
.L_simem_size_0:
called_computation.1_lowered:
.L_overlay_start_0:
0x88: {  	s2 =	sld [smem:$0x3FD9]  }
0x89: {  	s3 =	sld [smem:$0x3FFE];
	_ =	sdelay $0x1  }
0x8a: {  	s1 =	srdreg.scid  }
0x8b: {  	s0 =	sand.u32 $0x1, s1  }
0x8c: {  	s17 =	sshll.u32 s0, $0xA;
	s2 =	sadd.s32 s3, s2  }
0x8d: {  	s2 =	sadd.s32 s2, s17  }
0x8e: {  	[smem:$0x3FC0] =	sst s2  }
0x8f: {  	_ = 	snop  }
0x90: {  	s18 =	sld [smem:$0x3FC9];
	(tm) =	ssettm $0x1  }
0x91: {  	s19 =	sld [smem:$0x3FFB];
	_ =	sdelay $0x3  }
0x92: {  	_ =	strace s19  }
0x93: {  	s2 =	sld [smem:$0x3FFC];
	_ =	sdelay $0x3  }
0x94: {  	_ =	strace s2  }
0x95: {  	s2 =	sld [smem:$0x3FFD];
	_ =	sdelay $0x3  }
0x96: {  	_ =	strace s2  }
0x97: {  	_ =	strace $0x8FFFFFFF  }
0x98: {  	s20 =	sld [smem:$0x3FDB];
	_ =	sdelay $0x1  }
0x99: {  	s4 =	simm.s32 $_scs_section_size  }
0x9a: {  	s5 =	simm.s32 $_size__tile_overlayer_lowered;
	s6 =	simm.s32 $_tile_overlayer_lowered  }
0x9b: {  	s7 =	simm.s32 $0x1BFF;
	s21 =	sshll.u32 s6, $0x1;
	s4 =	sadd.s32 s4, s20  }
0x9c: {  	s22 =	simm.s32 $0x0;
	s5 =	sshll.u32 s5, $0x1;
	s6 =	sadd.s32 s21, s4  }
0x9d: {  	[timem:s22], [sflag:s7] =	dma.local [hbm:s6], s5  }
0x9e: {  	_ =	swait.ge [sflag:s7], s5  }
0x9f: {  	s5 =	ssub.s32 $0x0, s5;
	[sflag:s7] =	ssyncset.done $0x0  }
0xa0: {  	[sflag:s7] =	ssyncadd.s32 s5;
	_ =	sdelay $0x1  }
0xa1: {  	s23 =	simm.s32 $0x1B8B  }
0xa2: {  	_ =	swait.ge [sflag:s23], $0x1  }
0xa3: {  	[sflag:s23] =	ssyncset.done $0x0  }
0xa4: {  	[sflag:s23] =	ssyncadd.s32 $0xFFFFFFFF  }
0xa5: {  	s5 =	sld [smem:$0x0]  }
0xa6: {  	s6 =	sand.u32 $0xFFFFFFFE, s1  }
0xa7: {  	p0 =	sne.s32 s1, s6  }
0xa8: {  	s6 =	sshll.u32 @p0 s6, $0xE  }
0xa9: {  	s6 =	sadd.s32 @p0 $0x11B8D, s6;
	s7 =	sshll.u32 @p0 s5, $0x11  }
0xaa: {  	s6 =	sor.u32 @p0 s7, s6  }
0xab: {  	[sflag:s6] =	ssyncadd.remote.s32 @p0 $0x1;
	_ =	sdelay $0x1  }
0xac: {  	s6 =	simm.s32 @p0 $0x1B8D  }
0xad: {  	_ =	swait.eq @p0 [sflag:s6], $0x1  }
0xae: {  	[sflag:s6] =	ssyncadd.s32 @p0 $0xFFFFFFFF  }
0xaf: {  	s7 =	sshll.u32 @!p0 s1, $0xE  }
0xb0: {  	s7 =	sor.u32 @!p0 $0x4000, s7;
	s6 =	simm.s32 @!p0 $0x1B8D  }
0xb1: {  	s5 =	sshll.u32 @!p0 s5, $0x11;
	s7 =	sadd.s32 @!p0 $0x11B8D, s7;
	_ =	swait.eq @!p0 [sflag:s6], $0x1  }
0xb2: {  	s5 =	sor.u32 @!p0 s5, s7;
	[sflag:s6] =	ssyncadd.s32 @!p0 $0xFFFFFFFF  }
0xb3: {  	s25 =	simm.s32 $0x1B8E;
	s24 =	sld [smem:$0x3FFE];
	[sflag:s5] =	ssyncadd.remote.s32 @!p0 $0x1  }
0xb4: {  	s26 =	simm.s32 $execute0_lowered;
	[smem:$0x3FD2] =	sst s25  }
0xb5: {  	s6 =	sshll.u32 s26, $0x1;
	_ =	strace $0x80000049;
	[dreg:$0x1] =	wrdreg $0xFFFFFFFF  }
0xb6: {  	s28 =	simm.s32 $_size_execute0_lowered;
	s4 =	sadd.s32 s4, s6;
	[dreg:$0x0] =	wrdreg $0x0  }
0xb7: {  	s6 =	sshll.u32 s28, $0x1;
	[dreg:$0x2] =	wrdreg s4  }
0xb8: {  	[dreg:$0x3] =	wrdreg s6  }
0xb9: {  	[dreg:$0x4] =	wrdreg $0xC0  }
0xba: {  	_ =	task [dreg:s22], $0x5FFFF  }
0xbb: {  	[dreg:$0x1] =	wrdreg $0xFFFFFFFF  }
0xbc: {  	[dreg:$0x0] =	wrdreg $0x60  }
0xbd: {  	[dreg:$0x2] =	wrdreg s18  }
0xbe: {  	[dreg:$0x3] =	wrdreg s24  }
0xbf: {  	[dreg:$0x4] =	wrdreg $0xAC000  }
0xc0: {  	[dreg:$0x5] =	wrdreg $0xA  }
0xc1: {  	_ =	task.clear_ibuf [dreg:s22], $0x6FFFF;
	_ =	strace $0x90000049  }
0xc2: {  	s29 =	simm.s32 $0xA;
	_ =	strace $0x8000004B  }
0xc3: {  	_ =	swait.ge [sflag:s29], $0x1  }
0xc4: {  	[sflag:s29] =	ssyncadd.s32 $0xFFFFFFFF  }
0xc5: {  	_ =	strace $0x9000004B  }
0xc6: {  	_ =	sfence  }
0xc7: {  	s30 =	sld [smem:$0x0];
	_ =	sdelay $0x2  }
0xc8: {  	s31 =	sshll.u32 s1, $0xD;
	s1 =	sshrl.u32 s1, $0x2  }
0xc9: {  	s4 =	sand.u32 $0x4000, s31;
	s1 =	sadd.s32 s1, s30  }
0xca: {  	s0 =	sor.u32 s4, s0;
	s1 =	sshll.u32 s1, $0x11  }
0xcb: {  	s0 =	sor.u32 s1, s0  }
0xcc: {  	s0 =	sadd.s32 $0x8F2B, s0  }
0xcd: {  	[sflag:s0] =	ssyncadd.remote.s32 $0x1  }
0xce: {  	_ =	sfence.sel $0xFFFF  }
0xcf: {  	[dreg:$0x0] =	wrdreg $0xFFFFFFFF;
	(pc) =	sbr.abs _section_cstart, $3  }
0xd0: {  	[dreg:$0x1] =	wrdreg $0xFFFFFFFF  }
0xd1: {  	_ =	task.clear_ibuf [dreg:s22], $0x2FFFF;
	_ =	strace $0x9FFFFFFF  }
0xd2: {  	(tm) =	ssettm $0x7FFFFFFF  }
0xd3: {  	_ =	shalt  }
tec
execute0_lowered:
.L_overlay_start_1:
0x0: {  	(tag) =	ssettag $0x1  }
0x1: {  	s0 =	srdreg.scid;
	s1 =	rddreg [dreg:$0x0]  }
0x2: {  	s2 =	rddreg [dreg:$0x1];
	s13 =	stileid.u32  }
0x3: {  	s3 =	rddreg [dreg:$0x2];
	s16 =	simm.s32 $0x40;
	s17 =	simm.s32 $0x2C00  }
0x4: {  	s18 =	simm.s32 $0x4C00;
	s19 =	simm.s32 $0x3;
	s20 =	simm.s32 $0x1  }
0x5: {  	s28 =	simm.s32 $0x2880;
	s29 =	simm.s32 $0x6;
	s6 =	smul.u32 $0x13C00, s13  }
0x6: {  	s30 =	simm.s32 $0x2900;
	s31 =	simm.s32 $0x2980;
	s11 =	smul.u32 $0x4F000, s13  }
0x7: {  	s0 =	sand.u32 $0x1, s0;
	s10 =	sadd.s32 $0x83000, s2;
	s23 =	smul.u32 $0x2800, s13  }
0x8: {  	s26 =	sshll.u32 s13, $0x6;
	s4 =	sshll.u32 s0, $0x4;
	s8 =	smul.u32 $0x13C000, s0  }
0x9: {  	s21 =	ssub.s32 $0x2, s0;
	s0 =	smul.u32 $0x28000, s0;
	s5 =	sor.u32 s13, s4  }
0xa: {  	s4 =	simm.s32 $0x0;
	s7 =	sshrl.u32 s6, $0x3;
	s12 =	sshrl.u32 s21, $0x1  }
0xb: {  	s24 =	sshrl.u32 s11, $0x2;
	s13 =	simm.s32 $0x2800;
	s5 =	smul.u32 $0x2800, s5  }
0xc: {  	[smem:$0x7FF] =	sst s4;
	s7 =	sadd.s32 s7, s2;
	s6 =	sadd.s32 s6, s8  }
0xd: {  	s22 =	ssub.s32 s21, s12;
	s0 =	sadd.s32 s23, s0;
	s12 =	simm.s32 $0x7  }
0xe: {  	s21 =	simm.s32 $0x2A00;
	s23 =	simm.s32 $0x8C00;
	_ =	strace $0x8000004A  }
0xf: {  	s6 =	sshrl.u32 s6, $0x3;
	s7 =	sadd.s32 $0x2800, s7;
	s25 =	sor.u32 $0x400, s0  }
0x10: {  	s0 =	sor.u32 $0x200, s0;
	s5 =	sshrl.u32 s5, $0x3;
	[dreg:$0x6] =	wrdreg s7  }
0x11: {  	s0 =	sshrl.u32 s0, $0x3;
	s7 =	simm.s32 $0x0;
	s9 =	sadd.s32 s5, s2  }
0x12: {  	s2 =	sadd.s32 s6, s2;
	s5 =	sadd.s32 s10, s5;
	s6 =	smax.u32 s22, $0x1  }
0x13: {  	s0 =	sadd.s32 s0, s10;
	s22 =	simm.s32 $0x6C00;
	[dreg:$0x5] =	wrdreg s5  }
0x14: {  	s9 =	sadd.s32 $0x79000, s9;
	s5 =	sadd.s32 s24, s3;
	[dreg:$0x8] =	wrdreg s6  }
0x15: {  	s2 =	sadd.s32 $0x8D000, s2;
	[dreg:$0xa] =	wrdreg s0;
	s24 =	simm.s32 $0x80  }
.Ltmp0:
0x16: {  	s0 =	simm.s32 $0x2A80;
	[dreg:$0x4] =	wrdreg s9;
	(pc) =	sbr.rel .LBB2_1-.Ltmp0, $4  }
0x17: {  	s6 =	simm.s32 $0x2B80;
	[dreg:$0x7] =	wrdreg s2;
	s2 =	sshrl.u32 s25, $0x3  }
0x18: {  	s9 =	sor.u32 $0x1C07, s26;
	s25 =	simm.s32 $0x2;
	s2 =	sadd.s32 s2, s10  }
0x19: {  	s26 =	simm.s32 $0x5;
	s10 =	sshrl.u32 s5, $0x3;
	[dreg:$0x9] =	wrdreg s2  }
0x1a: {  	s5 =	simm.s32 $0x2B00;
	s2 =	simm.s32 $0x4;
	[dreg:$0xb] =	wrdreg s10  }
.LBB2_4:
0x1b: {  	[spmem:s3] =	stream.indirect.scatter.add.f32 [tilespmem:s22], [sflag:$0x6], $0x80, s6, s24, $0xb8;
	[tilespmem:$0x1E800] =	vst v63  }
0x1c: {  	_ =	swait.ge [sflag:s29], $0x4000  }
0x1d: {  	[sflag:s29] =	ssyncset.done $0x0  }
0x1e: {  	[sflag:s29] =	ssyncadd.s32 $0xFFFFC000  }
0x1f: {  	[bflag:$0x0] =	sbarrier.arrive $0xFFFF  }
0x20: {  	s8 =	rddreg [dreg:$0x7]  }
0x21: {  	s10 =	rddreg [dreg:$0xb]  }
0x22: {  	[hbm:s8], [sflag:s15] =	dma.local [spmem:s10], $0x2780  }
0x23: {  	_ =	swait.ge [sflag:s12], $0x2780  }
0x24: {  	s9 =	smov.u32 s15;
	s7 =	sadd.s32 $0x1, s7;
	s15 =	rddreg [dreg:$0x8]  }
0x25: {  	p0 =	sne.s32 s7, s15  }
.Ltmp1:
0x26: {  	_ = 	snop;
	(pc) =	sbr.rel @!p0 .LBB2_5-.Ltmp1, $3  }
0x27: {  	_ =	sdelay $0x1  }
0x28: {  	[sflag:s12] =	ssyncset.done $0x0  }
0x29: {  	[sflag:s12] =	ssyncadd.s32 $0xFFFFD880  }
.LBB2_1:
0x2a: {  	s8 =	rddreg [dreg:$0x4]  }
0x2b: {  	[tilespmem:s4], [sflag:$0x7] =	stream.linear.gather [hbm4b:s8+s4], $0x2800, $0x38;
	[tilespmem:$0x1E800] =	vst v63  }
0x2c: {  	_ =	swait.ge [sflag:s12], $0x2800  }
0x2d: {  	[sflag:s12] =	ssyncset.done $0x0;
	s11 =	rddreg [dreg:$0x5]  }
0x2e: {  	s14 =	rddreg [dreg:$0x6];
	[sflag:s12] =	ssyncadd.s32 $0xFFFFD800  }
0x2f: {  	[tilespmem:s13], [sflag:$0x3] =	stream.linear.gather [hbm4b:s11+s4], $0x200, $0x38;
	[tilespmem:$0x1E800] =	vst v63  }
0x30: {  	[spmem:s10], [sflag:s9] =	dma.local [hbm:s14], $0x2780  }
0x31: {  	_ =	swait.ge [sflag:s12], $0x2780  }
0x32: {  	[sflag:s12] =	ssyncset.done $0x0  }
0x33: {  	[sflag:s12] =	ssyncadd.s32 $0xFFFFD880  }
0x34: {  	[bflag:$0x0] =	sbarrier.arrive $0xFFFF  }
0x35: {  	[tilespmem:s17], [sflag:$0x1] =	stream.indirect.gather [hbm4b:s1+s16], $0x80, s4, s16, $0xb8;
	[tilespmem:$0x1E800] =	vst v63  }
0x36: {  	s11 =	rddreg [dreg:$0xa]  }
0x37: {  	s15 =	smov.u32 s9;
	s9 =	simm.s32 $0x0;
	s10 =	rddreg [dreg:$0x9]  }
0x38: {  	[tilespmem:s18], [sflag:$0x1] =	stream.indirect.gather [hbm4b:s1+s16], $0x80, s16, s16, $0xb8;
	[tilespmem:$0x1E800] =	vst v63  }
.LBB2_2:
0x39: {  	_ =	swait.ge [sflag:s19], $0x200  }
0x3a: {  	[sflag:s19] =	ssyncset.done $0x0  }
0x3b: {  	[sflag:s19] =	ssyncadd.s32 $0xFFFFFE00  }
0x3c: {  	_ =	swait.ge [sflag:s20], $0x4000  }
0x3d: {  	p0 =	seq.s32 s9, $0x0;
	[sflag:s20] =	ssyncset.done $0x0  }
0x3e: {  	s8 =	simm.s32 @!p0 $0x6;
	[sflag:s20] =	ssyncadd.s32 $0xFFFFC000  }
0x3f: {  	_ =	swait.ge @!p0 [sflag:s8], $0x4000  }
0x40: {  	[sflag:s8] =	ssyncset.done @!p0 $0x0  }
0x41: {  	[sflag:s8] =	ssyncadd.s32 @!p0 $0xFFFFC000;
	s8 =	sshra.s32 s9, $0x2  }
0x42: {  	[tilespmem:s21], [sflag:$0x4] =	stream.linear.gather [hbm4b:s11+s4], $0x200, $0x38;
	[tilespmem:$0x1E800] =	vst v63  }
0x43: {  	s14 =	sadd.s32 $0x80, s8  }
0x44: {  	[tilespmem:s22], [sflag:$0x2] =	stream.indirect.gather [hbm4b:s1+s16], $0x80, s14, s16, $0xb8;
	[tilespmem:$0x1E800] =	vst v63  }
0x45: {  	s14 =	sadd.s32 $0xC0, s8  }
0x46: {  	[tilespmem:s23], [sflag:$0x2] =	stream.indirect.gather [hbm4b:s1+s16], $0x80, s14, s16, $0xb8;
	[tilespmem:$0x1E800] =	vst v63  }
0x47: {  	_ = 	snop  }
0x48: {  	[spmem:s3] =	stream.indirect.scatter.add.f32 [tilespmem:s17], [sflag:$0x5], $0x80, s13, s24, $0xb8;
	[tilespmem:$0x1E800] =	vst v63  }
0x49: {  	_ =	swait.ge [sflag:s25], $0x4000  }
0x4a: {  	[sflag:s25] =	ssyncset.done $0x0  }
0x4b: {  	[sflag:s25] =	ssyncadd.s32 $0xFFFFC000  }
0x4c: {  	_ =	swait.ge [sflag:s26], $0x4000  }
0x4d: {  	[sflag:s26] =	ssyncset.done $0x0  }
0x4e: {  	s14 =	sadd.s32 $0x100, s8;
	[sflag:s26] =	ssyncadd.s32 $0xFFFFC000  }
0x4f: {  	[tilespmem:s17], [sflag:$0x1] =	stream.indirect.gather [hbm4b:s1+s16], $0x80, s14, s16, $0xb8;
	[tilespmem:$0x1E800] =	vst v63  }
0x50: {  	s14 =	sadd.s32 $0x140, s8  }
0x51: {  	[tilespmem:s18], [sflag:$0x1] =	stream.indirect.gather [hbm4b:s1+s16], $0x80, s14, s16, $0xb8;
	[tilespmem:$0x1E800] =	vst v63  }
0x52: {  	_ = 	snop  }
0x53: {  	[spmem:s3] =	stream.indirect.scatter.add.f32 [tilespmem:s22], [sflag:$0x6], $0x80, s28, s24, $0xb8;
	[tilespmem:$0x1E800] =	vst v63  }
0x54: {  	_ =	swait.ge [sflag:s20], $0x4000  }
0x55: {  	[sflag:s20] =	ssyncset.done $0x0  }
0x56: {  	[sflag:s20] =	ssyncadd.s32 $0xFFFFC000  }
0x57: {  	_ =	swait.ge [sflag:s29], $0x4000  }
0x58: {  	[sflag:s29] =	ssyncset.done $0x0  }
0x59: {  	s14 =	sadd.s32 $0x180, s8;
	[sflag:s29] =	ssyncadd.s32 $0xFFFFC000  }
0x5a: {  	[tilespmem:s22], [sflag:$0x2] =	stream.indirect.gather [hbm4b:s1+s16], $0x80, s14, s16, $0xb8;
	[tilespmem:$0x1E800] =	vst v63  }
0x5b: {  	s14 =	sadd.s32 $0x1C0, s8  }
0x5c: {  	[tilespmem:s23], [sflag:$0x2] =	stream.indirect.gather [hbm4b:s1+s16], $0x80, s14, s16, $0xb8;
	[tilespmem:$0x1E800] =	vst v63  }
0x5d: {  	_ = 	snop  }
0x5e: {  	[spmem:s3] =	stream.indirect.scatter.add.f32 [tilespmem:s17], [sflag:$0x5], $0x80, s30, s24, $0xb8;
	[tilespmem:$0x1E800] =	vst v63  }
0x5f: {  	_ =	swait.ge [sflag:s25], $0x4000  }
0x60: {  	[sflag:s25] =	ssyncset.done $0x0  }
0x61: {  	[sflag:s25] =	ssyncadd.s32 $0xFFFFC000  }
0x62: {  	_ =	swait.ge [sflag:s26], $0x4000  }
0x63: {  	[sflag:s26] =	ssyncset.done $0x0  }
0x64: {  	s14 =	sadd.s32 $0x200, s8;
	[sflag:s26] =	ssyncadd.s32 $0xFFFFC000  }
0x65: {  	[tilespmem:s17], [sflag:$0x1] =	stream.indirect.gather [hbm4b:s1+s16], $0x80, s14, s16, $0xb8;
	[tilespmem:$0x1E800] =	vst v63  }
0x66: {  	s14 =	sadd.s32 $0x240, s8  }
0x67: {  	[tilespmem:s18], [sflag:$0x1] =	stream.indirect.gather [hbm4b:s1+s16], $0x80, s14, s16, $0xb8;
	[tilespmem:$0x1E800] =	vst v63  }
0x68: {  	_ = 	snop  }
0x69: {  	[spmem:s3] =	stream.indirect.scatter.add.f32 [tilespmem:s22], [sflag:$0x6], $0x80, s31, s24, $0xb8;
	[tilespmem:$0x1E800] =	vst v63  }
0x6a: {  	_ =	swait.ge [sflag:s20], $0x4000  }
0x6b: {  	[sflag:s20] =	ssyncset.done $0x0  }
0x6c: {  	[sflag:s20] =	ssyncadd.s32 $0xFFFFC000  }
0x6d: {  	_ =	swait.ge [sflag:s29], $0x4000  }
0x6e: {  	[sflag:s29] =	ssyncset.done $0x0  }
0x6f: {  	s14 =	sadd.s32 $0x280, s8;
	[sflag:s29] =	ssyncadd.s32 $0xFFFFC000  }
0x70: {  	[tilespmem:s22], [sflag:$0x2] =	stream.indirect.gather [hbm4b:s1+s16], $0x80, s14, s16, $0xb8;
	[tilespmem:$0x1E800] =	vst v63  }
0x71: {  	s14 =	sadd.s32 $0x2C0, s8  }
0x72: {  	[tilespmem:s23], [sflag:$0x2] =	stream.indirect.gather [hbm4b:s1+s16], $0x80, s14, s16, $0xb8;
	[tilespmem:$0x1E800] =	vst v63  }
0x73: {  	_ =	swait.ge [sflag:s2], $0x200  }
0x74: {  	[sflag:s2] =	ssyncset.done $0x0  }
0x75: {  	[sflag:s2] =	ssyncadd.s32 $0xFFFFFE00  }
0x76: {  	[spmem:s3] =	stream.indirect.scatter.add.f32 [tilespmem:s17], [sflag:$0x5], $0x80, s21, s24, $0xb8;
	[tilespmem:$0x1E800] =	vst v63  }
0x77: {  	_ =	swait.ge [sflag:s25], $0x4000  }
0x78: {  	[sflag:s25] =	ssyncset.done $0x0  }
0x79: {  	[sflag:s25] =	ssyncadd.s32 $0xFFFFC000  }
0x7a: {  	_ =	swait.ge [sflag:s26], $0x4000  }
0x7b: {  	[sflag:s26] =	ssyncset.done $0x0  }
0x7c: {  	s14 =	sadd.s32 $0x300, s8;
	[sflag:s26] =	ssyncadd.s32 $0xFFFFC000  }
0x7d: {  	[tilespmem:s17], [sflag:$0x1] =	stream.indirect.gather [hbm4b:s1+s16], $0x80, s14, s16, $0xb8;
	[tilespmem:$0x1E800] =	vst v63  }
0x7e: {  	s14 =	sadd.s32 $0x340, s8  }
0x7f: {  	[tilespmem:s18], [sflag:$0x1] =	stream.indirect.gather [hbm4b:s1+s16], $0x80, s14, s16, $0xb8;
	[tilespmem:$0x1E800] =	vst v63  }
0x80: {  	_ = 	snop  }
0x81: {  	[spmem:s3] =	stream.indirect.scatter.add.f32 [tilespmem:s22], [sflag:$0x6], $0x80, s0, s24, $0xb8;
	[tilespmem:$0x1E800] =	vst v63  }
0x82: {  	_ =	swait.ge [sflag:s20], $0x4000  }
0x83: {  	[sflag:s20] =	ssyncset.done $0x0  }
0x84: {  	[sflag:s20] =	ssyncadd.s32 $0xFFFFC000  }
0x85: {  	_ =	swait.ge [sflag:s29], $0x4000  }
0x86: {  	[sflag:s29] =	ssyncset.done $0x0  }
0x87: {  	s14 =	sadd.s32 $0x380, s8;
	[sflag:s29] =	ssyncadd.s32 $0xFFFFC000  }
0x88: {  	[tilespmem:s22], [sflag:$0x2] =	stream.indirect.gather [hbm4b:s1+s16], $0x80, s14, s16, $0xb8;
	[tilespmem:$0x1E800] =	vst v63  }
0x89: {  	s14 =	sadd.s32 $0x3C0, s8  }
0x8a: {  	[tilespmem:s23], [sflag:$0x2] =	stream.indirect.gather [hbm4b:s1+s16], $0x80, s14, s16, $0xb8;
	[tilespmem:$0x1E800] =	vst v63  }
0x8b: {  	_ = 	snop  }
0x8c: {  	[spmem:s3] =	stream.indirect.scatter.add.f32 [tilespmem:s17], [sflag:$0x5], $0x80, s5, s24, $0xb8;
	[tilespmem:$0x1E800] =	vst v63  }
0x8d: {  	p0 =	seq.s32 s9, $0x9000;
	_ =	swait.ge [sflag:s25], $0x4000  }
.Ltmp2:
0x8e: {  	[sflag:s25] =	ssyncset.done $0x0;
	(pc) =	sbr.rel @p0 .LBB2_4-.Ltmp2, $4  }
0x8f: {  	[sflag:s25] =	ssyncadd.s32 $0xFFFFC000  }
0x90: {  	_ =	swait.ge [sflag:s26], $0x4000  }
0x91: {  	[sflag:s26] =	ssyncset.done $0x0  }
0x92: {  	[sflag:s26] =	ssyncadd.s32 $0xFFFFC000  }
0x93: {  	s14 =	sadd.s32 $0x400, s8  }
0x94: {  	[tilespmem:s17], [sflag:$0x1] =	stream.indirect.gather [hbm4b:s1+s16], $0x80, s14, s16, $0xb8;
	[tilespmem:$0x1E800] =	vst v63  }
0x95: {  	s14 =	sadd.s32 $0x440, s8  }
0x96: {  	[tilespmem:s18], [sflag:$0x1] =	stream.indirect.gather [hbm4b:s1+s16], $0x80, s14, s16, $0xb8;
	[tilespmem:$0x1E800] =	vst v63  }
.Ltmp3:
0x97: {  	_ = 	snop;
	(pc) =	sbr.rel .LBB2_2-.Ltmp3, $4  }
0x98: {  	[spmem:s3] =	stream.indirect.scatter.add.f32 [tilespmem:s22], [sflag:$0x6], $0x80, s6, s24, $0xb8;
	[tilespmem:$0x1E800] =	vst v63  }
0x99: {  	_ = 	snop  }
0x9a: {  	[tilespmem:s13], [sflag:$0x3] =	stream.linear.gather [hbm4b:s10+s4], $0x200, $0x38;
	[tilespmem:$0x1E800] =	vst v63  }
0x9b: {  	s9 =	sadd.s32 $0x1000, s9;
	s11 =	sadd.s32 $0x80, s11;
	s10 =	sadd.s32 $0x80, s10  }
.LBB2_5:
0x9c: {  	_ =	sfence.sel $0x180000  }
0x9d: {  	[bflag:$0x0] =	sbarrier.arrive $0xFFFF  }
0x9e: {  	_ =	strace $0x9000004A  }
0x9f: {  	s0 =	stileid.u32;
	[bflag:$0x2] =	sbarrier.arrive $0xFFFF  }
0xa0: {  	p0 =	sne.s32 s0, $0x0;
	s0 =	rddreg [dreg:$0x3]  }
0xa1: {  	s0 =	sadd.s32 @!p0 $0x100000, s0  }
0xa2: {  	[sflag:s0] =	ssyncadd.tile.s32 @!p0 $0x1;
	_ =	shalt  }
.Lfunc_end2:
_tile_overlayer_lowered:
.L_overlay_start_2:
0xa3: {  	(tag) =	ssettag $0x2  }
0xa4: {  	s0 =	rddreg [dreg:$0x0];
	s2 =	stileid.u32  }
0xa5: {  	s1 =	rddreg [dreg:$0x1];
	p0 =	sne.s32 s2, $0x0  }
0xa6: {  	s3 =	rddreg [dreg:$0x2];
	[bflag:$0x3] =	sbarrier.arrive $0xFFFF;
	s2 =	simm.s32 @!p0 $0x1C07  }
0xa7: {  	[timem:s3], [sflag:s2] =	dma.local @!p0 [hbm:s0], s1  }
0xa8: {  	s0 =	simm.s32 @!p0 $0x7  }
0xa9: {  	_ =	swait.ge @!p0 [sflag:s0], s1  }
0xaa: {  	s1 =	ssub.s32 @!p0 $0x0, s1;
	[sflag:s0] =	ssyncset.done @!p0 $0x0  }
0xab: {  	[sflag:s0] =	ssyncadd.s32 @!p0 s1  }
0xac: {  	[bflag:$0x3] =	sbarrier.arrive $0xFFFF  }
0xad: {  	_ =	shalt  }

// kernel: kernel.13.cloned.1.call-start
scs
__scs_entry_jumppad:
0x0: {  	(pc) =	sbr.rel $0x88, $3  }
0x1: {  	(tag) =	ssettag $0x0;
	lr =	simm.s32 $0x1  }
0x2: {  	[smem:$0x3F99] =	sst lr;
	_ =	strace $0xD0000000  }
0x3: {  	_ = 	snop  }
0x4: {  	_ = 	snop  }
0x5: {  	_ = 	snop  }
0x6: {  	_ = 	snop  }
0x7: {  	_ = 	snop  }
__scs_overlays_trampoline_lowered:
0x8: {  	[smem:$0x3FA8] =	sst s0  }
0x9: {  	[smem:$0x3FA9] =	sst s1  }
0xa: {  	[smem:$0x3FAA] =	sst s2  }
0xb: {  	[smem:$0x3FAB] =	sst s3  }
0xc: {  	[smem:$0x3FAC] =	sst s4  }
0xd: {  	[smem:$0x3FAD] =	sst s5  }
0xe: {  	[smem:$0x3FAE] =	sst s6  }
0xf: {  	[smem:$0x3FAF] =	sst s7  }
0x10: {  	[smem:$0x3FB0] =	sst s8  }
0x11: {  	[smem:$0x3FB1] =	sst s9;
	s0 =	simm.s32 @!p0 $0x0  }
0x12: {  	s1 =	sld [smem:$0x3F97];
	s0 =	simm.s32 @p0 $0x1  }
0x13: {  	[smem:$0x3FB2] =	sst s0;
	s0 =	simm.s32 @!p1 $0x0  }
0x14: {  	s2 =	sld [smem:$0x3F96];
	s0 =	simm.s32 @p1 $0x1  }
0x15: {  	[smem:$0x3FB3] =	sst s0;
	s0 =	simm.s32 @!p2 $0x0  }
0x16: {  	s3 =	sld [smem:$0x3FDB];
	s0 =	simm.s32 @p2 $0x1  }
0x17: {  	s4 =	simm.s32 $0x1BF5;
	[smem:$0x3FB5] =	sst s0  }
0x18: {  	s0 =	sld [smem:$0x3F98];
	_ =	swait.ge [sflag:s4], $0x0  }
0x19: {  	s7 =	sld [smem:$0x3F99]  }
0x1a: {  	s8 =	sadd.s32 $0xFFFFE003, lr  }
0x1b: {  	s9 =	sadd.s32 $0xFFFFFEF7, lr;
	s5 =	simm.s32 $0xFFFFFFFF;
	p2 =	slt.u32 s8, $0xFFFFF086  }
0x1c: {  	p1 =	slt.u32 s9, $0xF7A;
	s5 =	simm.s32 @!p2 $0x0  }
0x1d: {  	s5 =	simm.s32 @p1 $0x1;
	p0 =	seq.s32 s7, s2  }
0x1e: {  	s7 =	smul.u32 @!p0 $0xF7A, s2;
	p2 =	seq.s32 @!p0 s5, $0x0  }
0x1f: {  	s9 =	smul.u32 $0xF7A, s1;
	s8 =	simm.s32 @!p0 $0x1BF5;
	p2 =	por !p2, p0  }
0x20: {  	[sflag:s8] =	ssyncset.s32 @!p0 $0xFFFFF086;
	s6 =	sadd.s32 @!p0 s3, s7;
	s7 =	simm.s32 @!p0 $0x108  }
0x21: {  	s3 =	sadd.s32 s3, s9;
	s6 =	sadd.s32 @!p0 $0x88, s6;
	s7 =	simm.s32 @p2 $0x1082  }
0x22: {  	[simem:s7], [sflag:s8] =	dma.local @!p0 [hbm:s6], $0xF7A  }
0x23: {  	s9 =	sor.u32 $0xD0000000, s2;
	s6 =	simm.s32 $0x108;
	_ =	swait.ge @!p0 [sflag:s8], $0x0  }
0x24: {  	s3 =	sadd.s32 $0x88, s3;
	s6 =	simm.s32 @!p1 $0x1082;
	[sflag:s4] =	ssyncset.s32 $0xFFFFF086  }
0x25: {  	[simem:s6], [sflag:s4] =	dma.local [hbm:s3], $0xF7A  }
0x26: {  	[smem:$0x3F99] =	sst s1;
	(tag) =	ssettag s2;
	_ =	strace s9  }
0x27: {  	s1 =	sld [smem:$0x3FA9]  }
0x28: {  	s2 =	sld [smem:$0x3FAA]  }
0x29: {  	s4 =	sld [smem:$0x3FAC]  }
0x2a: {  	p0 =	seq.s32 s5, $0x0;
	s5 =	sld [smem:$0x3FAD]  }
0x2b: {  	s6 =	sld [smem:$0x3FAE]  }
0x2c: {  	s7 =	sld [smem:$0x3FAF]  }
0x2d: {  	s3 =	simm.s32 $0x108;
	s8 =	sld [smem:$0x3FB0]  }
0x2e: {  	s3 =	simm.s32 @!p0 $0x1082;
	s9 =	sld [smem:$0x3FB1]  }
0x2f: {  	lr =	sadd.s32 s0, s3;
	s0 =	sld [smem:$0x3FA8]  }
0x30: {  	s3 =	sld [smem:$0x3FAB]  }
0x31: {  	[smem:$0x3FB4] =	sst s10  }
0x32: {  	s10 =	sld [smem:$0x3FB2];
	_ =	sdelay $0x3  }
0x33: {  	p0 =	seq.s32 s10, $0x1;
	s10 =	sld [smem:$0x3FB4];
	_ =	sdelay $0x3  }
0x34: {  	[smem:$0x3FB4] =	sst s10  }
0x35: {  	s10 =	sld [smem:$0x3FB3];
	_ =	sdelay $0x3  }
0x36: {  	p1 =	seq.s32 s10, $0x1;
	s10 =	sld [smem:$0x3FB4];
	_ =	sdelay $0x3  }
0x37: {  	[smem:$0x3FB4] =	sst s10  }
0x38: {  	s10 =	sld [smem:$0x3FB5]  }
0x39: {  	_ = 	snop;
	(pc) =	sbr.ind lr, $3  }
0x3a: {  	_ = 	snop  }
0x3b: {  	_ = 	snop  }
0x3c: {  	p2 =	seq.s32 s10, $0x1;
	s10 =	sld [smem:$0x3FB4]  }
0x3d: {  	_ =	shalt  }
0x3e: {  	_ =	shalt  }
0x3f: {  	_ =	shalt  }
0x40: {  	_ =	shalt  }
0x41: {  	_ =	shalt  }
0x42: {  	_ =	shalt  }
0x43: {  	_ =	shalt  }
0x44: {  	_ =	shalt  }
0x45: {  	_ =	shalt  }
0x46: {  	_ =	shalt  }
0x47: {  	_ =	shalt  }
0x48: {  	_ =	shalt  }
0x49: {  	_ =	shalt  }
0x4a: {  	_ =	shalt  }
0x4b: {  	_ =	shalt  }
0x4c: {  	_ =	shalt  }
0x4d: {  	_ =	shalt  }
0x4e: {  	_ =	shalt  }
0x4f: {  	_ =	shalt  }
0x50: {  	_ =	shalt  }
0x51: {  	_ =	shalt  }
0x52: {  	_ =	shalt  }
0x53: {  	_ =	shalt  }
0x54: {  	_ =	shalt  }
0x55: {  	_ =	shalt  }
0x56: {  	_ =	shalt  }
0x57: {  	_ =	shalt  }
0x58: {  	_ =	shalt  }
0x59: {  	_ =	shalt  }
0x5a: {  	_ =	shalt  }
0x5b: {  	_ =	shalt  }
0x5c: {  	_ =	shalt  }
0x5d: {  	_ =	shalt  }
0x5e: {  	_ =	shalt  }
0x5f: {  	_ =	shalt  }
0x60: {  	_ =	shalt  }
0x61: {  	_ =	shalt  }
0x62: {  	_ =	shalt  }
0x63: {  	_ =	shalt  }
0x64: {  	_ =	shalt  }
0x65: {  	_ =	shalt  }
0x66: {  	_ =	shalt  }
0x67: {  	_ =	shalt  }
0x68: {  	_ =	shalt  }
0x69: {  	_ =	shalt  }
0x6a: {  	_ =	shalt  }
0x6b: {  	_ =	shalt  }
0x6c: {  	_ =	shalt  }
0x6d: {  	_ =	shalt  }
0x6e: {  	_ =	shalt  }
0x6f: {  	_ =	shalt  }
0x70: {  	_ =	shalt  }
0x71: {  	_ =	shalt  }
0x72: {  	_ =	shalt  }
0x73: {  	_ =	shalt  }
0x74: {  	_ =	shalt  }
0x75: {  	_ =	shalt  }
0x76: {  	_ =	shalt  }
0x77: {  	_ =	shalt  }
0x78: {  	_ =	shalt  }
0x79: {  	_ =	shalt  }
0x7a: {  	_ =	shalt  }
0x7b: {  	_ =	shalt  }
0x7c: {  	_ =	shalt  }
0x7d: {  	_ =	shalt  }
0x7e: {  	_ =	shalt  }
0x7f: {  	_ =	shalt  }
0x80: {  	_ =	shalt  }
0x81: {  	_ =	shalt  }
0x82: {  	_ =	shalt  }
0x83: {  	_ =	shalt  }
0x84: {  	_ =	shalt  }
0x85: {  	_ =	shalt  }
0x86: {  	_ =	shalt  }
0x87: {  	_ =	shalt  }
.Lfunc_end0:
.L_simem_size_0:
called_computation.2_lowered:
.L_overlay_start_0:
0x88: {  	s2 =	sld [smem:$0x3FD9]  }
0x89: {  	s3 =	sld [smem:$0x3FFE];
	_ =	sdelay $0x1  }
0x8a: {  	s1 =	srdreg.scid  }
0x8b: {  	s0 =	sand.u32 $0x1, s1  }
0x8c: {  	s17 =	sshll.u32 s0, $0xA;
	s2 =	sadd.s32 s3, s2  }
0x8d: {  	s2 =	sadd.s32 s2, s17  }
0x8e: {  	[smem:$0x3FC0] =	sst s2  }
0x8f: {  	_ = 	snop  }
0x90: {  	s2 =	sld [smem:$0x3FD0];
	(tm) =	ssettm $0x1  }
0x91: {  	s18 =	sld [smem:$0x3FFB];
	_ =	sdelay $0x3  }
0x92: {  	_ =	strace s18  }
0x93: {  	s3 =	sld [smem:$0x3FFC];
	_ =	sdelay $0x3  }
0x94: {  	_ =	strace s3  }
0x95: {  	s3 =	sld [smem:$0x3FFD];
	_ =	sdelay $0x3  }
0x96: {  	_ =	strace s3  }
0x97: {  	_ =	strace $0x8FFFFFFF  }
0x98: {  	s19 =	sld [smem:$0x3FDB];
	_ =	sdelay $0x1  }
0x99: {  	s4 =	simm.s32 $_scs_section_size  }
0x9a: {  	s5 =	simm.s32 $_size__tile_overlayer_lowered;
	s6 =	simm.s32 $_tile_overlayer_lowered  }
0x9b: {  	s22 =	simm.s32 $0x1BFF;
	s21 =	sshll.u32 s6, $0x1;
	s3 =	sadd.s32 s4, s19  }
0x9c: {  	s7 =	simm.s32 $0x0;
	s20 =	sshll.u32 s5, $0x1;
	s5 =	sadd.s32 s21, s3  }
0x9d: {  	[timem:s7], [sflag:s22] =	dma.local [hbm:s5], s20  }
0x9e: {  	_ =	swait.ge [sflag:s22], s20  }
0x9f: {  	s4 =	ssub.s32 $0x0, s20;
	[sflag:s22] =	ssyncset.done $0x0  }
0xa0: {  	[sflag:s22] =	ssyncadd.s32 s4;
	_ =	sdelay $0x1  }
0xa1: {  	s23 =	simm.s32 $0x1B8B  }
0xa2: {  	_ =	swait.ge [sflag:s23], $0x1  }
0xa3: {  	[sflag:s23] =	ssyncset.done $0x0  }
0xa4: {  	s25 =	simm.s32 $0x1B8E;
	s24 =	sld [smem:$0x3FFE];
	[sflag:s23] =	ssyncadd.s32 $0xFFFFFFFF  }
0xa5: {  	s26 =	simm.s32 $execute0_lowered;
	[smem:$0x3FD2] =	sst s25  }
0xa6: {  	s5 =	sshll.u32 s26, $0x1;
	_ =	strace $0x8000004C;
	[dreg:$0x1] =	wrdreg $0xFFFFFFFF  }
0xa7: {  	s28 =	simm.s32 $_size_execute0_lowered;
	s3 =	sadd.s32 s3, s5;
	[dreg:$0x0] =	wrdreg $0x0  }
0xa8: {  	s5 =	sshll.u32 s28, $0x1;
	[dreg:$0x2] =	wrdreg s3  }
0xa9: {  	[dreg:$0x3] =	wrdreg s5  }
0xaa: {  	[dreg:$0x4] =	wrdreg $0xC0  }
0xab: {  	_ =	task [dreg:s7], $0x5FFFF  }
0xac: {  	[dreg:$0x1] =	wrdreg $0xFFFFFFFF  }
0xad: {  	[dreg:$0x0] =	wrdreg $0x60  }
0xae: {  	[dreg:$0x2] =	wrdreg s2  }
0xaf: {  	[dreg:$0x3] =	wrdreg s24  }
0xb0: {  	[dreg:$0x4] =	wrdreg $0xAC000  }
0xb1: {  	[dreg:$0x5] =	wrdreg $0x9  }
0xb2: {  	_ =	task.clear_ibuf [dreg:s7], $0x6FFFF;
	_ =	strace $0x9000004C  }
0xb3: {  	s29 =	simm.s32 $0x9;
	_ =	strace $0x8000004E  }
0xb4: {  	_ =	swait.ge [sflag:s29], $0x1  }
0xb5: {  	[sflag:s29] =	ssyncadd.s32 $0xFFFFFFFF  }
0xb6: {  	_ =	strace $0x9000004E  }
0xb7: {  	_ =	sfence  }
0xb8: {  	s30 =	sld [smem:$0x0];
	_ =	sdelay $0x2  }
0xb9: {  	s31 =	sshll.u32 s1, $0xD;
	s1 =	sshrl.u32 s1, $0x2  }
0xba: {  	s3 =	sand.u32 $0x4000, s31;
	s1 =	sadd.s32 s1, s30  }
0xbb: {  	s0 =	sor.u32 s3, s0;
	s1 =	sshll.u32 s1, $0x11  }
0xbc: {  	s0 =	sor.u32 s1, s0  }
0xbd: {  	s0 =	sadd.s32 $0x8F2B, s0  }
0xbe: {  	[sflag:s0] =	ssyncadd.remote.s32 $0x1  }
0xbf: {  	_ =	sfence.sel $0xFFFF  }
0xc0: {  	[dreg:$0x0] =	wrdreg $0xFFFFFFFF;
	(pc) =	sbr.abs _section_cstart, $3  }
0xc1: {  	[dreg:$0x1] =	wrdreg $0xFFFFFFFF  }
0xc2: {  	_ =	task.clear_ibuf [dreg:s7], $0x2FFFF;
	_ =	strace $0x9FFFFFFF  }
0xc3: {  	(tm) =	ssettm $0x7FFFFFFF  }
tec
execute0_lowered:
.L_overlay_start_1:
0x0: {  	(tag) =	ssettag $0x1  }
0x1: {  	s0 =	srdreg.scid;
	s1 =	rddreg [dreg:$0x0]  }
0x2: {  	s2 =	rddreg [dreg:$0x1];
	s13 =	stileid.u32  }
0x3: {  	s3 =	rddreg [dreg:$0x2];
	s16 =	simm.s32 $0x40;
	s17 =	simm.s32 $0x2C00  }
0x4: {  	s18 =	simm.s32 $0x4C00;
	s19 =	simm.s32 $0x3;
	s20 =	simm.s32 $0x1  }
0x5: {  	s28 =	simm.s32 $0x2880;
	s29 =	simm.s32 $0x6;
	s6 =	smul.u32 $0x13C00, s13  }
0x6: {  	s30 =	simm.s32 $0x2900;
	s31 =	simm.s32 $0x2980;
	s11 =	smul.u32 $0x4F000, s13  }
0x7: {  	s0 =	sand.u32 $0x1, s0;
	s10 =	sadd.s32 $0x83000, s2;
	s23 =	smul.u32 $0x2800, s13  }
0x8: {  	s26 =	sshll.u32 s13, $0x6;
	s4 =	sshll.u32 s0, $0x4;
	s8 =	smul.u32 $0x13C000, s0  }
0x9: {  	s21 =	ssub.s32 $0x2, s0;
	s0 =	smul.u32 $0x28000, s0;
	s5 =	sor.u32 s13, s4  }
0xa: {  	s4 =	simm.s32 $0x0;
	s7 =	sshrl.u32 s6, $0x3;
	s12 =	sshrl.u32 s21, $0x1  }
0xb: {  	s24 =	sshrl.u32 s11, $0x2;
	s13 =	simm.s32 $0x2800;
	s5 =	smul.u32 $0x2800, s5  }
0xc: {  	[smem:$0x7FF] =	sst s4;
	s7 =	sadd.s32 s7, s2;
	s6 =	sadd.s32 s6, s8  }
0xd: {  	s22 =	ssub.s32 s21, s12;
	s0 =	sadd.s32 s23, s0;
	s12 =	simm.s32 $0x7  }
0xe: {  	s21 =	simm.s32 $0x2A00;
	s23 =	simm.s32 $0x8C00;
	_ =	strace $0x8000004D  }
0xf: {  	s6 =	sshrl.u32 s6, $0x3;
	s7 =	sadd.s32 $0x2800, s7;
	s25 =	sor.u32 $0x400, s0  }
0x10: {  	s0 =	sor.u32 $0x200, s0;
	s5 =	sshrl.u32 s5, $0x3;
	[dreg:$0x6] =	wrdreg s7  }
0x11: {  	s0 =	sshrl.u32 s0, $0x3;
	s7 =	simm.s32 $0x0;
	s9 =	sadd.s32 s5, s2  }
0x12: {  	s2 =	sadd.s32 s6, s2;
	s5 =	sadd.s32 s10, s5;
	s6 =	smax.u32 s22, $0x1  }
0x13: {  	s0 =	sadd.s32 s0, s10;
	s22 =	simm.s32 $0x6C00;
	[dreg:$0x5] =	wrdreg s5  }
0x14: {  	s9 =	sadd.s32 $0x79000, s9;
	s5 =	sadd.s32 s24, s3;
	[dreg:$0x8] =	wrdreg s6  }
0x15: {  	s2 =	sadd.s32 $0x8D000, s2;
	[dreg:$0xa] =	wrdreg s0;
	s24 =	simm.s32 $0x80  }
.Ltmp0:
0x16: {  	s0 =	simm.s32 $0x2A80;
	[dreg:$0x4] =	wrdreg s9;
	(pc) =	sbr.rel .LBB2_1-.Ltmp0, $4  }
0x17: {  	s6 =	simm.s32 $0x2B80;
	[dreg:$0x7] =	wrdreg s2;
	s2 =	sshrl.u32 s25, $0x3  }
0x18: {  	s9 =	sor.u32 $0x1C07, s26;
	s25 =	simm.s32 $0x2;
	s2 =	sadd.s32 s2, s10  }
0x19: {  	s26 =	simm.s32 $0x5;
	s10 =	sshrl.u32 s5, $0x3;
	[dreg:$0x9] =	wrdreg s2  }
0x1a: {  	s5 =	simm.s32 $0x2B00;
	s2 =	simm.s32 $0x4;
	[dreg:$0xb] =	wrdreg s10  }
.LBB2_4:
0x1b: {  	[spmem:s3] =	stream.indirect.scatter.add.f32 [tilespmem:s22], [sflag:$0x6], $0x80, s6, s24, $0xb8;
	[tilespmem:$0x1E800] =	vst v63  }
0x1c: {  	_ =	swait.ge [sflag:s29], $0x4000  }
0x1d: {  	[sflag:s29] =	ssyncset.done $0x0  }
0x1e: {  	[sflag:s29] =	ssyncadd.s32 $0xFFFFC000  }
0x1f: {  	[bflag:$0x0] =	sbarrier.arrive $0xFFFF  }
0x20: {  	s8 =	rddreg [dreg:$0x7]  }
0x21: {  	s10 =	rddreg [dreg:$0xb]  }
0x22: {  	[hbm:s8], [sflag:s15] =	dma.local [spmem:s10], $0x2780  }
0x23: {  	_ =	swait.ge [sflag:s12], $0x2780  }
0x24: {  	s9 =	smov.u32 s15;
	s7 =	sadd.s32 $0x1, s7;
	s15 =	rddreg [dreg:$0x8]  }
0x25: {  	p0 =	sne.s32 s7, s15  }
.Ltmp1:
0x26: {  	_ = 	snop;
	(pc) =	sbr.rel @!p0 .LBB2_5-.Ltmp1, $3  }
0x27: {  	_ =	sdelay $0x1  }
0x28: {  	[sflag:s12] =	ssyncset.done $0x0  }
0x29: {  	[sflag:s12] =	ssyncadd.s32 $0xFFFFD880  }
.LBB2_1:
0x2a: {  	s8 =	rddreg [dreg:$0x4]  }
0x2b: {  	[tilespmem:s4], [sflag:$0x7] =	stream.linear.gather [hbm4b:s8+s4], $0x2800, $0x38;
	[tilespmem:$0x1E800] =	vst v63  }
0x2c: {  	_ =	swait.ge [sflag:s12], $0x2800  }
0x2d: {  	[sflag:s12] =	ssyncset.done $0x0;
	s11 =	rddreg [dreg:$0x5]  }
0x2e: {  	s14 =	rddreg [dreg:$0x6];
	[sflag:s12] =	ssyncadd.s32 $0xFFFFD800  }
0x2f: {  	[tilespmem:s13], [sflag:$0x3] =	stream.linear.gather [hbm4b:s11+s4], $0x200, $0x38;
	[tilespmem:$0x1E800] =	vst v63  }
0x30: {  	[spmem:s10], [sflag:s9] =	dma.local [hbm:s14], $0x2780  }
0x31: {  	_ =	swait.ge [sflag:s12], $0x2780  }
0x32: {  	[sflag:s12] =	ssyncset.done $0x0  }
0x33: {  	[sflag:s12] =	ssyncadd.s32 $0xFFFFD880  }
0x34: {  	[bflag:$0x0] =	sbarrier.arrive $0xFFFF  }
0x35: {  	[tilespmem:s17], [sflag:$0x1] =	stream.indirect.gather [hbm4b:s1+s16], $0x80, s4, s16, $0xb8;
	[tilespmem:$0x1E800] =	vst v63  }
0x36: {  	s11 =	rddreg [dreg:$0xa]  }
0x37: {  	s15 =	smov.u32 s9;
	s9 =	simm.s32 $0x0;
	s10 =	rddreg [dreg:$0x9]  }
0x38: {  	[tilespmem:s18], [sflag:$0x1] =	stream.indirect.gather [hbm4b:s1+s16], $0x80, s16, s16, $0xb8;
	[tilespmem:$0x1E800] =	vst v63  }
.LBB2_2:
0x39: {  	_ =	swait.ge [sflag:s19], $0x200  }
0x3a: {  	[sflag:s19] =	ssyncset.done $0x0  }
0x3b: {  	[sflag:s19] =	ssyncadd.s32 $0xFFFFFE00  }
0x3c: {  	_ =	swait.ge [sflag:s20], $0x4000  }
0x3d: {  	p0 =	seq.s32 s9, $0x0;
	[sflag:s20] =	ssyncset.done $0x0  }
0x3e: {  	s8 =	simm.s32 @!p0 $0x6;
	[sflag:s20] =	ssyncadd.s32 $0xFFFFC000  }
0x3f: {  	_ =	swait.ge @!p0 [sflag:s8], $0x4000  }
0x40: {  	[sflag:s8] =	ssyncset.done @!p0 $0x0  }
0x41: {  	[sflag:s8] =	ssyncadd.s32 @!p0 $0xFFFFC000;
	s8 =	sshra.s32 s9, $0x2  }
0x42: {  	[tilespmem:s21], [sflag:$0x4] =	stream.linear.gather [hbm4b:s11+s4], $0x200, $0x38;
	[tilespmem:$0x1E800] =	vst v63  }
0x43: {  	s14 =	sadd.s32 $0x80, s8  }
0x44: {  	[tilespmem:s22], [sflag:$0x2] =	stream.indirect.gather [hbm4b:s1+s16], $0x80, s14, s16, $0xb8;
	[tilespmem:$0x1E800] =	vst v63  }
0x45: {  	s14 =	sadd.s32 $0xC0, s8  }
0x46: {  	[tilespmem:s23], [sflag:$0x2] =	stream.indirect.gather [hbm4b:s1+s16], $0x80, s14, s16, $0xb8;
	[tilespmem:$0x1E800] =	vst v63  }
0x47: {  	_ = 	snop  }
0x48: {  	[spmem:s3] =	stream.indirect.scatter.add.f32 [tilespmem:s17], [sflag:$0x5], $0x80, s13, s24, $0xb8;
	[tilespmem:$0x1E800] =	vst v63  }
0x49: {  	_ =	swait.ge [sflag:s25], $0x4000  }
0x4a: {  	[sflag:s25] =	ssyncset.done $0x0  }
0x4b: {  	[sflag:s25] =	ssyncadd.s32 $0xFFFFC000  }
0x4c: {  	_ =	swait.ge [sflag:s26], $0x4000  }
0x4d: {  	[sflag:s26] =	ssyncset.done $0x0  }
0x4e: {  	s14 =	sadd.s32 $0x100, s8;
	[sflag:s26] =	ssyncadd.s32 $0xFFFFC000  }
0x4f: {  	[tilespmem:s17], [sflag:$0x1] =	stream.indirect.gather [hbm4b:s1+s16], $0x80, s14, s16, $0xb8;
	[tilespmem:$0x1E800] =	vst v63  }
0x50: {  	s14 =	sadd.s32 $0x140, s8  }
0x51: {  	[tilespmem:s18], [sflag:$0x1] =	stream.indirect.gather [hbm4b:s1+s16], $0x80, s14, s16, $0xb8;
	[tilespmem:$0x1E800] =	vst v63  }
0x52: {  	_ = 	snop  }
0x53: {  	[spmem:s3] =	stream.indirect.scatter.add.f32 [tilespmem:s22], [sflag:$0x6], $0x80, s28, s24, $0xb8;
	[tilespmem:$0x1E800] =	vst v63  }
0x54: {  	_ =	swait.ge [sflag:s20], $0x4000  }
0x55: {  	[sflag:s20] =	ssyncset.done $0x0  }
0x56: {  	[sflag:s20] =	ssyncadd.s32 $0xFFFFC000  }
0x57: {  	_ =	swait.ge [sflag:s29], $0x4000  }
0x58: {  	[sflag:s29] =	ssyncset.done $0x0  }
0x59: {  	s14 =	sadd.s32 $0x180, s8;
	[sflag:s29] =	ssyncadd.s32 $0xFFFFC000  }
0x5a: {  	[tilespmem:s22], [sflag:$0x2] =	stream.indirect.gather [hbm4b:s1+s16], $0x80, s14, s16, $0xb8;
	[tilespmem:$0x1E800] =	vst v63  }
0x5b: {  	s14 =	sadd.s32 $0x1C0, s8  }
0x5c: {  	[tilespmem:s23], [sflag:$0x2] =	stream.indirect.gather [hbm4b:s1+s16], $0x80, s14, s16, $0xb8;
	[tilespmem:$0x1E800] =	vst v63  }
0x5d: {  	_ = 	snop  }
0x5e: {  	[spmem:s3] =	stream.indirect.scatter.add.f32 [tilespmem:s17], [sflag:$0x5], $0x80, s30, s24, $0xb8;
	[tilespmem:$0x1E800] =	vst v63  }
0x5f: {  	_ =	swait.ge [sflag:s25], $0x4000  }
0x60: {  	[sflag:s25] =	ssyncset.done $0x0  }
0x61: {  	[sflag:s25] =	ssyncadd.s32 $0xFFFFC000  }
0x62: {  	_ =	swait.ge [sflag:s26], $0x4000  }
0x63: {  	[sflag:s26] =	ssyncset.done $0x0  }
0x64: {  	s14 =	sadd.s32 $0x200, s8;
	[sflag:s26] =	ssyncadd.s32 $0xFFFFC000  }
0x65: {  	[tilespmem:s17], [sflag:$0x1] =	stream.indirect.gather [hbm4b:s1+s16], $0x80, s14, s16, $0xb8;
	[tilespmem:$0x1E800] =	vst v63  }
0x66: {  	s14 =	sadd.s32 $0x240, s8  }
0x67: {  	[tilespmem:s18], [sflag:$0x1] =	stream.indirect.gather [hbm4b:s1+s16], $0x80, s14, s16, $0xb8;
	[tilespmem:$0x1E800] =	vst v63  }
0x68: {  	_ = 	snop  }
0x69: {  	[spmem:s3] =	stream.indirect.scatter.add.f32 [tilespmem:s22], [sflag:$0x6], $0x80, s31, s24, $0xb8;
	[tilespmem:$0x1E800] =	vst v63  }
0x6a: {  	_ =	swait.ge [sflag:s20], $0x4000  }
0x6b: {  	[sflag:s20] =	ssyncset.done $0x0  }
0x6c: {  	[sflag:s20] =	ssyncadd.s32 $0xFFFFC000  }
0x6d: {  	_ =	swait.ge [sflag:s29], $0x4000  }
0x6e: {  	[sflag:s29] =	ssyncset.done $0x0  }
0x6f: {  	s14 =	sadd.s32 $0x280, s8;
	[sflag:s29] =	ssyncadd.s32 $0xFFFFC000  }
0x70: {  	[tilespmem:s22], [sflag:$0x2] =	stream.indirect.gather [hbm4b:s1+s16], $0x80, s14, s16, $0xb8;
	[tilespmem:$0x1E800] =	vst v63  }
0x71: {  	s14 =	sadd.s32 $0x2C0, s8  }
0x72: {  	[tilespmem:s23], [sflag:$0x2] =	stream.indirect.gather [hbm4b:s1+s16], $0x80, s14, s16, $0xb8;
	[tilespmem:$0x1E800] =	vst v63  }
0x73: {  	_ =	swait.ge [sflag:s2], $0x200  }
0x74: {  	[sflag:s2] =	ssyncset.done $0x0  }
0x75: {  	[sflag:s2] =	ssyncadd.s32 $0xFFFFFE00  }
0x76: {  	[spmem:s3] =	stream.indirect.scatter.add.f32 [tilespmem:s17], [sflag:$0x5], $0x80, s21, s24, $0xb8;
	[tilespmem:$0x1E800] =	vst v63  }
0x77: {  	_ =	swait.ge [sflag:s25], $0x4000  }
0x78: {  	[sflag:s25] =	ssyncset.done $0x0  }
0x79: {  	[sflag:s25] =	ssyncadd.s32 $0xFFFFC000  }
0x7a: {  	_ =	swait.ge [sflag:s26], $0x4000  }
0x7b: {  	[sflag:s26] =	ssyncset.done $0x0  }
0x7c: {  	s14 =	sadd.s32 $0x300, s8;
	[sflag:s26] =	ssyncadd.s32 $0xFFFFC000  }
0x7d: {  	[tilespmem:s17], [sflag:$0x1] =	stream.indirect.gather [hbm4b:s1+s16], $0x80, s14, s16, $0xb8;
	[tilespmem:$0x1E800] =	vst v63  }
0x7e: {  	s14 =	sadd.s32 $0x340, s8  }
0x7f: {  	[tilespmem:s18], [sflag:$0x1] =	stream.indirect.gather [hbm4b:s1+s16], $0x80, s14, s16, $0xb8;
	[tilespmem:$0x1E800] =	vst v63  }
0x80: {  	_ = 	snop  }
0x81: {  	[spmem:s3] =	stream.indirect.scatter.add.f32 [tilespmem:s22], [sflag:$0x6], $0x80, s0, s24, $0xb8;
	[tilespmem:$0x1E800] =	vst v63  }
0x82: {  	_ =	swait.ge [sflag:s20], $0x4000  }
0x83: {  	[sflag:s20] =	ssyncset.done $0x0  }
0x84: {  	[sflag:s20] =	ssyncadd.s32 $0xFFFFC000  }
0x85: {  	_ =	swait.ge [sflag:s29], $0x4000  }
0x86: {  	[sflag:s29] =	ssyncset.done $0x0  }
0x87: {  	s14 =	sadd.s32 $0x380, s8;
	[sflag:s29] =	ssyncadd.s32 $0xFFFFC000  }
0x88: {  	[tilespmem:s22], [sflag:$0x2] =	stream.indirect.gather [hbm4b:s1+s16], $0x80, s14, s16, $0xb8;
	[tilespmem:$0x1E800] =	vst v63  }
0x89: {  	s14 =	sadd.s32 $0x3C0, s8  }
0x8a: {  	[tilespmem:s23], [sflag:$0x2] =	stream.indirect.gather [hbm4b:s1+s16], $0x80, s14, s16, $0xb8;
	[tilespmem:$0x1E800] =	vst v63  }
0x8b: {  	_ = 	snop  }
0x8c: {  	[spmem:s3] =	stream.indirect.scatter.add.f32 [tilespmem:s17], [sflag:$0x5], $0x80, s5, s24, $0xb8;
	[tilespmem:$0x1E800] =	vst v63  }
0x8d: {  	p0 =	seq.s32 s9, $0x9000;
	_ =	swait.ge [sflag:s25], $0x4000  }
.Ltmp2:
0x8e: {  	[sflag:s25] =	ssyncset.done $0x0;
	(pc) =	sbr.rel @p0 .LBB2_4-.Ltmp2, $4  }
0x8f: {  	[sflag:s25] =	ssyncadd.s32 $0xFFFFC000  }
0x90: {  	_ =	swait.ge [sflag:s26], $0x4000  }
0x91: {  	[sflag:s26] =	ssyncset.done $0x0  }
0x92: {  	[sflag:s26] =	ssyncadd.s32 $0xFFFFC000  }
0x93: {  	s14 =	sadd.s32 $0x400, s8  }
0x94: {  	[tilespmem:s17], [sflag:$0x1] =	stream.indirect.gather [hbm4b:s1+s16], $0x80, s14, s16, $0xb8;
	[tilespmem:$0x1E800] =	vst v63  }
0x95: {  	s14 =	sadd.s32 $0x440, s8  }
0x96: {  	[tilespmem:s18], [sflag:$0x1] =	stream.indirect.gather [hbm4b:s1+s16], $0x80, s14, s16, $0xb8;
	[tilespmem:$0x1E800] =	vst v63  }
.Ltmp3:
0x97: {  	_ = 	snop;
	(pc) =	sbr.rel .LBB2_2-.Ltmp3, $4  }
0x98: {  	[spmem:s3] =	stream.indirect.scatter.add.f32 [tilespmem:s22], [sflag:$0x6], $0x80, s6, s24, $0xb8;
	[tilespmem:$0x1E800] =	vst v63  }
0x99: {  	_ = 	snop  }
0x9a: {  	[tilespmem:s13], [sflag:$0x3] =	stream.linear.gather [hbm4b:s10+s4], $0x200, $0x38;
	[tilespmem:$0x1E800] =	vst v63  }
0x9b: {  	s9 =	sadd.s32 $0x1000, s9;
	s11 =	sadd.s32 $0x80, s11;
	s10 =	sadd.s32 $0x80, s10  }
.LBB2_5:
0x9c: {  	_ =	sfence.sel $0x180000  }
0x9d: {  	[bflag:$0x0] =	sbarrier.arrive $0xFFFF  }
0x9e: {  	_ =	strace $0x9000004D  }
0x9f: {  	s0 =	stileid.u32;
	[bflag:$0x2] =	sbarrier.arrive $0xFFFF  }
0xa0: {  	p0 =	sne.s32 s0, $0x0;
	s0 =	rddreg [dreg:$0x3]  }
0xa1: {  	s0 =	sadd.s32 @!p0 $0x100000, s0  }
0xa2: {  	[sflag:s0] =	ssyncadd.tile.s32 @!p0 $0x1;
	_ =	shalt  }
.Lfunc_end2:
_tile_overlayer_lowered:
.L_overlay_start_2:
0xa3: {  	(tag) =	ssettag $0x2  }
0xa4: {  	s0 =	rddreg [dreg:$0x0];
	s2 =	stileid.u32  }
0xa5: {  	s1 =	rddreg [dreg:$0x1];
	p0 =	sne.s32 s2, $0x0  }
0xa6: {  	s3 =	rddreg [dreg:$0x2];
	[bflag:$0x3] =	sbarrier.arrive $0xFFFF;
	s2 =	simm.s32 @!p0 $0x1C07  }
0xa7: {  	[timem:s3], [sflag:s2] =	dma.local @!p0 [hbm:s0], s1  }
0xa8: {  	s0 =	simm.s32 @!p0 $0x7  }
0xa9: {  	_ =	swait.ge @!p0 [sflag:s0], s1  }
0xaa: {  	s1 =	ssub.s32 @!p0 $0x0, s1;
	[sflag:s0] =	ssyncset.done @!p0 $0x0  }
0xab: {  	[sflag:s0] =	ssyncadd.s32 @!p0 s1  }
0xac: {  	[bflag:$0x3] =	sbarrier.arrive $0xFFFF  }
0xad: {  	_ =	shalt  }

// kernel: kernel.7.cloned.1.call-start
scs
__scs_entry_jumppad:
0x0: {  	(pc) =	sbr.rel $0x88, $3  }
0x1: {  	(tag) =	ssettag $0x0;
	lr =	simm.s32 $0x1  }
0x2: {  	[smem:$0x3F99] =	sst lr;
	_ =	strace $0xD0000000  }
0x3: {  	_ = 	snop  }
0x4: {  	_ = 	snop  }
0x5: {  	_ = 	snop  }
0x6: {  	_ = 	snop  }
0x7: {  	_ = 	snop  }
__scs_overlays_trampoline_lowered:
0x8: {  	[smem:$0x3FA8] =	sst s0  }
0x9: {  	[smem:$0x3FA9] =	sst s1  }
0xa: {  	[smem:$0x3FAA] =	sst s2  }
0xb: {  	[smem:$0x3FAB] =	sst s3  }
0xc: {  	[smem:$0x3FAC] =	sst s4  }
0xd: {  	[smem:$0x3FAD] =	sst s5  }
0xe: {  	[smem:$0x3FAE] =	sst s6  }
0xf: {  	[smem:$0x3FAF] =	sst s7  }
0x10: {  	[smem:$0x3FB0] =	sst s8  }
0x11: {  	[smem:$0x3FB1] =	sst s9;
	s0 =	simm.s32 @!p0 $0x0  }
0x12: {  	s1 =	sld [smem:$0x3F97];
	s0 =	simm.s32 @p0 $0x1  }
0x13: {  	[smem:$0x3FB2] =	sst s0;
	s0 =	simm.s32 @!p1 $0x0  }
0x14: {  	s2 =	sld [smem:$0x3F96];
	s0 =	simm.s32 @p1 $0x1  }
0x15: {  	[smem:$0x3FB3] =	sst s0;
	s0 =	simm.s32 @!p2 $0x0  }
0x16: {  	s3 =	sld [smem:$0x3FDB];
	s0 =	simm.s32 @p2 $0x1  }
0x17: {  	s4 =	simm.s32 $0x1BF5;
	[smem:$0x3FB5] =	sst s0  }
0x18: {  	s0 =	sld [smem:$0x3F98];
	_ =	swait.ge [sflag:s4], $0x0  }
0x19: {  	s7 =	sld [smem:$0x3F99]  }
0x1a: {  	s8 =	sadd.s32 $0xFFFFE003, lr  }
0x1b: {  	s9 =	sadd.s32 $0xFFFFFEF7, lr;
	s5 =	simm.s32 $0xFFFFFFFF;
	p2 =	slt.u32 s8, $0xFFFFF086  }
0x1c: {  	p1 =	slt.u32 s9, $0xF7A;
	s5 =	simm.s32 @!p2 $0x0  }
0x1d: {  	s5 =	simm.s32 @p1 $0x1;
	p0 =	seq.s32 s7, s2  }
0x1e: {  	s7 =	smul.u32 @!p0 $0xF7A, s2;
	p2 =	seq.s32 @!p0 s5, $0x0  }
0x1f: {  	s9 =	smul.u32 $0xF7A, s1;
	s8 =	simm.s32 @!p0 $0x1BF5;
	p2 =	por !p2, p0  }
0x20: {  	[sflag:s8] =	ssyncset.s32 @!p0 $0xFFFFF086;
	s6 =	sadd.s32 @!p0 s3, s7;
	s7 =	simm.s32 @!p0 $0x108  }
0x21: {  	s3 =	sadd.s32 s3, s9;
	s6 =	sadd.s32 @!p0 $0x88, s6;
	s7 =	simm.s32 @p2 $0x1082  }
0x22: {  	[simem:s7], [sflag:s8] =	dma.local @!p0 [hbm:s6], $0xF7A  }
0x23: {  	s9 =	sor.u32 $0xD0000000, s2;
	s6 =	simm.s32 $0x108;
	_ =	swait.ge @!p0 [sflag:s8], $0x0  }
0x24: {  	s3 =	sadd.s32 $0x88, s3;
	s6 =	simm.s32 @!p1 $0x1082;
	[sflag:s4] =	ssyncset.s32 $0xFFFFF086  }
0x25: {  	[simem:s6], [sflag:s4] =	dma.local [hbm:s3], $0xF7A  }
0x26: {  	[smem:$0x3F99] =	sst s1;
	(tag) =	ssettag s2;
	_ =	strace s9  }
0x27: {  	s1 =	sld [smem:$0x3FA9]  }
0x28: {  	s2 =	sld [smem:$0x3FAA]  }
0x29: {  	s4 =	sld [smem:$0x3FAC]  }
0x2a: {  	p0 =	seq.s32 s5, $0x0;
	s5 =	sld [smem:$0x3FAD]  }
0x2b: {  	s6 =	sld [smem:$0x3FAE]  }
0x2c: {  	s7 =	sld [smem:$0x3FAF]  }
0x2d: {  	s3 =	simm.s32 $0x108;
	s8 =	sld [smem:$0x3FB0]  }
0x2e: {  	s3 =	simm.s32 @!p0 $0x1082;
	s9 =	sld [smem:$0x3FB1]  }
0x2f: {  	lr =	sadd.s32 s0, s3;
	s0 =	sld [smem:$0x3FA8]  }
0x30: {  	s3 =	sld [smem:$0x3FAB]  }
0x31: {  	[smem:$0x3FB4] =	sst s10  }
0x32: {  	s10 =	sld [smem:$0x3FB2];
	_ =	sdelay $0x3  }
0x33: {  	p0 =	seq.s32 s10, $0x1;
	s10 =	sld [smem:$0x3FB4];
	_ =	sdelay $0x3  }
0x34: {  	[smem:$0x3FB4] =	sst s10  }
0x35: {  	s10 =	sld [smem:$0x3FB3];
	_ =	sdelay $0x3  }
0x36: {  	p1 =	seq.s32 s10, $0x1;
	s10 =	sld [smem:$0x3FB4];
	_ =	sdelay $0x3  }
0x37: {  	[smem:$0x3FB4] =	sst s10  }
0x38: {  	s10 =	sld [smem:$0x3FB5]  }
0x39: {  	_ = 	snop;
	(pc) =	sbr.ind lr, $3  }
0x3a: {  	_ = 	snop  }
0x3b: {  	_ = 	snop  }
0x3c: {  	p2 =	seq.s32 s10, $0x1;
	s10 =	sld [smem:$0x3FB4]  }
0x3d: {  	_ =	shalt  }
0x3e: {  	_ =	shalt  }
0x3f: {  	_ =	shalt  }
0x40: {  	_ =	shalt  }
0x41: {  	_ =	shalt  }
0x42: {  	_ =	shalt  }
0x43: {  	_ =	shalt  }
0x44: {  	_ =	shalt  }
0x45: {  	_ =	shalt  }
0x46: {  	_ =	shalt  }
0x47: {  	_ =	shalt  }
0x48: {  	_ =	shalt  }
0x49: {  	_ =	shalt  }
0x4a: {  	_ =	shalt  }
0x4b: {  	_ =	shalt  }
0x4c: {  	_ =	shalt  }
0x4d: {  	_ =	shalt  }
0x4e: {  	_ =	shalt  }
0x4f: {  	_ =	shalt  }
0x50: {  	_ =	shalt  }
0x51: {  	_ =	shalt  }
0x52: {  	_ =	shalt  }
0x53: {  	_ =	shalt  }
0x54: {  	_ =	shalt  }
0x55: {  	_ =	shalt  }
0x56: {  	_ =	shalt  }
0x57: {  	_ =	shalt  }
0x58: {  	_ =	shalt  }
0x59: {  	_ =	shalt  }
0x5a: {  	_ =	shalt  }
0x5b: {  	_ =	shalt  }
0x5c: {  	_ =	shalt  }
0x5d: {  	_ =	shalt  }
0x5e: {  	_ =	shalt  }
0x5f: {  	_ =	shalt  }
0x60: {  	_ =	shalt  }
0x61: {  	_ =	shalt  }
0x62: {  	_ =	shalt  }
0x63: {  	_ =	shalt  }
0x64: {  	_ =	shalt  }
0x65: {  	_ =	shalt  }
0x66: {  	_ =	shalt  }
0x67: {  	_ =	shalt  }
0x68: {  	_ =	shalt  }
0x69: {  	_ =	shalt  }
0x6a: {  	_ =	shalt  }
0x6b: {  	_ =	shalt  }
0x6c: {  	_ =	shalt  }
0x6d: {  	_ =	shalt  }
0x6e: {  	_ =	shalt  }
0x6f: {  	_ =	shalt  }
0x70: {  	_ =	shalt  }
0x71: {  	_ =	shalt  }
0x72: {  	_ =	shalt  }
0x73: {  	_ =	shalt  }
0x74: {  	_ =	shalt  }
0x75: {  	_ =	shalt  }
0x76: {  	_ =	shalt  }
0x77: {  	_ =	shalt  }
0x78: {  	_ =	shalt  }
0x79: {  	_ =	shalt  }
0x7a: {  	_ =	shalt  }
0x7b: {  	_ =	shalt  }
0x7c: {  	_ =	shalt  }
0x7d: {  	_ =	shalt  }
0x7e: {  	_ =	shalt  }
0x7f: {  	_ =	shalt  }
0x80: {  	_ =	shalt  }
0x81: {  	_ =	shalt  }
0x82: {  	_ =	shalt  }
0x83: {  	_ =	shalt  }
0x84: {  	_ =	shalt  }
0x85: {  	_ =	shalt  }
0x86: {  	_ =	shalt  }
0x87: {  	_ =	shalt  }
.Lfunc_end0:
.L_simem_size_0:
called_computation_lowered:
.L_overlay_start_0:
0x88: {  	s2 =	sld [smem:$0x3FD9]  }
0x89: {  	s3 =	sld [smem:$0x3FFE];
	_ =	sdelay $0x1  }
0x8a: {  	s1 =	srdreg.scid  }
0x8b: {  	s0 =	sand.u32 $0x1, s1  }
0x8c: {  	s17 =	sshll.u32 s0, $0xA;
	s2 =	sadd.s32 s3, s2  }
0x8d: {  	s2 =	sadd.s32 s2, s17  }
0x8e: {  	[smem:$0x3FC0] =	sst s2  }
0x8f: {  	_ = 	snop  }
0x90: {  	s2 =	sld [smem:$0x3FD0];
	(tm) =	ssettm $0x1  }
0x91: {  	s18 =	sld [smem:$0x3FFB];
	_ =	sdelay $0x3  }
0x92: {  	_ =	strace s18  }
0x93: {  	s3 =	sld [smem:$0x3FFC];
	_ =	sdelay $0x3  }
0x94: {  	_ =	strace s3  }
0x95: {  	s3 =	sld [smem:$0x3FFD];
	_ =	sdelay $0x3  }
0x96: {  	_ =	strace s3  }
0x97: {  	_ =	strace $0x8FFFFFFF  }
0x98: {  	s19 =	sld [smem:$0x3FDB];
	_ =	sdelay $0x1  }
0x99: {  	s4 =	simm.s32 $_scs_section_size  }
0x9a: {  	s5 =	simm.s32 $_size__tile_overlayer_lowered;
	s6 =	simm.s32 $_tile_overlayer_lowered  }
0x9b: {  	s22 =	simm.s32 $0x1BFF;
	s21 =	sshll.u32 s6, $0x1;
	s3 =	sadd.s32 s4, s19  }
0x9c: {  	s7 =	simm.s32 $0x0;
	s20 =	sshll.u32 s5, $0x1;
	s5 =	sadd.s32 s21, s3  }
0x9d: {  	[timem:s7], [sflag:s22] =	dma.local [hbm:s5], s20  }
0x9e: {  	_ =	swait.ge [sflag:s22], s20  }
0x9f: {  	s4 =	ssub.s32 $0x0, s20;
	[sflag:s22] =	ssyncset.done $0x0  }
0xa0: {  	[sflag:s22] =	ssyncadd.s32 s4;
	_ =	sdelay $0x1  }
0xa1: {  	s23 =	simm.s32 $0x1B8B  }
0xa2: {  	_ =	swait.ge [sflag:s23], $0x1  }
0xa3: {  	[sflag:s23] =	ssyncset.done $0x0  }
0xa4: {  	s25 =	simm.s32 $0x1B8E;
	s24 =	sld [smem:$0x3FFE];
	[sflag:s23] =	ssyncadd.s32 $0xFFFFFFFF  }
0xa5: {  	s26 =	simm.s32 $execute0_lowered;
	[smem:$0x3FD2] =	sst s25  }
0xa6: {  	s5 =	sshll.u32 s26, $0x1;
	_ =	strace $0x80000046;
	[dreg:$0x1] =	wrdreg $0xFFFFFFFF  }
0xa7: {  	s28 =	simm.s32 $_size_execute0_lowered;
	s3 =	sadd.s32 s3, s5;
	[dreg:$0x0] =	wrdreg $0x0  }
0xa8: {  	s5 =	sshll.u32 s28, $0x1;
	[dreg:$0x2] =	wrdreg s3  }
0xa9: {  	[dreg:$0x3] =	wrdreg s5  }
0xaa: {  	[dreg:$0x4] =	wrdreg $0xC0  }
0xab: {  	_ =	task [dreg:s7], $0x5FFFF  }
0xac: {  	[dreg:$0x1] =	wrdreg $0xFFFFFFFF  }
0xad: {  	[dreg:$0x0] =	wrdreg $0x60  }
0xae: {  	[dreg:$0x2] =	wrdreg s2  }
0xaf: {  	[dreg:$0x3] =	wrdreg s24  }
0xb0: {  	[dreg:$0x4] =	wrdreg $0x68000  }
0xb1: {  	[dreg:$0x5] =	wrdreg $0x9  }
0xb2: {  	_ =	task.clear_ibuf [dreg:s7], $0x6FFFF;
	_ =	strace $0x90000046  }
0xb3: {  	s29 =	simm.s32 $0x9;
	_ =	strace $0x80000048  }
0xb4: {  	_ =	swait.ge [sflag:s29], $0x1  }
0xb5: {  	[sflag:s29] =	ssyncadd.s32 $0xFFFFFFFF  }
0xb6: {  	_ =	strace $0x90000048  }
0xb7: {  	_ =	sfence  }
0xb8: {  	s30 =	sld [smem:$0x0];
	_ =	sdelay $0x2  }
0xb9: {  	s31 =	sshll.u32 s1, $0xD;
	s1 =	sshrl.u32 s1, $0x2  }
0xba: {  	s3 =	sand.u32 $0x4000, s31;
	s1 =	sadd.s32 s1, s30  }
0xbb: {  	s0 =	sor.u32 s3, s0;
	s1 =	sshll.u32 s1, $0x11  }
0xbc: {  	s0 =	sor.u32 s1, s0  }
0xbd: {  	s0 =	sadd.s32 $0x8F2B, s0  }
0xbe: {  	[sflag:s0] =	ssyncadd.remote.s32 $0x1  }
0xbf: {  	_ =	sfence.sel $0xFFFF  }
0xc0: {  	[dreg:$0x0] =	wrdreg $0xFFFFFFFF;
	(pc) =	sbr.abs _section_cstart, $3  }
0xc1: {  	[dreg:$0x1] =	wrdreg $0xFFFFFFFF  }
0xc2: {  	_ =	task.clear_ibuf [dreg:s7], $0x2FFFF;
	_ =	strace $0x9FFFFFFF  }
0xc3: {  	(tm) =	ssettm $0x7FFFFFFF  }
tec
execute0_lowered:
.L_overlay_start_1:
0x0: {  	(tag) =	ssettag $0x1  }
0x1: {  	s5 =	rddreg [dreg:$0x0]  }
0x2: {  	s6 =	rddreg [dreg:$0x1]  }
0x3: {  	s2 =	rddreg [dreg:$0x2]  }
0x4: {  	s0 =	rddreg [dreg:$0x3]  }
0x5: {  	s1 =	stileid.u32;
	s4 =	srdreg.scid  }
0x6: {  	s3 =	simm.s32 $0x0;
	s12 =	simm.s32 $0x2800;
	s13 =	simm.s32 $0x80  }
0x7: {  	s14 =	simm.s32 $0x1;
	s15 =	simm.s32 $0x0;
	s7 =	smul.u32 $0x13C00, s1  }
0x8: {  	s4 =	sand.u32 $0x1, s4;
	[smem:$0x7FF] =	sst s3;
	s11 =	smul.u32 $0x4F000, s1  }
0x9: {  	s31 =	sshll.u32 s1, $0x6;
	s8 =	smul.u32 $0x13C000, s4;
	s9 =	sshll.u32 s4, $0x4  }
0xa: {  	_ =	strace $0x80000047;
	s28 =	ssub.s32 $0x2, s4;
	s4 =	sadd.s32 $0x2000, s6  }
0xb: {  	s10 =	sshrl.u32 s7, $0x3;
	s9 =	sor.u32 s1, s9;
	s29 =	sshrl.u32 s28, $0x1  }
0xc: {  	s30 =	sshrl.u32 s11, $0x2;
	s10 =	sadd.s32 s10, s6;
	s7 =	sadd.s32 s7, s8  }
0xd: {  	s26 =	smul.u32 $0x500, s9;
	s9 =	ssub.s32 s28, s29;
	s11 =	sadd.s32 s30, s2  }
0xe: {  	s7 =	sshrl.u32 s7, $0x3;
	s8 =	smax.u32 s9, $0x1;
	s9 =	simm.s32 $0x2  }
0xf: {  	s11 =	sshrl.u32 s11, $0x3;
	s7 =	sadd.s32 s7, s6;
	s5 =	sadd.s32 s5, s26  }
0x10: {  	s6 =	sadd.s32 $0x2800, s10;
	s10 =	sor.u32 $0x1C02, s31;
	s7 =	sadd.s32 $0x2A000, s7  }
.LBB2_1:
0x11: {  	[tilespmem:s3], [sflag:$0x2] =	stream.linear.gather [hbm4b:s5+s3], $0x2800, $0x38;
	[tilespmem:$0x1A400] =	vst v63  }
0x12: {  	_ =	swait.ge [sflag:s9], $0x2800  }
0x13: {  	[sflag:s9] =	ssyncset.done $0x0  }
0x14: {  	[sflag:s9] =	ssyncadd.s32 $0xFFFFD800  }
0x15: {  	[spmem:s11], [sflag:s10] =	dma.local [hbm:s6], $0x2780  }
0x16: {  	_ =	swait.ge [sflag:s9], $0x2780  }
0x17: {  	[sflag:s9] =	ssyncset.done $0x0  }
0x18: {  	[sflag:s9] =	ssyncadd.s32 $0xFFFFD880  }
0x19: {  	[tilespmem:s12], [sflag:$0x2] =	stream.linear.gather [hbm4b:s4+s3], $0x4000, $0x38;
	[tilespmem:$0x1A400] =	vst v63  }
0x1a: {  	_ =	swait.ge [sflag:s9], $0x4000  }
0x1b: {  	[sflag:s9] =	ssyncset.done $0x0  }
0x1c: {  	p0 =	por $0x1, $0x1;
	[sflag:s9] =	ssyncadd.s32 $0xFFFFC000  }
0x1d: {  	s18 =	simm.s32 @!p0 $0x1;
	[bflag:$0x0] =	sbarrier.arrive $0xFFFF  }
0x1e: {  	[spmem:s2] =	stream.indirect.scatter.add.f32 [tilespmem:s12], [sflag:$0x1], $0x80, s3, s13, $0xb8;
	[tilespmem:$0x1A400] =	vst v63  }
0x1f: {  	_ =	swait.ge @!p0 [sflag:s18], $0x4000  }
0x20: {  	s16 =	simm.s32 $0x1;
	s17 =	simm.s32 $0x0;
	[sflag:s18] =	ssyncset.done @!p0 $0x0  }
.LBB2_2:
0x21: {  	[sflag:s18] =	ssyncadd.s32 @!p0 $0xFFFFC000  }
0x22: {  	s17 =	sadd.s32 $0x80, s17;
	s18 =	smov.u32 s16;
	s16 =	sadd.s32 $0x1, s16  }
0x23: {  	p1 =	sne.s32 s16, $0x50  }
0x24: {  	[spmem:s2] =	stream.indirect.scatter.add.f32 [tilespmem:s12], [sflag:$0x1], $0x80, s17, s13, $0xb8;
	[tilespmem:$0x1A400] =	vst v63  }
.Ltmp0:
0x25: {  	_ = 	snop;
	(pc) =	sbr.rel @p1 .LBB2_2-.Ltmp0, $4  }
0x26: {  	p0 =	slt.u32 s18, $0x8  }
0x27: {  	s18 =	simm.s32 @!p0 $0x1  }
0x28: {  	_ =	swait.ge @!p0 [sflag:s18], $0x4000  }
0x29: {  	[sflag:s18] =	ssyncset.done @!p0 $0x0  }
0x2a: {  	[sflag:s18] =	ssyncadd.s32 @!p0 $0xFFFFC000  }
0x2b: {  	_ =	swait.ge [sflag:s14], $0x4000  }
0x2c: {  	[sflag:s14] =	ssyncset.done $0x0  }
0x2d: {  	[sflag:s14] =	ssyncadd.s32 $0xFFFFC000  }
0x2e: {  	_ =	swait.ge [sflag:s14], $0x4000  }
0x2f: {  	[sflag:s14] =	ssyncset.done $0x0  }
0x30: {  	[sflag:s14] =	ssyncadd.s32 $0xFFFFC000  }
0x31: {  	_ =	swait.ge [sflag:s14], $0x4000  }
0x32: {  	[sflag:s14] =	ssyncset.done $0x0  }
0x33: {  	[sflag:s14] =	ssyncadd.s32 $0xFFFFC000  }
0x34: {  	_ =	swait.ge [sflag:s14], $0x4000  }
0x35: {  	[sflag:s14] =	ssyncset.done $0x0  }
0x36: {  	[sflag:s14] =	ssyncadd.s32 $0xFFFFC000  }
0x37: {  	_ =	swait.ge [sflag:s14], $0x4000  }
0x38: {  	[sflag:s14] =	ssyncset.done $0x0  }
0x39: {  	[sflag:s14] =	ssyncadd.s32 $0xFFFFC000  }
0x3a: {  	_ =	swait.ge [sflag:s14], $0x4000  }
0x3b: {  	[sflag:s14] =	ssyncset.done $0x0  }
0x3c: {  	[sflag:s14] =	ssyncadd.s32 $0xFFFFC000  }
0x3d: {  	_ =	swait.ge [sflag:s14], $0x4000  }
0x3e: {  	[sflag:s14] =	ssyncset.done $0x0  }
0x3f: {  	[sflag:s14] =	ssyncadd.s32 $0xFFFFC000  }
0x40: {  	_ =	swait.ge [sflag:s14], $0x4000  }
0x41: {  	s15 =	sadd.s32 $0x1, s15;
	[sflag:s14] =	ssyncset.done $0x0  }
0x42: {  	p0 =	sne.s32 s15, s8;
	[sflag:s14] =	ssyncadd.s32 $0xFFFFC000  }
.Ltmp1:
0x43: {  	[bflag:$0x0] =	sbarrier.arrive $0xFFFF;
	(pc) =	sbr.rel @p0 .LBB2_1-.Ltmp1, $4  }
0x44: {  	[hbm:s7], [sflag:s10] =	dma.local [spmem:s11], $0x2780  }
0x45: {  	_ =	swait.ge [sflag:s9], $0x2780  }
0x46: {  	[sflag:s9] =	ssyncset.done $0x0  }
0x47: {  	[sflag:s9] =	ssyncadd.s32 $0xFFFFD880  }
0x48: {  	_ =	sfence.sel $0x180000  }
0x49: {  	[bflag:$0x0] =	sbarrier.arrive $0xFFFF  }
0x4a: {  	p0 =	sne.s32 s1, $0x0;
	_ =	strace $0x90000047  }
0x4b: {  	s0 =	sadd.s32 @!p0 $0x100000, s0;
	[bflag:$0x2] =	sbarrier.arrive $0xFFFF  }
0x4c: {  	[sflag:s0] =	ssyncadd.tile.s32 @!p0 $0x1;
	_ =	shalt  }
.Lfunc_end2:
_tile_overlayer_lowered:
.L_overlay_start_2:
0x4d: {  	(tag) =	ssettag $0x2  }
0x4e: {  	s0 =	rddreg [dreg:$0x0];
	s2 =	stileid.u32  }
0x4f: {  	s1 =	rddreg [dreg:$0x1];
	p0 =	sne.s32 s2, $0x0  }
0x50: {  	s3 =	rddreg [dreg:$0x2];
	[bflag:$0x3] =	sbarrier.arrive $0xFFFF;
	s2 =	simm.s32 @!p0 $0x1C02  }
0x51: {  	[timem:s3], [sflag:s2] =	dma.local @!p0 [hbm:s0], s1  }
0x52: {  	s0 =	simm.s32 @!p0 $0x2  }
0x53: {  	_ =	swait.ge @!p0 [sflag:s0], s1  }
0x54: {  	s1 =	ssub.s32 @!p0 $0x0, s1;
	[sflag:s0] =	ssyncset.done @!p0 $0x0  }
0x55: {  	[sflag:s0] =	ssyncadd.s32 @!p0 s1  }
0x56: {  	[bflag:$0x3] =	sbarrier.arrive $0xFFFF  }
0x57: {  	_ =	shalt  }

</sc_bundles>
